<compile_context>
chip_gen: v7x
topology: tpu7x:2x2x1
jax: 0.10.2.dev20260603
libtpu: 0.0.44.dev20260713+nightly
codegen_flags: <defaults>
</compile_context>

<pallas_src>
import functools

import jax
import jax.numpy as jnp
from jax import lax
from jax.experimental import pallas as pl
from jax.experimental.pallas import tpu as pltpu
from jax.experimental.pallas import tpu_sc as plsc

_LN_EPS = 1e-5


def _sc_gather(table, ids_flat, n_tokens, hidden, chunk=64):
    info = plsc.get_sparse_core_info()
    nc, ns = info.num_cores, info.num_subcores
    nw = nc * ns
    per_w = n_tokens // nw
    n_chunks = per_w // chunk
    mesh = plsc.VectorSubcoreMesh(core_axis_name="c", subcore_axis_name="s")

    @functools.partial(
        pl.kernel,
        out_type=jax.ShapeDtypeStruct((n_tokens, hidden), jnp.float32),
        mesh=mesh,
        scratch_types=[
            pltpu.VMEM((chunk,), jnp.int32),
            pltpu.VMEM((chunk,), jnp.int32),
            pltpu.VMEM((chunk, hidden), jnp.float32),
            pltpu.VMEM((chunk, hidden), jnp.float32),
            pltpu.SemaphoreType.DMA,
            pltpu.SemaphoreType.DMA,
        ],
    )
    def gather_k(ids_hbm, table_hbm, out_hbm, idx0, idx1, rows0, rows1, sem0, sem1):
        wid = lax.axis_index("s") * nc + lax.axis_index("c")
        base = wid * per_w
        idxs = (idx0, idx1)
        rows = (rows0, rows1)
        sems = (sem0, sem1)
        pltpu.sync_copy(ids_hbm.at[pl.ds(base, chunk)], idx0)
        copies = [pltpu.async_copy(table_hbm.at[idx0], rows0, sem0)]
        for it in range(n_chunks):
            cur = it % 2
            nxt = (it + 1) % 2
            if it + 1 < n_chunks:
                pltpu.sync_copy(
                    ids_hbm.at[pl.ds(base + (it + 1) * chunk, chunk)], idxs[nxt]
                )
                copies.append(
                    pltpu.async_copy(table_hbm.at[idxs[nxt]], rows[nxt], sems[nxt])
                )
            copies[it].wait()
            pltpu.sync_copy(rows[cur], out_hbm.at[pl.ds(base + it * chunk, chunk)])

    return gather_k(ids_flat, table)


def _ln_body(tok_ref, tid_ref, pos_ref, typ_ref, g_ref, b_ref, out_ref):
    x = tok_ref[0]
    tid = tid_ref[0, 0]
    t0 = typ_ref[0]
    t1 = typ_ref[1]
    m = (tid == 1).astype(jnp.float32)[:, None]
    x = x + pos_ref[...] + t0[None, :] + m * (t1 - t0)[None, :]
    mean = jnp.mean(x, axis=-1, keepdims=True)
    xc = x - mean
    var = jnp.mean(xc * xc, axis=-1, keepdims=True)
    y = xc * lax.rsqrt(var + _LN_EPS)
    out_ref[0] = y * g_ref[0][None, :] + b_ref[0][None, :]


def kernel(input_ids, token_type_ids, token_table, pos_table, type_table, ln_gamma, ln_beta):
    b, s = input_ids.shape
    _, h = token_table.shape
    n = b * s
    ids_flat = input_ids.reshape(n).astype(jnp.int32)
    tok_flat = _sc_gather(token_table, ids_flat, n, h)
    tok = tok_flat.reshape(b, s, h)

    tb = 512
    nj = s // tb
    tid3 = token_type_ids.astype(jnp.int32).reshape(b * nj, 1, tb)
    g2 = ln_gamma.reshape(1, h)
    b2 = ln_beta.reshape(1, h)
    out = pl.pallas_call(
        _ln_body,
        grid=(b, nj),
        in_specs=[
            pl.BlockSpec((1, tb, h), lambda bi, j: (bi, j, 0)),
            pl.BlockSpec((1, 1, tb), lambda bi, j: (bi * nj + j, 0, 0)),
            pl.BlockSpec((tb, h), lambda bi, j: (j, 0)),
            pl.BlockSpec((2, h), lambda bi, j: (0, 0)),
            pl.BlockSpec((1, h), lambda bi, j: (0, 0)),
            pl.BlockSpec((1, h), lambda bi, j: (0, 0)),
        ],
        out_specs=pl.BlockSpec((1, tb, h), lambda bi, j: (bi, j, 0)),
        out_shape=jax.ShapeDtypeStruct((b, s, h), jnp.float32),
    )(tok, tid3, pos_table, type_table, g2, b2)
    return out

# --- scband reference (transcript-rebuilt; emitter-appended) ---
"""Pipeline reference for scband-bert-embedding-31980326486691 (READ-ONLY COPY).

The authoritative reference and input builder live on the scoring server;
editing this copy changes nothing except your own understanding.
"""

import jax, jax.numpy as jnp
import numpy as np

VOCAB_SIZE = 100000
HIDDEN_SIZE = 768
MAX_POS = 8192
TYPE_VOCAB = 2
BATCH = 4
SEQ = 8192
LN_EPS = 1e-5


def setup_inputs(seed: int = 0) -> dict:
    key = jax.random.key(seed)
    k1, k2, k3, k4, k5 = jax.random.split(key, 5)
    input_ids = jax.random.randint(k1, (BATCH, SEQ), 0, VOCAB_SIZE, dtype=jnp.int64 if jax.config.jax_enable_x64 else jnp.int32)
    token_type_ids = jax.random.randint(k2, (BATCH, SEQ), 0, TYPE_VOCAB, dtype=jnp.int64 if jax.config.jax_enable_x64 else jnp.int32)
    token_table = jax.random.normal(k3, (VOCAB_SIZE, HIDDEN_SIZE), dtype=jnp.float32) * 0.02
    pos_table = jax.random.normal(k4, (MAX_POS, HIDDEN_SIZE), dtype=jnp.float32) * 0.02
    type_table = jax.random.normal(k5, (TYPE_VOCAB, HIDDEN_SIZE), dtype=jnp.float32) * 0.02
    ln_gamma = jnp.ones((HIDDEN_SIZE,), dtype=jnp.float32)
    ln_beta = jnp.zeros((HIDDEN_SIZE,), dtype=jnp.float32)
    return {
        'input_ids': input_ids,
        'token_type_ids': token_type_ids,
        'token_table': token_table,
        'pos_table': pos_table,
        'type_table': type_table,
        'ln_gamma': ln_gamma,
        'ln_beta': ln_beta,
    }


def reference(input_ids, token_type_ids, token_table, pos_table, type_table, ln_gamma, ln_beta):
    # token embedding gather
    tok = jnp.take(token_table, input_ids, axis=0)            # [B, S, H]
    # position embedding: positions 0..S-1, broadcast over batch
    positions = jnp.arange(input_ids.shape[1])
    pos = jnp.take(pos_table, positions, axis=0)[None, :, :]  # [1, S, H]
    # token type embedding gather
    typ = jnp.take(type_table, token_type_ids, axis=0)        # [B, S, H]
    x = tok + pos + typ
    # LayerNorm over last dim (eps matches torch default 1e-5)
    mean = jnp.mean(x, axis=-1, keepdims=True)
    var = jnp.mean(jnp.square(x - mean), axis=-1, keepdims=True)
    x = (x - mean) * jax.lax.rsqrt(var + LN_EPS)
    x = x * ln_gamma + ln_beta
    # Dropout with p=0.0 in eval semantics -> identity
    return x

if __name__ == "__main__":
    import jax
    _d = setup_inputs()
    print(jax.jit(kernel)(*tuple(_d.values())))

</pallas_src>

<mosaic_0001>
#map = affine_map<(d0, d1) -> (0)>
#map1 = affine_map<(d0, d1) -> (0, 0)>
module attributes {stable_mosaic.version = 14 : i64} {
  func.func @gather_k(%arg0: i32, %arg1: i32, %arg2: memref<32768xi32, #tpu.memory_space<hbm>>, %arg3: memref<100000x768xf32, #tpu.memory_space<hbm>>, %arg4: memref<32768x768xf32, #tpu.memory_space<hbm>>, %arg5: memref<64xi32, #tpu.memory_space<vmem>>, %arg6: memref<64xi32, #tpu.memory_space<vmem>>, %arg7: memref<64x768xf32, #tpu.memory_space<vmem>>, %arg8: memref<64x768xf32, #tpu.memory_space<vmem>>, %arg9: memref<!tpu.dma_semaphore, #tpu.memory_space<semaphore_mem>>, %arg10: memref<!tpu.dma_semaphore, #tpu.memory_space<semaphore_mem>>) attributes {dimension_semantics = [#tpu.dimension_semantics<core_parallel>, #tpu.dimension_semantics<subcore_parallel>], iteration_bounds = array<i64: 2, 16>, scalar_prefetch = 0 : i64, scratch_operands = 6 : i64, tpu.core_type = #tpu.core_type<sc_vector_subcore>, window_params = [{transform_indices = #map}, {transform_indices = #map1}, {transform_indices = #map1}]} {
    %mul3A = arith.constant 2 : i32
    %mul3A_0 = arith.muli %arg1, %mul3A : i32
    %add3A = arith.addi %mul3A_0, %arg0 : i32
    %mul3A_1 = arith.constant 1024 : i32
    %mul3A_2 = arith.muli %add3A, %mul3A_1 : i32
    "tpu.region"() ({
      %run_scoped3A = tpu.sem_alloc : memref<!tpu.dma_semaphore, #tpu.memory_space<semaphore_mem>>
      %dma_start3A_159 = tpu.memref_slice %arg2[%mul3A_2] : memref<32768xi32, #tpu.memory_space<hbm>> -> memref<64xi32, #tpu.memory_space<hbm>>
      %dma_start3A_160 = tpu.memref_slice %arg2[%mul3A_2] : memref<32768xi32, #tpu.memory_space<hbm>> -> memref<64xi32, #tpu.memory_space<hbm>>
      tpu.enqueue_dma source(%dma_start3A_160 : memref<64xi32, #tpu.memory_space<hbm>>) target(%arg5 : memref<64xi32, #tpu.memory_space<vmem>>) target_semaphore(%run_scoped3A : memref<!tpu.dma_semaphore, #tpu.memory_space<semaphore_mem>>)
      %dma_wait3A_161 = tpu.memref_slice %arg2[%mul3A_2] : memref<32768xi32, #tpu.memory_space<hbm>> -> memref<64xi32, #tpu.memory_space<hbm>>
      %dma_wait3A_162 = tpu.memref_slice %arg2[%mul3A_2] : memref<32768xi32, #tpu.memory_space<hbm>> -> memref<64xi32, #tpu.memory_space<hbm>>
      tpu.wait_dma2 semaphore(%run_scoped3A : memref<!tpu.dma_semaphore, #tpu.memory_space<semaphore_mem>>) src(%dma_wait3A_162 : memref<64xi32, #tpu.memory_space<hbm>>) dst(%arg5 : memref<64xi32, #tpu.memory_space<vmem>>)
      tpu.yield
    }) : () -> ()
    %dma_start3A = arith.constant 0 : i32
    %dma_start3A_3 = arith.constant 0 : i32
    %dma_start3A_4 = tpu.memref_slice %arg3[%dma_start3A, %dma_start3A_3] : memref<100000x768xf32, #tpu.memory_space<hbm>> -> memref<100000x768xf32, #tpu.memory_space<hbm>>
    tpu.enqueue_indirect_dma source(%dma_start3A_4 : memref<100000x768xf32, #tpu.memory_space<hbm>>) target(%arg7 : memref<64x768xf32, #tpu.memory_space<vmem>>) offsets(%arg5 : memref<64xi32, #tpu.memory_space<vmem>>) semaphore(%arg9 : memref<!tpu.dma_semaphore, #tpu.memory_space<semaphore_mem>>)
    %add3A_5 = arith.constant 64 : i32
    %add3A_6 = arith.addi %mul3A_2, %add3A_5 : i32
    "tpu.region"() ({
      %run_scoped3A = tpu.sem_alloc : memref<!tpu.dma_semaphore, #tpu.memory_space<semaphore_mem>>
      %dma_start3A_159 = tpu.memref_slice %arg2[%add3A_6] : memref<32768xi32, #tpu.memory_space<hbm>> -> memref<64xi32, #tpu.memory_space<hbm>>
      %dma_start3A_160 = tpu.memref_slice %arg2[%add3A_6] : memref<32768xi32, #tpu.memory_space<hbm>> -> memref<64xi32, #tpu.memory_space<hbm>>
      tpu.enqueue_dma source(%dma_start3A_160 : memref<64xi32, #tpu.memory_space<hbm>>) target(%arg6 : memref<64xi32, #tpu.memory_space<vmem>>) target_semaphore(%run_scoped3A : memref<!tpu.dma_semaphore, #tpu.memory_space<semaphore_mem>>)
      %dma_wait3A_161 = tpu.memref_slice %arg2[%add3A_6] : memref<32768xi32, #tpu.memory_space<hbm>> -> memref<64xi32, #tpu.memory_space<hbm>>
      %dma_wait3A_162 = tpu.memref_slice %arg2[%add3A_6] : memref<32768xi32, #tpu.memory_space<hbm>> -> memref<64xi32, #tpu.memory_space<hbm>>
      tpu.wait_dma2 semaphore(%run_scoped3A : memref<!tpu.dma_semaphore, #tpu.memory_space<semaphore_mem>>) src(%dma_wait3A_162 : memref<64xi32, #tpu.memory_space<hbm>>) dst(%arg6 : memref<64xi32, #tpu.memory_space<vmem>>)
      tpu.yield
    }) : () -> ()
    %dma_start3A_7 = arith.constant 0 : i32
    %dma_start3A_8 = arith.constant 0 : i32
    %dma_start3A_9 = tpu.memref_slice %arg3[%dma_start3A_7, %dma_start3A_8] : memref<100000x768xf32, #tpu.memory_space<hbm>> -> memref<100000x768xf32, #tpu.memory_space<hbm>>
    tpu.enqueue_indirect_dma source(%dma_start3A_9 : memref<100000x768xf32, #tpu.memory_space<hbm>>) target(%arg8 : memref<64x768xf32, #tpu.memory_space<vmem>>) offsets(%arg6 : memref<64xi32, #tpu.memory_space<vmem>>) semaphore(%arg10 : memref<!tpu.dma_semaphore, #tpu.memory_space<semaphore_mem>>)
    %dma_wait3A = arith.constant 0 : i32
    %dma_wait3A_10 = arith.constant 0 : i32
    %dma_wait3A_11 = tpu.memref_slice %arg3[%dma_wait3A, %dma_wait3A_10] : memref<100000x768xf32, #tpu.memory_space<hbm>> -> memref<100000x768xf32, #tpu.memory_space<hbm>>
    tpu.wait_indirect_dma semaphore(%arg9 : memref<!tpu.dma_semaphore, #tpu.memory_space<semaphore_mem>>) src(%dma_wait3A_11 : memref<100000x768xf32, #tpu.memory_space<hbm>>) dst(%arg7 : memref<64x768xf32, #tpu.memory_space<vmem>>)
    %add3A_12 = arith.constant 0 : i32
    %add3A_13 = arith.addi %mul3A_2, %add3A_12 : i32
    "tpu.region"() ({
      %run_scoped3A = tpu.sem_alloc : memref<!tpu.dma_semaphore, #tpu.memory_space<semaphore_mem>>
      %dma_start3A_159 = arith.constant 0 : i32
      %dma_start3A_160 = tpu.memref_slice %arg4[%add3A_13, %dma_start3A_159] : memref<32768x768xf32, #tpu.memory_space<hbm>> -> memref<64x768xf32, #tpu.memory_space<hbm>>
      %dma_start3A_161 = arith.constant 0 : i32
      %dma_start3A_162 = tpu.memref_slice %arg4[%add3A_13, %dma_start3A_161] : memref<32768x768xf32, #tpu.memory_space<hbm>> -> memref<64x768xf32, #tpu.memory_space<hbm>>
      tpu.enqueue_dma source(%arg7 : memref<64x768xf32, #tpu.memory_space<vmem>>) target(%dma_start3A_162 : memref<64x768xf32, #tpu.memory_space<hbm>>) target_semaphore(%run_scoped3A : memref<!tpu.dma_semaphore, #tpu.memory_space<semaphore_mem>>)
      %dma_wait3A_163 = arith.constant 0 : i32
      %dma_wait3A_164 = tpu.memref_slice %arg4[%add3A_13, %dma_wait3A_163] : memref<32768x768xf32, #tpu.memory_space<hbm>> -> memref<64x768xf32, #tpu.memory_space<hbm>>
      %dma_wait3A_165 = arith.constant 0 : i32
      %dma_wait3A_166 = tpu.memref_slice %arg4[%add3A_13, %dma_wait3A_165] : memref<32768x768xf32, #tpu.memory_space<hbm>> -> memref<64x768xf32, #tpu.memory_space<hbm>>
      tpu.wait_dma2 semaphore(%run_scoped3A : memref<!tpu.dma_semaphore, #tpu.memory_space<semaphore_mem>>) src(%arg7 : memref<64x768xf32, #tpu.memory_space<vmem>>) dst(%dma_wait3A_166 : memref<64x768xf32, #tpu.memory_space<hbm>>)
      tpu.yield
    }) : () -> ()
    %add3A_14 = arith.constant 128 : i32
    %add3A_15 = arith.addi %mul3A_2, %add3A_14 : i32
    "tpu.region"() ({
      %run_scoped3A = tpu.sem_alloc : memref<!tpu.dma_semaphore, #tpu.memory_space<semaphore_mem>>
      %dma_start3A_159 = tpu.memref_slice %arg2[%add3A_15] : memref<32768xi32, #tpu.memory_space<hbm>> -> memref<64xi32, #tpu.memory_space<hbm>>
      %dma_start3A_160 = tpu.memref_slice %arg2[%add3A_15] : memref<32768xi32, #tpu.memory_space<hbm>> -> memref<64xi32, #tpu.memory_space<hbm>>
      tpu.enqueue_dma source(%dma_start3A_160 : memref<64xi32, #tpu.memory_space<hbm>>) target(%arg5 : memref<64xi32, #tpu.memory_space<vmem>>) target_semaphore(%run_scoped3A : memref<!tpu.dma_semaphore, #tpu.memory_space<semaphore_mem>>)
      %dma_wait3A_161 = tpu.memref_slice %arg2[%add3A_15] : memref<32768xi32, #tpu.memory_space<hbm>> -> memref<64xi32, #tpu.memory_space<hbm>>
      %dma_wait3A_162 = tpu.memref_slice %arg2[%add3A_15] : memref<32768xi32, #tpu.memory_space<hbm>> -> memref<64xi32, #tpu.memory_space<hbm>>
      tpu.wait_dma2 semaphore(%run_scoped3A : memref<!tpu.dma_semaphore, #tpu.memory_space<semaphore_mem>>) src(%dma_wait3A_162 : memref<64xi32, #tpu.memory_space<hbm>>) dst(%arg5 : memref<64xi32, #tpu.memory_space<vmem>>)
      tpu.yield
    }) : () -> ()
    %dma_start3A_16 = arith.constant 0 : i32
    %dma_start3A_17 = arith.constant 0 : i32
    %dma_start3A_18 = tpu.memref_slice %arg3[%dma_start3A_16, %dma_start3A_17] : memref<100000x768xf32, #tpu.memory_space<hbm>> -> memref<100000x768xf32, #tpu.memory_space<hbm>>
    tpu.enqueue_indirect_dma source(%dma_start3A_18 : memref<100000x768xf32, #tpu.memory_space<hbm>>) target(%arg7 : memref<64x768xf32, #tpu.memory_space<vmem>>) offsets(%arg5 : memref<64xi32, #tpu.memory_space<vmem>>) semaphore(%arg9 : memref<!tpu.dma_semaphore, #tpu.memory_space<semaphore_mem>>)
    %dma_wait3A_19 = arith.constant 0 : i32
    %dma_wait3A_20 = arith.constant 0 : i32
    %dma_wait3A_21 = tpu.memref_slice %arg3[%dma_wait3A_19, %dma_wait3A_20] : memref<100000x768xf32, #tpu.memory_space<hbm>> -> memref<100000x768xf32, #tpu.memory_space<hbm>>
    tpu.wait_indirect_dma semaphore(%arg10 : memref<!tpu.dma_semaphore, #tpu.memory_space<semaphore_mem>>) src(%dma_wait3A_21 : memref<100000x768xf32, #tpu.memory_space<hbm>>) dst(%arg8 : memref<64x768xf32, #tpu.memory_space<vmem>>)
    %add3A_22 = arith.constant 64 : i32
    %add3A_23 = arith.addi %mul3A_2, %add3A_22 : i32
    "tpu.region"() ({
      %run_scoped3A = tpu.sem_alloc : memref<!tpu.dma_semaphore, #tpu.memory_space<semaphore_mem>>
      %dma_start3A_159 = arith.constant 0 : i32
      %dma_start3A_160 = tpu.memref_slice %arg4[%add3A_23, %dma_start3A_159] : memref<32768x768xf32, #tpu.memory_space<hbm>> -> memref<64x768xf32, #tpu.memory_space<hbm>>
      %dma_start3A_161 = arith.constant 0 : i32
      %dma_start3A_162 = tpu.memref_slice %arg4[%add3A_23, %dma_start3A_161] : memref<32768x768xf32, #tpu.memory_space<hbm>> -> memref<64x768xf32, #tpu.memory_space<hbm>>
      tpu.enqueue_dma source(%arg8 : memref<64x768xf32, #tpu.memory_space<vmem>>) target(%dma_start3A_162 : memref<64x768xf32, #tpu.memory_space<hbm>>) target_semaphore(%run_scoped3A : memref<!tpu.dma_semaphore, #tpu.memory_space<semaphore_mem>>)
      %dma_wait3A_163 = arith.constant 0 : i32
      %dma_wait3A_164 = tpu.memref_slice %arg4[%add3A_23, %dma_wait3A_163] : memref<32768x768xf32, #tpu.memory_space<hbm>> -> memref<64x768xf32, #tpu.memory_space<hbm>>
      %dma_wait3A_165 = arith.constant 0 : i32
      %dma_wait3A_166 = tpu.memref_slice %arg4[%add3A_23, %dma_wait3A_165] : memref<32768x768xf32, #tpu.memory_space<hbm>> -> memref<64x768xf32, #tpu.memory_space<hbm>>
      tpu.wait_dma2 semaphore(%run_scoped3A : memref<!tpu.dma_semaphore, #tpu.memory_space<semaphore_mem>>) src(%arg8 : memref<64x768xf32, #tpu.memory_space<vmem>>) dst(%dma_wait3A_166 : memref<64x768xf32, #tpu.memory_space<hbm>>)
      tpu.yield
    }) : () -> ()
    %add3A_24 = arith.constant 192 : i32
    %add3A_25 = arith.addi %mul3A_2, %add3A_24 : i32
    "tpu.region"() ({
      %run_scoped3A = tpu.sem_alloc : memref<!tpu.dma_semaphore, #tpu.memory_space<semaphore_mem>>
      %dma_start3A_159 = tpu.memref_slice %arg2[%add3A_25] : memref<32768xi32, #tpu.memory_space<hbm>> -> memref<64xi32, #tpu.memory_space<hbm>>
      %dma_start3A_160 = tpu.memref_slice %arg2[%add3A_25] : memref<32768xi32, #tpu.memory_space<hbm>> -> memref<64xi32, #tpu.memory_space<hbm>>
      tpu.enqueue_dma source(%dma_start3A_160 : memref<64xi32, #tpu.memory_space<hbm>>) target(%arg6 : memref<64xi32, #tpu.memory_space<vmem>>) target_semaphore(%run_scoped3A : memref<!tpu.dma_semaphore, #tpu.memory_space<semaphore_mem>>)
      %dma_wait3A_161 = tpu.memref_slice %arg2[%add3A_25] : memref<32768xi32, #tpu.memory_space<hbm>> -> memref<64xi32, #tpu.memory_space<hbm>>
      %dma_wait3A_162 = tpu.memref_slice %arg2[%add3A_25] : memref<32768xi32, #tpu.memory_space<hbm>> -> memref<64xi32, #tpu.memory_space<hbm>>
      tpu.wait_dma2 semaphore(%run_scoped3A : memref<!tpu.dma_semaphore, #tpu.memory_space<semaphore_mem>>) src(%dma_wait3A_162 : memref<64xi32, #tpu.memory_space<hbm>>) dst(%arg6 : memref<64xi32, #tpu.memory_space<vmem>>)
      tpu.yield
    }) : () -> ()
    %dma_start3A_26 = arith.constant 0 : i32
    %dma_start3A_27 = arith.constant 0 : i32
    %dma_start3A_28 = tpu.memref_slice %arg3[%dma_start3A_26, %dma_start3A_27] : memref<100000x768xf32, #tpu.memory_space<hbm>> -> memref<100000x768xf32, #tpu.memory_space<hbm>>
    tpu.enqueue_indirect_dma source(%dma_start3A_28 : memref<100000x768xf32, #tpu.memory_space<hbm>>) target(%arg8 : memref<64x768xf32, #tpu.memory_space<vmem>>) offsets(%arg6 : memref<64xi32, #tpu.memory_space<vmem>>) semaphore(%arg10 : memref<!tpu.dma_semaphore, #tpu.memory_space<semaphore_mem>>)
    %dma_wait3A_29 = arith.constant 0 : i32
    %dma_wait3A_30 = arith.constant 0 : i32
    %dma_wait3A_31 = tpu.memref_slice %arg3[%dma_wait3A_29, %dma_wait3A_30] : memref<100000x768xf32, #tpu.memory_space<hbm>> -> memref<100000x768xf32, #tpu.memory_space<hbm>>
    tpu.wait_indirect_dma semaphore(%arg9 : memref<!tpu.dma_semaphore, #tpu.memory_space<semaphore_mem>>) src(%dma_wait3A_31 : memref<100000x768xf32, #tpu.memory_space<hbm>>) dst(%arg7 : memref<64x768xf32, #tpu.memory_space<vmem>>)
    %add3A_32 = arith.constant 128 : i32
    %add3A_33 = arith.addi %mul3A_2, %add3A_32 : i32
    "tpu.region"() ({
      %run_scoped3A = tpu.sem_alloc : memref<!tpu.dma_semaphore, #tpu.memory_space<semaphore_mem>>
      %dma_start3A_159 = arith.constant 0 : i32
      %dma_start3A_160 = tpu.memref_slice %arg4[%add3A_33, %dma_start3A_159] : memref<32768x768xf32, #tpu.memory_space<hbm>> -> memref<64x768xf32, #tpu.memory_space<hbm>>
      %dma_start3A_161 = arith.constant 0 : i32
      %dma_start3A_162 = tpu.memref_slice %arg4[%add3A_33, %dma_start3A_161] : memref<32768x768xf32, #tpu.memory_space<hbm>> -> memref<64x768xf32, #tpu.memory_space<hbm>>
      tpu.enqueue_dma source(%arg7 : memref<64x768xf32, #tpu.memory_space<vmem>>) target(%dma_start3A_162 : memref<64x768xf32, #tpu.memory_space<hbm>>) target_semaphore(%run_scoped3A : memref<!tpu.dma_semaphore, #tpu.memory_space<semaphore_mem>>)
      %dma_wait3A_163 = arith.constant 0 : i32
      %dma_wait3A_164 = tpu.memref_slice %arg4[%add3A_33, %dma_wait3A_163] : memref<32768x768xf32, #tpu.memory_space<hbm>> -> memref<64x768xf32, #tpu.memory_space<hbm>>
      %dma_wait3A_165 = arith.constant 0 : i32
      %dma_wait3A_166 = tpu.memref_slice %arg4[%add3A_33, %dma_wait3A_165] : memref<32768x768xf32, #tpu.memory_space<hbm>> -> memref<64x768xf32, #tpu.memory_space<hbm>>
      tpu.wait_dma2 semaphore(%run_scoped3A : memref<!tpu.dma_semaphore, #tpu.memory_space<semaphore_mem>>) src(%arg7 : memref<64x768xf32, #tpu.memory_space<vmem>>) dst(%dma_wait3A_166 : memref<64x768xf32, #tpu.memory_space<hbm>>)
      tpu.yield
    }) : () -> ()
    %add3A_34 = arith.constant 256 : i32
    %add3A_35 = arith.addi %mul3A_2, %add3A_34 : i32
    "tpu.region"() ({
      %run_scoped3A = tpu.sem_alloc : memref<!tpu.dma_semaphore, #tpu.memory_space<semaphore_mem>>
      %dma_start3A_159 = tpu.memref_slice %arg2[%add3A_35] : memref<32768xi32, #tpu.memory_space<hbm>> -> memref<64xi32, #tpu.memory_space<hbm>>
      %dma_start3A_160 = tpu.memref_slice %arg2[%add3A_35] : memref<32768xi32, #tpu.memory_space<hbm>> -> memref<64xi32, #tpu.memory_space<hbm>>
      tpu.enqueue_dma source(%dma_start3A_160 : memref<64xi32, #tpu.memory_space<hbm>>) target(%arg5 : memref<64xi32, #tpu.memory_space<vmem>>) target_semaphore(%run_scoped3A : memref<!tpu.dma_semaphore, #tpu.memory_space<semaphore_mem>>)
      %dma_wait3A_161 = tpu.memref_slice %arg2[%add3A_35] : memref<32768xi32, #tpu.memory_space<hbm>> -> memref<64xi32, #tpu.memory_space<hbm>>
      %dma_wait3A_162 = tpu.memref_slice %arg2[%add3A_35] : memref<32768xi32, #tpu.memory_space<hbm>> -> memref<64xi32, #tpu.memory_space<hbm>>
      tpu.wait_dma2 semaphore(%run_scoped3A : memref<!tpu.dma_semaphore, #tpu.memory_space<semaphore_mem>>) src(%dma_wait3A_162 : memref<64xi32, #tpu.memory_space<hbm>>) dst(%arg5 : memref<64xi32, #tpu.memory_space<vmem>>)
      tpu.yield
    }) : () -> ()
    %dma_start3A_36 = arith.constant 0 : i32
    %dma_start3A_37 = arith.constant 0 : i32
    %dma_start3A_38 = tpu.memref_slice %arg3[%dma_start3A_36, %dma_start3A_37] : memref<100000x768xf32, #tpu.memory_space<hbm>> -> memref<100000x768xf32, #tpu.memory_space<hbm>>
    tpu.enqueue_indirect_dma source(%dma_start3A_38 : memref<100000x768xf32, #tpu.memory_space<hbm>>) target(%arg7 : memref<64x768xf32, #tpu.memory_space<vmem>>) offsets(%arg5 : memref<64xi32, #tpu.memory_space<vmem>>) semaphore(%arg9 : memref<!tpu.dma_semaphore, #tpu.memory_space<semaphore_mem>>)
    %dma_wait3A_39 = arith.constant 0 : i32
    %dma_wait3A_40 = arith.constant 0 : i32
    %dma_wait3A_41 = tpu.memref_slice %arg3[%dma_wait3A_39, %dma_wait3A_40] : memref<100000x768xf32, #tpu.memory_space<hbm>> -> memref<100000x768xf32, #tpu.memory_space<hbm>>
    tpu.wait_indirect_dma semaphore(%arg10 : memref<!tpu.dma_semaphore, #tpu.memory_space<semaphore_mem>>) src(%dma_wait3A_41 : memref<100000x768xf32, #tpu.memory_space<hbm>>) dst(%arg8 : memref<64x768xf32, #tpu.memory_space<vmem>>)
    %add3A_42 = arith.constant 192 : i32
    %add3A_43 = arith.addi %mul3A_2, %add3A_42 : i32
    "tpu.region"() ({
      %run_scoped3A = tpu.sem_alloc : memref<!tpu.dma_semaphore, #tpu.memory_space<semaphore_mem>>
      %dma_start3A_159 = arith.constant 0 : i32
      %dma_start3A_160 = tpu.memref_slice %arg4[%add3A_43, %dma_start3A_159] : memref<32768x768xf32, #tpu.memory_space<hbm>> -> memref<64x768xf32, #tpu.memory_space<hbm>>
      %dma_start3A_161 = arith.constant 0 : i32
      %dma_start3A_162 = tpu.memref_slice %arg4[%add3A_43, %dma_start3A_161] : memref<32768x768xf32, #tpu.memory_space<hbm>> -> memref<64x768xf32, #tpu.memory_space<hbm>>
      tpu.enqueue_dma source(%arg8 : memref<64x768xf32, #tpu.memory_space<vmem>>) target(%dma_start3A_162 : memref<64x768xf32, #tpu.memory_space<hbm>>) target_semaphore(%run_scoped3A : memref<!tpu.dma_semaphore, #tpu.memory_space<semaphore_mem>>)
      %dma_wait3A_163 = arith.constant 0 : i32
      %dma_wait3A_164 = tpu.memref_slice %arg4[%add3A_43, %dma_wait3A_163] : memref<32768x768xf32, #tpu.memory_space<hbm>> -> memref<64x768xf32, #tpu.memory_space<hbm>>
      %dma_wait3A_165 = arith.constant 0 : i32
      %dma_wait3A_166 = tpu.memref_slice %arg4[%add3A_43, %dma_wait3A_165] : memref<32768x768xf32, #tpu.memory_space<hbm>> -> memref<64x768xf32, #tpu.memory_space<hbm>>
      tpu.wait_dma2 semaphore(%run_scoped3A : memref<!tpu.dma_semaphore, #tpu.memory_space<semaphore_mem>>) src(%arg8 : memref<64x768xf32, #tpu.memory_space<vmem>>) dst(%dma_wait3A_166 : memref<64x768xf32, #tpu.memory_space<hbm>>)
      tpu.yield
    }) : () -> ()
    %add3A_44 = arith.constant 320 : i32
    %add3A_45 = arith.addi %mul3A_2, %add3A_44 : i32
    "tpu.region"() ({
      %run_scoped3A = tpu.sem_alloc : memref<!tpu.dma_semaphore, #tpu.memory_space<semaphore_mem>>
      %dma_start3A_159 = tpu.memref_slice %arg2[%add3A_45] : memref<32768xi32, #tpu.memory_space<hbm>> -> memref<64xi32, #tpu.memory_space<hbm>>
      %dma_start3A_160 = tpu.memref_slice %arg2[%add3A_45] : memref<32768xi32, #tpu.memory_space<hbm>> -> memref<64xi32, #tpu.memory_space<hbm>>
      tpu.enqueue_dma source(%dma_start3A_160 : memref<64xi32, #tpu.memory_space<hbm>>) target(%arg6 : memref<64xi32, #tpu.memory_space<vmem>>) target_semaphore(%run_scoped3A : memref<!tpu.dma_semaphore, #tpu.memory_space<semaphore_mem>>)
      %dma_wait3A_161 = tpu.memref_slice %arg2[%add3A_45] : memref<32768xi32, #tpu.memory_space<hbm>> -> memref<64xi32, #tpu.memory_space<hbm>>
      %dma_wait3A_162 = tpu.memref_slice %arg2[%add3A_45] : memref<32768xi32, #tpu.memory_space<hbm>> -> memref<64xi32, #tpu.memory_space<hbm>>
      tpu.wait_dma2 semaphore(%run_scoped3A : memref<!tpu.dma_semaphore, #tpu.memory_space<semaphore_mem>>) src(%dma_wait3A_162 : memref<64xi32, #tpu.memory_space<hbm>>) dst(%arg6 : memref<64xi32, #tpu.memory_space<vmem>>)
      tpu.yield
    }) : () -> ()
    %dma_start3A_46 = arith.constant 0 : i32
    %dma_start3A_47 = arith.constant 0 : i32
    %dma_start3A_48 = tpu.memref_slice %arg3[%dma_start3A_46, %dma_start3A_47] : memref<100000x768xf32, #tpu.memory_space<hbm>> -> memref<100000x768xf32, #tpu.memory_space<hbm>>
    tpu.enqueue_indirect_dma source(%dma_start3A_48 : memref<100000x768xf32, #tpu.memory_space<hbm>>) target(%arg8 : memref<64x768xf32, #tpu.memory_space<vmem>>) offsets(%arg6 : memref<64xi32, #tpu.memory_space<vmem>>) semaphore(%arg10 : memref<!tpu.dma_semaphore, #tpu.memory_space<semaphore_mem>>)
    %dma_wait3A_49 = arith.constant 0 : i32
    %dma_wait3A_50 = arith.constant 0 : i32
    %dma_wait3A_51 = tpu.memref_slice %arg3[%dma_wait3A_49, %dma_wait3A_50] : memref<100000x768xf32, #tpu.memory_space<hbm>> -> memref<100000x768xf32, #tpu.memory_space<hbm>>
    tpu.wait_indirect_dma semaphore(%arg9 : memref<!tpu.dma_semaphore, #tpu.memory_space<semaphore_mem>>) src(%dma_wait3A_51 : memref<100000x768xf32, #tpu.memory_space<hbm>>) dst(%arg7 : memref<64x768xf32, #tpu.memory_space<vmem>>)
    %add3A_52 = arith.constant 256 : i32
    %add3A_53 = arith.addi %mul3A_2, %add3A_52 : i32
    "tpu.region"() ({
      %run_scoped3A = tpu.sem_alloc : memref<!tpu.dma_semaphore, #tpu.memory_space<semaphore_mem>>
      %dma_start3A_159 = arith.constant 0 : i32
      %dma_start3A_160 = tpu.memref_slice %arg4[%add3A_53, %dma_start3A_159] : memref<32768x768xf32, #tpu.memory_space<hbm>> -> memref<64x768xf32, #tpu.memory_space<hbm>>
      %dma_start3A_161 = arith.constant 0 : i32
      %dma_start3A_162 = tpu.memref_slice %arg4[%add3A_53, %dma_start3A_161] : memref<32768x768xf32, #tpu.memory_space<hbm>> -> memref<64x768xf32, #tpu.memory_space<hbm>>
      tpu.enqueue_dma source(%arg7 : memref<64x768xf32, #tpu.memory_space<vmem>>) target(%dma_start3A_162 : memref<64x768xf32, #tpu.memory_space<hbm>>) target_semaphore(%run_scoped3A : memref<!tpu.dma_semaphore, #tpu.memory_space<semaphore_mem>>)
      %dma_wait3A_163 = arith.constant 0 : i32
      %dma_wait3A_164 = tpu.memref_slice %arg4[%add3A_53, %dma_wait3A_163] : memref<32768x768xf32, #tpu.memory_space<hbm>> -> memref<64x768xf32, #tpu.memory_space<hbm>>
      %dma_wait3A_165 = arith.constant 0 : i32
      %dma_wait3A_166 = tpu.memref_slice %arg4[%add3A_53, %dma_wait3A_165] : memref<32768x768xf32, #tpu.memory_space<hbm>> -> memref<64x768xf32, #tpu.memory_space<hbm>>
      tpu.wait_dma2 semaphore(%run_scoped3A : memref<!tpu.dma_semaphore, #tpu.memory_space<semaphore_mem>>) src(%arg7 : memref<64x768xf32, #tpu.memory_space<vmem>>) dst(%dma_wait3A_166 : memref<64x768xf32, #tpu.memory_space<hbm>>)
      tpu.yield
    }) : () -> ()
    %add3A_54 = arith.constant 384 : i32
    %add3A_55 = arith.addi %mul3A_2, %add3A_54 : i32
    "tpu.region"() ({
      %run_scoped3A = tpu.sem_alloc : memref<!tpu.dma_semaphore, #tpu.memory_space<semaphore_mem>>
      %dma_start3A_159 = tpu.memref_slice %arg2[%add3A_55] : memref<32768xi32, #tpu.memory_space<hbm>> -> memref<64xi32, #tpu.memory_space<hbm>>
      %dma_start3A_160 = tpu.memref_slice %arg2[%add3A_55] : memref<32768xi32, #tpu.memory_space<hbm>> -> memref<64xi32, #tpu.memory_space<hbm>>
      tpu.enqueue_dma source(%dma_start3A_160 : memref<64xi32, #tpu.memory_space<hbm>>) target(%arg5 : memref<64xi32, #tpu.memory_space<vmem>>) target_semaphore(%run_scoped3A : memref<!tpu.dma_semaphore, #tpu.memory_space<semaphore_mem>>)
      %dma_wait3A_161 = tpu.memref_slice %arg2[%add3A_55] : memref<32768xi32, #tpu.memory_space<hbm>> -> memref<64xi32, #tpu.memory_space<hbm>>
      %dma_wait3A_162 = tpu.memref_slice %arg2[%add3A_55] : memref<32768xi32, #tpu.memory_space<hbm>> -> memref<64xi32, #tpu.memory_space<hbm>>
      tpu.wait_dma2 semaphore(%run_scoped3A : memref<!tpu.dma_semaphore, #tpu.memory_space<semaphore_mem>>) src(%dma_wait3A_162 : memref<64xi32, #tpu.memory_space<hbm>>) dst(%arg5 : memref<64xi32, #tpu.memory_space<vmem>>)
      tpu.yield
    }) : () -> ()
    %dma_start3A_56 = arith.constant 0 : i32
    %dma_start3A_57 = arith.constant 0 : i32
    %dma_start3A_58 = tpu.memref_slice %arg3[%dma_start3A_56, %dma_start3A_57] : memref<100000x768xf32, #tpu.memory_space<hbm>> -> memref<100000x768xf32, #tpu.memory_space<hbm>>
    tpu.enqueue_indirect_dma source(%dma_start3A_58 : memref<100000x768xf32, #tpu.memory_space<hbm>>) target(%arg7 : memref<64x768xf32, #tpu.memory_space<vmem>>) offsets(%arg5 : memref<64xi32, #tpu.memory_space<vmem>>) semaphore(%arg9 : memref<!tpu.dma_semaphore, #tpu.memory_space<semaphore_mem>>)
    %dma_wait3A_59 = arith.constant 0 : i32
    %dma_wait3A_60 = arith.constant 0 : i32
    %dma_wait3A_61 = tpu.memref_slice %arg3[%dma_wait3A_59, %dma_wait3A_60] : memref<100000x768xf32, #tpu.memory_space<hbm>> -> memref<100000x768xf32, #tpu.memory_space<hbm>>
    tpu.wait_indirect_dma semaphore(%arg10 : memref<!tpu.dma_semaphore, #tpu.memory_space<semaphore_mem>>) src(%dma_wait3A_61 : memref<100000x768xf32, #tpu.memory_space<hbm>>) dst(%arg8 : memref<64x768xf32, #tpu.memory_space<vmem>>)
    %add3A_62 = arith.constant 320 : i32
    %add3A_63 = arith.addi %mul3A_2, %add3A_62 : i32
    "tpu.region"() ({
      %run_scoped3A = tpu.sem_alloc : memref<!tpu.dma_semaphore, #tpu.memory_space<semaphore_mem>>
      %dma_start3A_159 = arith.constant 0 : i32
      %dma_start3A_160 = tpu.memref_slice %arg4[%add3A_63, %dma_start3A_159] : memref<32768x768xf32, #tpu.memory_space<hbm>> -> memref<64x768xf32, #tpu.memory_space<hbm>>
      %dma_start3A_161 = arith.constant 0 : i32
      %dma_start3A_162 = tpu.memref_slice %arg4[%add3A_63, %dma_start3A_161] : memref<32768x768xf32, #tpu.memory_space<hbm>> -> memref<64x768xf32, #tpu.memory_space<hbm>>
      tpu.enqueue_dma source(%arg8 : memref<64x768xf32, #tpu.memory_space<vmem>>) target(%dma_start3A_162 : memref<64x768xf32, #tpu.memory_space<hbm>>) target_semaphore(%run_scoped3A : memref<!tpu.dma_semaphore, #tpu.memory_space<semaphore_mem>>)
      %dma_wait3A_163 = arith.constant 0 : i32
      %dma_wait3A_164 = tpu.memref_slice %arg4[%add3A_63, %dma_wait3A_163] : memref<32768x768xf32, #tpu.memory_space<hbm>> -> memref<64x768xf32, #tpu.memory_space<hbm>>
      %dma_wait3A_165 = arith.constant 0 : i32
      %dma_wait3A_166 = tpu.memref_slice %arg4[%add3A_63, %dma_wait3A_165] : memref<32768x768xf32, #tpu.memory_space<hbm>> -> memref<64x768xf32, #tpu.memory_space<hbm>>
      tpu.wait_dma2 semaphore(%run_scoped3A : memref<!tpu.dma_semaphore, #tpu.memory_space<semaphore_mem>>) src(%arg8 : memref<64x768xf32, #tpu.memory_space<vmem>>) dst(%dma_wait3A_166 : memref<64x768xf32, #tpu.memory_space<hbm>>)
      tpu.yield
    }) : () -> ()
    %add3A_64 = arith.constant 448 : i32
    %add3A_65 = arith.addi %mul3A_2, %add3A_64 : i32
    "tpu.region"() ({
      %run_scoped3A = tpu.sem_alloc : memref<!tpu.dma_semaphore, #tpu.memory_space<semaphore_mem>>
      %dma_start3A_159 = tpu.memref_slice %arg2[%add3A_65] : memref<32768xi32, #tpu.memory_space<hbm>> -> memref<64xi32, #tpu.memory_space<hbm>>
      %dma_start3A_160 = tpu.memref_slice %arg2[%add3A_65] : memref<32768xi32, #tpu.memory_space<hbm>> -> memref<64xi32, #tpu.memory_space<hbm>>
      tpu.enqueue_dma source(%dma_start3A_160 : memref<64xi32, #tpu.memory_space<hbm>>) target(%arg6 : memref<64xi32, #tpu.memory_space<vmem>>) target_semaphore(%run_scoped3A : memref<!tpu.dma_semaphore, #tpu.memory_space<semaphore_mem>>)
      %dma_wait3A_161 = tpu.memref_slice %arg2[%add3A_65] : memref<32768xi32, #tpu.memory_space<hbm>> -> memref<64xi32, #tpu.memory_space<hbm>>
      %dma_wait3A_162 = tpu.memref_slice %arg2[%add3A_65] : memref<32768xi32, #tpu.memory_space<hbm>> -> memref<64xi32, #tpu.memory_space<hbm>>
      tpu.wait_dma2 semaphore(%run_scoped3A : memref<!tpu.dma_semaphore, #tpu.memory_space<semaphore_mem>>) src(%dma_wait3A_162 : memref<64xi32, #tpu.memory_space<hbm>>) dst(%arg6 : memref<64xi32, #tpu.memory_space<vmem>>)
      tpu.yield
    }) : () -> ()
    %dma_start3A_66 = arith.constant 0 : i32
    %dma_start3A_67 = arith.constant 0 : i32
    %dma_start3A_68 = tpu.memref_slice %arg3[%dma_start3A_66, %dma_start3A_67] : memref<100000x768xf32, #tpu.memory_space<hbm>> -> memref<100000x768xf32, #tpu.memory_space<hbm>>
    tpu.enqueue_indirect_dma source(%dma_start3A_68 : memref<100000x768xf32, #tpu.memory_space<hbm>>) target(%arg8 : memref<64x768xf32, #tpu.memory_space<vmem>>) offsets(%arg6 : memref<64xi32, #tpu.memory_space<vmem>>) semaphore(%arg10 : memref<!tpu.dma_semaphore, #tpu.memory_space<semaphore_mem>>)
    %dma_wait3A_69 = arith.constant 0 : i32
    %dma_wait3A_70 = arith.constant 0 : i32
    %dma_wait3A_71 = tpu.memref_slice %arg3[%dma_wait3A_69, %dma_wait3A_70] : memref<100000x768xf32, #tpu.memory_space<hbm>> -> memref<100000x768xf32, #tpu.memory_space<hbm>>
    tpu.wait_indirect_dma semaphore(%arg9 : memref<!tpu.dma_semaphore, #tpu.memory_space<semaphore_mem>>) src(%dma_wait3A_71 : memref<100000x768xf32, #tpu.memory_space<hbm>>) dst(%arg7 : memref<64x768xf32, #tpu.memory_space<vmem>>)
    %add3A_72 = arith.constant 384 : i32
    %add3A_73 = arith.addi %mul3A_2, %add3A_72 : i32
    "tpu.region"() ({
      %run_scoped3A = tpu.sem_alloc : memref<!tpu.dma_semaphore, #tpu.memory_space<semaphore_mem>>
      %dma_start3A_159 = arith.constant 0 : i32
      %dma_start3A_160 = tpu.memref_slice %arg4[%add3A_73, %dma_start3A_159] : memref<32768x768xf32, #tpu.memory_space<hbm>> -> memref<64x768xf32, #tpu.memory_space<hbm>>
      %dma_start3A_161 = arith.constant 0 : i32
      %dma_start3A_162 = tpu.memref_slice %arg4[%add3A_73, %dma_start3A_161] : memref<32768x768xf32, #tpu.memory_space<hbm>> -> memref<64x768xf32, #tpu.memory_space<hbm>>
      tpu.enqueue_dma source(%arg7 : memref<64x768xf32, #tpu.memory_space<vmem>>) target(%dma_start3A_162 : memref<64x768xf32, #tpu.memory_space<hbm>>) target_semaphore(%run_scoped3A : memref<!tpu.dma_semaphore, #tpu.memory_space<semaphore_mem>>)
      %dma_wait3A_163 = arith.constant 0 : i32
      %dma_wait3A_164 = tpu.memref_slice %arg4[%add3A_73, %dma_wait3A_163] : memref<32768x768xf32, #tpu.memory_space<hbm>> -> memref<64x768xf32, #tpu.memory_space<hbm>>
      %dma_wait3A_165 = arith.constant 0 : i32
      %dma_wait3A_166 = tpu.memref_slice %arg4[%add3A_73, %dma_wait3A_165] : memref<32768x768xf32, #tpu.memory_space<hbm>> -> memref<64x768xf32, #tpu.memory_space<hbm>>
      tpu.wait_dma2 semaphore(%run_scoped3A : memref<!tpu.dma_semaphore, #tpu.memory_space<semaphore_mem>>) src(%arg7 : memref<64x768xf32, #tpu.memory_space<vmem>>) dst(%dma_wait3A_166 : memref<64x768xf32, #tpu.memory_space<hbm>>)
      tpu.yield
    }) : () -> ()
    %add3A_74 = arith.constant 512 : i32
    %add3A_75 = arith.addi %mul3A_2, %add3A_74 : i32
    "tpu.region"() ({
      %run_scoped3A = tpu.sem_alloc : memref<!tpu.dma_semaphore, #tpu.memory_space<semaphore_mem>>
      %dma_start3A_159 = tpu.memref_slice %arg2[%add3A_75] : memref<32768xi32, #tpu.memory_space<hbm>> -> memref<64xi32, #tpu.memory_space<hbm>>
      %dma_start3A_160 = tpu.memref_slice %arg2[%add3A_75] : memref<32768xi32, #tpu.memory_space<hbm>> -> memref<64xi32, #tpu.memory_space<hbm>>
      tpu.enqueue_dma source(%dma_start3A_160 : memref<64xi32, #tpu.memory_space<hbm>>) target(%arg5 : memref<64xi32, #tpu.memory_space<vmem>>) target_semaphore(%run_scoped3A : memref<!tpu.dma_semaphore, #tpu.memory_space<semaphore_mem>>)
      %dma_wait3A_161 = tpu.memref_slice %arg2[%add3A_75] : memref<32768xi32, #tpu.memory_space<hbm>> -> memref<64xi32, #tpu.memory_space<hbm>>
      %dma_wait3A_162 = tpu.memref_slice %arg2[%add3A_75] : memref<32768xi32, #tpu.memory_space<hbm>> -> memref<64xi32, #tpu.memory_space<hbm>>
      tpu.wait_dma2 semaphore(%run_scoped3A : memref<!tpu.dma_semaphore, #tpu.memory_space<semaphore_mem>>) src(%dma_wait3A_162 : memref<64xi32, #tpu.memory_space<hbm>>) dst(%arg5 : memref<64xi32, #tpu.memory_space<vmem>>)
      tpu.yield
    }) : () -> ()
    %dma_start3A_76 = arith.constant 0 : i32
    %dma_start3A_77 = arith.constant 0 : i32
    %dma_start3A_78 = tpu.memref_slice %arg3[%dma_start3A_76, %dma_start3A_77] : memref<100000x768xf32, #tpu.memory_space<hbm>> -> memref<100000x768xf32, #tpu.memory_space<hbm>>
    tpu.enqueue_indirect_dma source(%dma_start3A_78 : memref<100000x768xf32, #tpu.memory_space<hbm>>) target(%arg7 : memref<64x768xf32, #tpu.memory_space<vmem>>) offsets(%arg5 : memref<64xi32, #tpu.memory_space<vmem>>) semaphore(%arg9 : memref<!tpu.dma_semaphore, #tpu.memory_space<semaphore_mem>>)
    %dma_wait3A_79 = arith.constant 0 : i32
    %dma_wait3A_80 = arith.constant 0 : i32
    %dma_wait3A_81 = tpu.memref_slice %arg3[%dma_wait3A_79, %dma_wait3A_80] : memref<100000x768xf32, #tpu.memory_space<hbm>> -> memref<100000x768xf32, #tpu.memory_space<hbm>>
    tpu.wait_indirect_dma semaphore(%arg10 : memref<!tpu.dma_semaphore, #tpu.memory_space<semaphore_mem>>) src(%dma_wait3A_81 : memref<100000x768xf32, #tpu.memory_space<hbm>>) dst(%arg8 : memref<64x768xf32, #tpu.memory_space<vmem>>)
    %add3A_82 = arith.constant 448 : i32
    %add3A_83 = arith.addi %mul3A_2, %add3A_82 : i32
    "tpu.region"() ({
      %run_scoped3A = tpu.sem_alloc : memref<!tpu.dma_semaphore, #tpu.memory_space<semaphore_mem>>
      %dma_start3A_159 = arith.constant 0 : i32
      %dma_start3A_160 = tpu.memref_slice %arg4[%add3A_83, %dma_start3A_159] : memref<32768x768xf32, #tpu.memory_space<hbm>> -> memref<64x768xf32, #tpu.memory_space<hbm>>
      %dma_start3A_161 = arith.constant 0 : i32
      %dma_start3A_162 = tpu.memref_slice %arg4[%add3A_83, %dma_start3A_161] : memref<32768x768xf32, #tpu.memory_space<hbm>> -> memref<64x768xf32, #tpu.memory_space<hbm>>
      tpu.enqueue_dma source(%arg8 : memref<64x768xf32, #tpu.memory_space<vmem>>) target(%dma_start3A_162 : memref<64x768xf32, #tpu.memory_space<hbm>>) target_semaphore(%run_scoped3A : memref<!tpu.dma_semaphore, #tpu.memory_space<semaphore_mem>>)
      %dma_wait3A_163 = arith.constant 0 : i32
      %dma_wait3A_164 = tpu.memref_slice %arg4[%add3A_83, %dma_wait3A_163] : memref<32768x768xf32, #tpu.memory_space<hbm>> -> memref<64x768xf32, #tpu.memory_space<hbm>>
      %dma_wait3A_165 = arith.constant 0 : i32
      %dma_wait3A_166 = tpu.memref_slice %arg4[%add3A_83, %dma_wait3A_165] : memref<32768x768xf32, #tpu.memory_space<hbm>> -> memref<64x768xf32, #tpu.memory_space<hbm>>
      tpu.wait_dma2 semaphore(%run_scoped3A : memref<!tpu.dma_semaphore, #tpu.memory_space<semaphore_mem>>) src(%arg8 : memref<64x768xf32, #tpu.memory_space<vmem>>) dst(%dma_wait3A_166 : memref<64x768xf32, #tpu.memory_space<hbm>>)
      tpu.yield
    }) : () -> ()
    %add3A_84 = arith.constant 576 : i32
    %add3A_85 = arith.addi %mul3A_2, %add3A_84 : i32
    "tpu.region"() ({
      %run_scoped3A = tpu.sem_alloc : memref<!tpu.dma_semaphore, #tpu.memory_space<semaphore_mem>>
      %dma_start3A_159 = tpu.memref_slice %arg2[%add3A_85] : memref<32768xi32, #tpu.memory_space<hbm>> -> memref<64xi32, #tpu.memory_space<hbm>>
      %dma_start3A_160 = tpu.memref_slice %arg2[%add3A_85] : memref<32768xi32, #tpu.memory_space<hbm>> -> memref<64xi32, #tpu.memory_space<hbm>>
      tpu.enqueue_dma source(%dma_start3A_160 : memref<64xi32, #tpu.memory_space<hbm>>) target(%arg6 : memref<64xi32, #tpu.memory_space<vmem>>) target_semaphore(%run_scoped3A : memref<!tpu.dma_semaphore, #tpu.memory_space<semaphore_mem>>)
      %dma_wait3A_161 = tpu.memref_slice %arg2[%add3A_85] : memref<32768xi32, #tpu.memory_space<hbm>> -> memref<64xi32, #tpu.memory_space<hbm>>
      %dma_wait3A_162 = tpu.memref_slice %arg2[%add3A_85] : memref<32768xi32, #tpu.memory_space<hbm>> -> memref<64xi32, #tpu.memory_space<hbm>>
      tpu.wait_dma2 semaphore(%run_scoped3A : memref<!tpu.dma_semaphore, #tpu.memory_space<semaphore_mem>>) src(%dma_wait3A_162 : memref<64xi32, #tpu.memory_space<hbm>>) dst(%arg6 : memref<64xi32, #tpu.memory_space<vmem>>)
      tpu.yield
    }) : () -> ()
    %dma_start3A_86 = arith.constant 0 : i32
    %dma_start3A_87 = arith.constant 0 : i32
    %dma_start3A_88 = tpu.memref_slice %arg3[%dma_start3A_86, %dma_start3A_87] : memref<100000x768xf32, #tpu.memory_space<hbm>> -> memref<100000x768xf32, #tpu.memory_space<hbm>>
    tpu.enqueue_indirect_dma source(%dma_start3A_88 : memref<100000x768xf32, #tpu.memory_space<hbm>>) target(%arg8 : memref<64x768xf32, #tpu.memory_space<vmem>>) offsets(%arg6 : memref<64xi32, #tpu.memory_space<vmem>>) semaphore(%arg10 : memref<!tpu.dma_semaphore, #tpu.memory_space<semaphore_mem>>)
    %dma_wait3A_89 = arith.constant 0 : i32
    %dma_wait3A_90 = arith.constant 0 : i32
    %dma_wait3A_91 = tpu.memref_slice %arg3[%dma_wait3A_89, %dma_wait3A_90] : memref<100000x768xf32, #tpu.memory_space<hbm>> -> memref<100000x768xf32, #tpu.memory_space<hbm>>
    tpu.wait_indirect_dma semaphore(%arg9 : memref<!tpu.dma_semaphore, #tpu.memory_space<semaphore_mem>>) src(%dma_wait3A_91 : memref<100000x768xf32, #tpu.memory_space<hbm>>) dst(%arg7 : memref<64x768xf32, #tpu.memory_space<vmem>>)
    %add3A_92 = arith.constant 512 : i32
    %add3A_93 = arith.addi %mul3A_2, %add3A_92 : i32
    "tpu.region"() ({
      %run_scoped3A = tpu.sem_alloc : memref<!tpu.dma_semaphore, #tpu.memory_space<semaphore_mem>>
      %dma_start3A_159 = arith.constant 0 : i32
      %dma_start3A_160 = tpu.memref_slice %arg4[%add3A_93, %dma_start3A_159] : memref<32768x768xf32, #tpu.memory_space<hbm>> -> memref<64x768xf32, #tpu.memory_space<hbm>>
      %dma_start3A_161 = arith.constant 0 : i32
      %dma_start3A_162 = tpu.memref_slice %arg4[%add3A_93, %dma_start3A_161] : memref<32768x768xf32, #tpu.memory_space<hbm>> -> memref<64x768xf32, #tpu.memory_space<hbm>>
      tpu.enqueue_dma source(%arg7 : memref<64x768xf32, #tpu.memory_space<vmem>>) target(%dma_start3A_162 : memref<64x768xf32, #tpu.memory_space<hbm>>) target_semaphore(%run_scoped3A : memref<!tpu.dma_semaphore, #tpu.memory_space<semaphore_mem>>)
      %dma_wait3A_163 = arith.constant 0 : i32
      %dma_wait3A_164 = tpu.memref_slice %arg4[%add3A_93, %dma_wait3A_163] : memref<32768x768xf32, #tpu.memory_space<hbm>> -> memref<64x768xf32, #tpu.memory_space<hbm>>
      %dma_wait3A_165 = arith.constant 0 : i32
      %dma_wait3A_166 = tpu.memref_slice %arg4[%add3A_93, %dma_wait3A_165] : memref<32768x768xf32, #tpu.memory_space<hbm>> -> memref<64x768xf32, #tpu.memory_space<hbm>>
      tpu.wait_dma2 semaphore(%run_scoped3A : memref<!tpu.dma_semaphore, #tpu.memory_space<semaphore_mem>>) src(%arg7 : memref<64x768xf32, #tpu.memory_space<vmem>>) dst(%dma_wait3A_166 : memref<64x768xf32, #tpu.memory_space<hbm>>)
      tpu.yield
    }) : () -> ()
    %add3A_94 = arith.constant 640 : i32
    %add3A_95 = arith.addi %mul3A_2, %add3A_94 : i32
    "tpu.region"() ({
      %run_scoped3A = tpu.sem_alloc : memref<!tpu.dma_semaphore, #tpu.memory_space<semaphore_mem>>
      %dma_start3A_159 = tpu.memref_slice %arg2[%add3A_95] : memref<32768xi32, #tpu.memory_space<hbm>> -> memref<64xi32, #tpu.memory_space<hbm>>
      %dma_start3A_160 = tpu.memref_slice %arg2[%add3A_95] : memref<32768xi32, #tpu.memory_space<hbm>> -> memref<64xi32, #tpu.memory_space<hbm>>
      tpu.enqueue_dma source(%dma_start3A_160 : memref<64xi32, #tpu.memory_space<hbm>>) target(%arg5 : memref<64xi32, #tpu.memory_space<vmem>>) target_semaphore(%run_scoped3A : memref<!tpu.dma_semaphore, #tpu.memory_space<semaphore_mem>>)
      %dma_wait3A_161 = tpu.memref_slice %arg2[%add3A_95] : memref<32768xi32, #tpu.memory_space<hbm>> -> memref<64xi32, #tpu.memory_space<hbm>>
      %dma_wait3A_162 = tpu.memref_slice %arg2[%add3A_95] : memref<32768xi32, #tpu.memory_space<hbm>> -> memref<64xi32, #tpu.memory_space<hbm>>
      tpu.wait_dma2 semaphore(%run_scoped3A : memref<!tpu.dma_semaphore, #tpu.memory_space<semaphore_mem>>) src(%dma_wait3A_162 : memref<64xi32, #tpu.memory_space<hbm>>) dst(%arg5 : memref<64xi32, #tpu.memory_space<vmem>>)
      tpu.yield
    }) : () -> ()
    %dma_start3A_96 = arith.constant 0 : i32
    %dma_start3A_97 = arith.constant 0 : i32
    %dma_start3A_98 = tpu.memref_slice %arg3[%dma_start3A_96, %dma_start3A_97] : memref<100000x768xf32, #tpu.memory_space<hbm>> -> memref<100000x768xf32, #tpu.memory_space<hbm>>
    tpu.enqueue_indirect_dma source(%dma_start3A_98 : memref<100000x768xf32, #tpu.memory_space<hbm>>) target(%arg7 : memref<64x768xf32, #tpu.memory_space<vmem>>) offsets(%arg5 : memref<64xi32, #tpu.memory_space<vmem>>) semaphore(%arg9 : memref<!tpu.dma_semaphore, #tpu.memory_space<semaphore_mem>>)
    %dma_wait3A_99 = arith.constant 0 : i32
    %dma_wait3A_100 = arith.constant 0 : i32
    %dma_wait3A_101 = tpu.memref_slice %arg3[%dma_wait3A_99, %dma_wait3A_100] : memref<100000x768xf32, #tpu.memory_space<hbm>> -> memref<100000x768xf32, #tpu.memory_space<hbm>>
    tpu.wait_indirect_dma semaphore(%arg10 : memref<!tpu.dma_semaphore, #tpu.memory_space<semaphore_mem>>) src(%dma_wait3A_101 : memref<100000x768xf32, #tpu.memory_space<hbm>>) dst(%arg8 : memref<64x768xf32, #tpu.memory_space<vmem>>)
    %add3A_102 = arith.constant 576 : i32
    %add3A_103 = arith.addi %mul3A_2, %add3A_102 : i32
    "tpu.region"() ({
      %run_scoped3A = tpu.sem_alloc : memref<!tpu.dma_semaphore, #tpu.memory_space<semaphore_mem>>
      %dma_start3A_159 = arith.constant 0 : i32
      %dma_start3A_160 = tpu.memref_slice %arg4[%add3A_103, %dma_start3A_159] : memref<32768x768xf32, #tpu.memory_space<hbm>> -> memref<64x768xf32, #tpu.memory_space<hbm>>
      %dma_start3A_161 = arith.constant 0 : i32
      %dma_start3A_162 = tpu.memref_slice %arg4[%add3A_103, %dma_start3A_161] : memref<32768x768xf32, #tpu.memory_space<hbm>> -> memref<64x768xf32, #tpu.memory_space<hbm>>
      tpu.enqueue_dma source(%arg8 : memref<64x768xf32, #tpu.memory_space<vmem>>) target(%dma_start3A_162 : memref<64x768xf32, #tpu.memory_space<hbm>>) target_semaphore(%run_scoped3A : memref<!tpu.dma_semaphore, #tpu.memory_space<semaphore_mem>>)
      %dma_wait3A_163 = arith.constant 0 : i32
      %dma_wait3A_164 = tpu.memref_slice %arg4[%add3A_103, %dma_wait3A_163] : memref<32768x768xf32, #tpu.memory_space<hbm>> -> memref<64x768xf32, #tpu.memory_space<hbm>>
      %dma_wait3A_165 = arith.constant 0 : i32
      %dma_wait3A_166 = tpu.memref_slice %arg4[%add3A_103, %dma_wait3A_165] : memref<32768x768xf32, #tpu.memory_space<hbm>> -> memref<64x768xf32, #tpu.memory_space<hbm>>
      tpu.wait_dma2 semaphore(%run_scoped3A : memref<!tpu.dma_semaphore, #tpu.memory_space<semaphore_mem>>) src(%arg8 : memref<64x768xf32, #tpu.memory_space<vmem>>) dst(%dma_wait3A_166 : memref<64x768xf32, #tpu.memory_space<hbm>>)
      tpu.yield
    }) : () -> ()
    %add3A_104 = arith.constant 704 : i32
    %add3A_105 = arith.addi %mul3A_2, %add3A_104 : i32
    "tpu.region"() ({
      %run_scoped3A = tpu.sem_alloc : memref<!tpu.dma_semaphore, #tpu.memory_space<semaphore_mem>>
      %dma_start3A_159 = tpu.memref_slice %arg2[%add3A_105] : memref<32768xi32, #tpu.memory_space<hbm>> -> memref<64xi32, #tpu.memory_space<hbm>>
      %dma_start3A_160 = tpu.memref_slice %arg2[%add3A_105] : memref<32768xi32, #tpu.memory_space<hbm>> -> memref<64xi32, #tpu.memory_space<hbm>>
      tpu.enqueue_dma source(%dma_start3A_160 : memref<64xi32, #tpu.memory_space<hbm>>) target(%arg6 : memref<64xi32, #tpu.memory_space<vmem>>) target_semaphore(%run_scoped3A : memref<!tpu.dma_semaphore, #tpu.memory_space<semaphore_mem>>)
      %dma_wait3A_161 = tpu.memref_slice %arg2[%add3A_105] : memref<32768xi32, #tpu.memory_space<hbm>> -> memref<64xi32, #tpu.memory_space<hbm>>
      %dma_wait3A_162 = tpu.memref_slice %arg2[%add3A_105] : memref<32768xi32, #tpu.memory_space<hbm>> -> memref<64xi32, #tpu.memory_space<hbm>>
      tpu.wait_dma2 semaphore(%run_scoped3A : memref<!tpu.dma_semaphore, #tpu.memory_space<semaphore_mem>>) src(%dma_wait3A_162 : memref<64xi32, #tpu.memory_space<hbm>>) dst(%arg6 : memref<64xi32, #tpu.memory_space<vmem>>)
      tpu.yield
    }) : () -> ()
    %dma_start3A_106 = arith.constant 0 : i32
    %dma_start3A_107 = arith.constant 0 : i32
    %dma_start3A_108 = tpu.memref_slice %arg3[%dma_start3A_106, %dma_start3A_107] : memref<100000x768xf32, #tpu.memory_space<hbm>> -> memref<100000x768xf32, #tpu.memory_space<hbm>>
    tpu.enqueue_indirect_dma source(%dma_start3A_108 : memref<100000x768xf32, #tpu.memory_space<hbm>>) target(%arg8 : memref<64x768xf32, #tpu.memory_space<vmem>>) offsets(%arg6 : memref<64xi32, #tpu.memory_space<vmem>>) semaphore(%arg10 : memref<!tpu.dma_semaphore, #tpu.memory_space<semaphore_mem>>)
    %dma_wait3A_109 = arith.constant 0 : i32
    %dma_wait3A_110 = arith.constant 0 : i32
    %dma_wait3A_111 = tpu.memref_slice %arg3[%dma_wait3A_109, %dma_wait3A_110] : memref<100000x768xf32, #tpu.memory_space<hbm>> -> memref<100000x768xf32, #tpu.memory_space<hbm>>
    tpu.wait_indirect_dma semaphore(%arg9 : memref<!tpu.dma_semaphore, #tpu.memory_space<semaphore_mem>>) src(%dma_wait3A_111 : memref<100000x768xf32, #tpu.memory_space<hbm>>) dst(%arg7 : memref<64x768xf32, #tpu.memory_space<vmem>>)
    %add3A_112 = arith.constant 640 : i32
    %add3A_113 = arith.addi %mul3A_2, %add3A_112 : i32
    "tpu.region"() ({
      %run_scoped3A = tpu.sem_alloc : memref<!tpu.dma_semaphore, #tpu.memory_space<semaphore_mem>>
      %dma_start3A_159 = arith.constant 0 : i32
      %dma_start3A_160 = tpu.memref_slice %arg4[%add3A_113, %dma_start3A_159] : memref<32768x768xf32, #tpu.memory_space<hbm>> -> memref<64x768xf32, #tpu.memory_space<hbm>>
      %dma_start3A_161 = arith.constant 0 : i32
      %dma_start3A_162 = tpu.memref_slice %arg4[%add3A_113, %dma_start3A_161] : memref<32768x768xf32, #tpu.memory_space<hbm>> -> memref<64x768xf32, #tpu.memory_space<hbm>>
      tpu.enqueue_dma source(%arg7 : memref<64x768xf32, #tpu.memory_space<vmem>>) target(%dma_start3A_162 : memref<64x768xf32, #tpu.memory_space<hbm>>) target_semaphore(%run_scoped3A : memref<!tpu.dma_semaphore, #tpu.memory_space<semaphore_mem>>)
      %dma_wait3A_163 = arith.constant 0 : i32
      %dma_wait3A_164 = tpu.memref_slice %arg4[%add3A_113, %dma_wait3A_163] : memref<32768x768xf32, #tpu.memory_space<hbm>> -> memref<64x768xf32, #tpu.memory_space<hbm>>
      %dma_wait3A_165 = arith.constant 0 : i32
      %dma_wait3A_166 = tpu.memref_slice %arg4[%add3A_113, %dma_wait3A_165] : memref<32768x768xf32, #tpu.memory_space<hbm>> -> memref<64x768xf32, #tpu.memory_space<hbm>>
      tpu.wait_dma2 semaphore(%run_scoped3A : memref<!tpu.dma_semaphore, #tpu.memory_space<semaphore_mem>>) src(%arg7 : memref<64x768xf32, #tpu.memory_space<vmem>>) dst(%dma_wait3A_166 : memref<64x768xf32, #tpu.memory_space<hbm>>)
      tpu.yield
    }) : () -> ()
    %add3A_114 = arith.constant 768 : i32
    %add3A_115 = arith.addi %mul3A_2, %add3A_114 : i32
    "tpu.region"() ({
      %run_scoped3A = tpu.sem_alloc : memref<!tpu.dma_semaphore, #tpu.memory_space<semaphore_mem>>
      %dma_start3A_159 = tpu.memref_slice %arg2[%add3A_115] : memref<32768xi32, #tpu.memory_space<hbm>> -> memref<64xi32, #tpu.memory_space<hbm>>
      %dma_start3A_160 = tpu.memref_slice %arg2[%add3A_115] : memref<32768xi32, #tpu.memory_space<hbm>> -> memref<64xi32, #tpu.memory_space<hbm>>
      tpu.enqueue_dma source(%dma_start3A_160 : memref<64xi32, #tpu.memory_space<hbm>>) target(%arg5 : memref<64xi32, #tpu.memory_space<vmem>>) target_semaphore(%run_scoped3A : memref<!tpu.dma_semaphore, #tpu.memory_space<semaphore_mem>>)
      %dma_wait3A_161 = tpu.memref_slice %arg2[%add3A_115] : memref<32768xi32, #tpu.memory_space<hbm>> -> memref<64xi32, #tpu.memory_space<hbm>>
      %dma_wait3A_162 = tpu.memref_slice %arg2[%add3A_115] : memref<32768xi32, #tpu.memory_space<hbm>> -> memref<64xi32, #tpu.memory_space<hbm>>
      tpu.wait_dma2 semaphore(%run_scoped3A : memref<!tpu.dma_semaphore, #tpu.memory_space<semaphore_mem>>) src(%dma_wait3A_162 : memref<64xi32, #tpu.memory_space<hbm>>) dst(%arg5 : memref<64xi32, #tpu.memory_space<vmem>>)
      tpu.yield
    }) : () -> ()
    %dma_start3A_116 = arith.constant 0 : i32
    %dma_start3A_117 = arith.constant 0 : i32
    %dma_start3A_118 = tpu.memref_slice %arg3[%dma_start3A_116, %dma_start3A_117] : memref<100000x768xf32, #tpu.memory_space<hbm>> -> memref<100000x768xf32, #tpu.memory_space<hbm>>
    tpu.enqueue_indirect_dma source(%dma_start3A_118 : memref<100000x768xf32, #tpu.memory_space<hbm>>) target(%arg7 : memref<64x768xf32, #tpu.memory_space<vmem>>) offsets(%arg5 : memref<64xi32, #tpu.memory_space<vmem>>) semaphore(%arg9 : memref<!tpu.dma_semaphore, #tpu.memory_space<semaphore_mem>>)
    %dma_wait3A_119 = arith.constant 0 : i32
    %dma_wait3A_120 = arith.constant 0 : i32
    %dma_wait3A_121 = tpu.memref_slice %arg3[%dma_wait3A_119, %dma_wait3A_120] : memref<100000x768xf32, #tpu.memory_space<hbm>> -> memref<100000x768xf32, #tpu.memory_space<hbm>>
    tpu.wait_indirect_dma semaphore(%arg10 : memref<!tpu.dma_semaphore, #tpu.memory_space<semaphore_mem>>) src(%dma_wait3A_121 : memref<100000x768xf32, #tpu.memory_space<hbm>>) dst(%arg8 : memref<64x768xf32, #tpu.memory_space<vmem>>)
    %add3A_122 = arith.constant 704 : i32
    %add3A_123 = arith.addi %mul3A_2, %add3A_122 : i32
    "tpu.region"() ({
      %run_scoped3A = tpu.sem_alloc : memref<!tpu.dma_semaphore, #tpu.memory_space<semaphore_mem>>
      %dma_start3A_159 = arith.constant 0 : i32
      %dma_start3A_160 = tpu.memref_slice %arg4[%add3A_123, %dma_start3A_159] : memref<32768x768xf32, #tpu.memory_space<hbm>> -> memref<64x768xf32, #tpu.memory_space<hbm>>
      %dma_start3A_161 = arith.constant 0 : i32
      %dma_start3A_162 = tpu.memref_slice %arg4[%add3A_123, %dma_start3A_161] : memref<32768x768xf32, #tpu.memory_space<hbm>> -> memref<64x768xf32, #tpu.memory_space<hbm>>
      tpu.enqueue_dma source(%arg8 : memref<64x768xf32, #tpu.memory_space<vmem>>) target(%dma_start3A_162 : memref<64x768xf32, #tpu.memory_space<hbm>>) target_semaphore(%run_scoped3A : memref<!tpu.dma_semaphore, #tpu.memory_space<semaphore_mem>>)
      %dma_wait3A_163 = arith.constant 0 : i32
      %dma_wait3A_164 = tpu.memref_slice %arg4[%add3A_123, %dma_wait3A_163] : memref<32768x768xf32, #tpu.memory_space<hbm>> -> memref<64x768xf32, #tpu.memory_space<hbm>>
      %dma_wait3A_165 = arith.constant 0 : i32
      %dma_wait3A_166 = tpu.memref_slice %arg4[%add3A_123, %dma_wait3A_165] : memref<32768x768xf32, #tpu.memory_space<hbm>> -> memref<64x768xf32, #tpu.memory_space<hbm>>
      tpu.wait_dma2 semaphore(%run_scoped3A : memref<!tpu.dma_semaphore, #tpu.memory_space<semaphore_mem>>) src(%arg8 : memref<64x768xf32, #tpu.memory_space<vmem>>) dst(%dma_wait3A_166 : memref<64x768xf32, #tpu.memory_space<hbm>>)
      tpu.yield
    }) : () -> ()
    %add3A_124 = arith.constant 832 : i32
    %add3A_125 = arith.addi %mul3A_2, %add3A_124 : i32
    "tpu.region"() ({
      %run_scoped3A = tpu.sem_alloc : memref<!tpu.dma_semaphore, #tpu.memory_space<semaphore_mem>>
      %dma_start3A_159 = tpu.memref_slice %arg2[%add3A_125] : memref<32768xi32, #tpu.memory_space<hbm>> -> memref<64xi32, #tpu.memory_space<hbm>>
      %dma_start3A_160 = tpu.memref_slice %arg2[%add3A_125] : memref<32768xi32, #tpu.memory_space<hbm>> -> memref<64xi32, #tpu.memory_space<hbm>>
      tpu.enqueue_dma source(%dma_start3A_160 : memref<64xi32, #tpu.memory_space<hbm>>) target(%arg6 : memref<64xi32, #tpu.memory_space<vmem>>) target_semaphore(%run_scoped3A : memref<!tpu.dma_semaphore, #tpu.memory_space<semaphore_mem>>)
      %dma_wait3A_161 = tpu.memref_slice %arg2[%add3A_125] : memref<32768xi32, #tpu.memory_space<hbm>> -> memref<64xi32, #tpu.memory_space<hbm>>
      %dma_wait3A_162 = tpu.memref_slice %arg2[%add3A_125] : memref<32768xi32, #tpu.memory_space<hbm>> -> memref<64xi32, #tpu.memory_space<hbm>>
      tpu.wait_dma2 semaphore(%run_scoped3A : memref<!tpu.dma_semaphore, #tpu.memory_space<semaphore_mem>>) src(%dma_wait3A_162 : memref<64xi32, #tpu.memory_space<hbm>>) dst(%arg6 : memref<64xi32, #tpu.memory_space<vmem>>)
      tpu.yield
    }) : () -> ()
    %dma_start3A_126 = arith.constant 0 : i32
    %dma_start3A_127 = arith.constant 0 : i32
    %dma_start3A_128 = tpu.memref_slice %arg3[%dma_start3A_126, %dma_start3A_127] : memref<100000x768xf32, #tpu.memory_space<hbm>> -> memref<100000x768xf32, #tpu.memory_space<hbm>>
    tpu.enqueue_indirect_dma source(%dma_start3A_128 : memref<100000x768xf32, #tpu.memory_space<hbm>>) target(%arg8 : memref<64x768xf32, #tpu.memory_space<vmem>>) offsets(%arg6 : memref<64xi32, #tpu.memory_space<vmem>>) semaphore(%arg10 : memref<!tpu.dma_semaphore, #tpu.memory_space<semaphore_mem>>)
    %dma_wait3A_129 = arith.constant 0 : i32
    %dma_wait3A_130 = arith.constant 0 : i32
    %dma_wait3A_131 = tpu.memref_slice %arg3[%dma_wait3A_129, %dma_wait3A_130] : memref<100000x768xf32, #tpu.memory_space<hbm>> -> memref<100000x768xf32, #tpu.memory_space<hbm>>
    tpu.wait_indirect_dma semaphore(%arg9 : memref<!tpu.dma_semaphore, #tpu.memory_space<semaphore_mem>>) src(%dma_wait3A_131 : memref<100000x768xf32, #tpu.memory_space<hbm>>) dst(%arg7 : memref<64x768xf32, #tpu.memory_space<vmem>>)
    %add3A_132 = arith.constant 768 : i32
    %add3A_133 = arith.addi %mul3A_2, %add3A_132 : i32
    "tpu.region"() ({
      %run_scoped3A = tpu.sem_alloc : memref<!tpu.dma_semaphore, #tpu.memory_space<semaphore_mem>>
      %dma_start3A_159 = arith.constant 0 : i32
      %dma_start3A_160 = tpu.memref_slice %arg4[%add3A_133, %dma_start3A_159] : memref<32768x768xf32, #tpu.memory_space<hbm>> -> memref<64x768xf32, #tpu.memory_space<hbm>>
      %dma_start3A_161 = arith.constant 0 : i32
      %dma_start3A_162 = tpu.memref_slice %arg4[%add3A_133, %dma_start3A_161] : memref<32768x768xf32, #tpu.memory_space<hbm>> -> memref<64x768xf32, #tpu.memory_space<hbm>>
      tpu.enqueue_dma source(%arg7 : memref<64x768xf32, #tpu.memory_space<vmem>>) target(%dma_start3A_162 : memref<64x768xf32, #tpu.memory_space<hbm>>) target_semaphore(%run_scoped3A : memref<!tpu.dma_semaphore, #tpu.memory_space<semaphore_mem>>)
      %dma_wait3A_163 = arith.constant 0 : i32
      %dma_wait3A_164 = tpu.memref_slice %arg4[%add3A_133, %dma_wait3A_163] : memref<32768x768xf32, #tpu.memory_space<hbm>> -> memref<64x768xf32, #tpu.memory_space<hbm>>
      %dma_wait3A_165 = arith.constant 0 : i32
      %dma_wait3A_166 = tpu.memref_slice %arg4[%add3A_133, %dma_wait3A_165] : memref<32768x768xf32, #tpu.memory_space<hbm>> -> memref<64x768xf32, #tpu.memory_space<hbm>>
      tpu.wait_dma2 semaphore(%run_scoped3A : memref<!tpu.dma_semaphore, #tpu.memory_space<semaphore_mem>>) src(%arg7 : memref<64x768xf32, #tpu.memory_space<vmem>>) dst(%dma_wait3A_166 : memref<64x768xf32, #tpu.memory_space<hbm>>)
      tpu.yield
    }) : () -> ()
    %add3A_134 = arith.constant 896 : i32
    %add3A_135 = arith.addi %mul3A_2, %add3A_134 : i32
    "tpu.region"() ({
      %run_scoped3A = tpu.sem_alloc : memref<!tpu.dma_semaphore, #tpu.memory_space<semaphore_mem>>
      %dma_start3A_159 = tpu.memref_slice %arg2[%add3A_135] : memref<32768xi32, #tpu.memory_space<hbm>> -> memref<64xi32, #tpu.memory_space<hbm>>
      %dma_start3A_160 = tpu.memref_slice %arg2[%add3A_135] : memref<32768xi32, #tpu.memory_space<hbm>> -> memref<64xi32, #tpu.memory_space<hbm>>
      tpu.enqueue_dma source(%dma_start3A_160 : memref<64xi32, #tpu.memory_space<hbm>>) target(%arg5 : memref<64xi32, #tpu.memory_space<vmem>>) target_semaphore(%run_scoped3A : memref<!tpu.dma_semaphore, #tpu.memory_space<semaphore_mem>>)
      %dma_wait3A_161 = tpu.memref_slice %arg2[%add3A_135] : memref<32768xi32, #tpu.memory_space<hbm>> -> memref<64xi32, #tpu.memory_space<hbm>>
      %dma_wait3A_162 = tpu.memref_slice %arg2[%add3A_135] : memref<32768xi32, #tpu.memory_space<hbm>> -> memref<64xi32, #tpu.memory_space<hbm>>
      tpu.wait_dma2 semaphore(%run_scoped3A : memref<!tpu.dma_semaphore, #tpu.memory_space<semaphore_mem>>) src(%dma_wait3A_162 : memref<64xi32, #tpu.memory_space<hbm>>) dst(%arg5 : memref<64xi32, #tpu.memory_space<vmem>>)
      tpu.yield
    }) : () -> ()
    %dma_start3A_136 = arith.constant 0 : i32
    %dma_start3A_137 = arith.constant 0 : i32
    %dma_start3A_138 = tpu.memref_slice %arg3[%dma_start3A_136, %dma_start3A_137] : memref<100000x768xf32, #tpu.memory_space<hbm>> -> memref<100000x768xf32, #tpu.memory_space<hbm>>
    tpu.enqueue_indirect_dma source(%dma_start3A_138 : memref<100000x768xf32, #tpu.memory_space<hbm>>) target(%arg7 : memref<64x768xf32, #tpu.memory_space<vmem>>) offsets(%arg5 : memref<64xi32, #tpu.memory_space<vmem>>) semaphore(%arg9 : memref<!tpu.dma_semaphore, #tpu.memory_space<semaphore_mem>>)
    %dma_wait3A_139 = arith.constant 0 : i32
    %dma_wait3A_140 = arith.constant 0 : i32
    %dma_wait3A_141 = tpu.memref_slice %arg3[%dma_wait3A_139, %dma_wait3A_140] : memref<100000x768xf32, #tpu.memory_space<hbm>> -> memref<100000x768xf32, #tpu.memory_space<hbm>>
    tpu.wait_indirect_dma semaphore(%arg10 : memref<!tpu.dma_semaphore, #tpu.memory_space<semaphore_mem>>) src(%dma_wait3A_141 : memref<100000x768xf32, #tpu.memory_space<hbm>>) dst(%arg8 : memref<64x768xf32, #tpu.memory_space<vmem>>)
    %add3A_142 = arith.constant 832 : i32
    %add3A_143 = arith.addi %mul3A_2, %add3A_142 : i32
    "tpu.region"() ({
      %run_scoped3A = tpu.sem_alloc : memref<!tpu.dma_semaphore, #tpu.memory_space<semaphore_mem>>
      %dma_start3A_159 = arith.constant 0 : i32
      %dma_start3A_160 = tpu.memref_slice %arg4[%add3A_143, %dma_start3A_159] : memref<32768x768xf32, #tpu.memory_space<hbm>> -> memref<64x768xf32, #tpu.memory_space<hbm>>
      %dma_start3A_161 = arith.constant 0 : i32
      %dma_start3A_162 = tpu.memref_slice %arg4[%add3A_143, %dma_start3A_161] : memref<32768x768xf32, #tpu.memory_space<hbm>> -> memref<64x768xf32, #tpu.memory_space<hbm>>
      tpu.enqueue_dma source(%arg8 : memref<64x768xf32, #tpu.memory_space<vmem>>) target(%dma_start3A_162 : memref<64x768xf32, #tpu.memory_space<hbm>>) target_semaphore(%run_scoped3A : memref<!tpu.dma_semaphore, #tpu.memory_space<semaphore_mem>>)
      %dma_wait3A_163 = arith.constant 0 : i32
      %dma_wait3A_164 = tpu.memref_slice %arg4[%add3A_143, %dma_wait3A_163] : memref<32768x768xf32, #tpu.memory_space<hbm>> -> memref<64x768xf32, #tpu.memory_space<hbm>>
      %dma_wait3A_165 = arith.constant 0 : i32
      %dma_wait3A_166 = tpu.memref_slice %arg4[%add3A_143, %dma_wait3A_165] : memref<32768x768xf32, #tpu.memory_space<hbm>> -> memref<64x768xf32, #tpu.memory_space<hbm>>
      tpu.wait_dma2 semaphore(%run_scoped3A : memref<!tpu.dma_semaphore, #tpu.memory_space<semaphore_mem>>) src(%arg8 : memref<64x768xf32, #tpu.memory_space<vmem>>) dst(%dma_wait3A_166 : memref<64x768xf32, #tpu.memory_space<hbm>>)
      tpu.yield
    }) : () -> ()
    %add3A_144 = arith.constant 960 : i32
    %add3A_145 = arith.addi %mul3A_2, %add3A_144 : i32
    "tpu.region"() ({
      %run_scoped3A = tpu.sem_alloc : memref<!tpu.dma_semaphore, #tpu.memory_space<semaphore_mem>>
      %dma_start3A_159 = tpu.memref_slice %arg2[%add3A_145] : memref<32768xi32, #tpu.memory_space<hbm>> -> memref<64xi32, #tpu.memory_space<hbm>>
      %dma_start3A_160 = tpu.memref_slice %arg2[%add3A_145] : memref<32768xi32, #tpu.memory_space<hbm>> -> memref<64xi32, #tpu.memory_space<hbm>>
      tpu.enqueue_dma source(%dma_start3A_160 : memref<64xi32, #tpu.memory_space<hbm>>) target(%arg6 : memref<64xi32, #tpu.memory_space<vmem>>) target_semaphore(%run_scoped3A : memref<!tpu.dma_semaphore, #tpu.memory_space<semaphore_mem>>)
      %dma_wait3A_161 = tpu.memref_slice %arg2[%add3A_145] : memref<32768xi32, #tpu.memory_space<hbm>> -> memref<64xi32, #tpu.memory_space<hbm>>
      %dma_wait3A_162 = tpu.memref_slice %arg2[%add3A_145] : memref<32768xi32, #tpu.memory_space<hbm>> -> memref<64xi32, #tpu.memory_space<hbm>>
      tpu.wait_dma2 semaphore(%run_scoped3A : memref<!tpu.dma_semaphore, #tpu.memory_space<semaphore_mem>>) src(%dma_wait3A_162 : memref<64xi32, #tpu.memory_space<hbm>>) dst(%arg6 : memref<64xi32, #tpu.memory_space<vmem>>)
      tpu.yield
    }) : () -> ()
    %dma_start3A_146 = arith.constant 0 : i32
    %dma_start3A_147 = arith.constant 0 : i32
    %dma_start3A_148 = tpu.memref_slice %arg3[%dma_start3A_146, %dma_start3A_147] : memref<100000x768xf32, #tpu.memory_space<hbm>> -> memref<100000x768xf32, #tpu.memory_space<hbm>>
    tpu.enqueue_indirect_dma source(%dma_start3A_148 : memref<100000x768xf32, #tpu.memory_space<hbm>>) target(%arg8 : memref<64x768xf32, #tpu.memory_space<vmem>>) offsets(%arg6 : memref<64xi32, #tpu.memory_space<vmem>>) semaphore(%arg10 : memref<!tpu.dma_semaphore, #tpu.memory_space<semaphore_mem>>)
    %dma_wait3A_149 = arith.constant 0 : i32
    %dma_wait3A_150 = arith.constant 0 : i32
    %dma_wait3A_151 = tpu.memref_slice %arg3[%dma_wait3A_149, %dma_wait3A_150] : memref<100000x768xf32, #tpu.memory_space<hbm>> -> memref<100000x768xf32, #tpu.memory_space<hbm>>
    tpu.wait_indirect_dma semaphore(%arg9 : memref<!tpu.dma_semaphore, #tpu.memory_space<semaphore_mem>>) src(%dma_wait3A_151 : memref<100000x768xf32, #tpu.memory_space<hbm>>) dst(%arg7 : memref<64x768xf32, #tpu.memory_space<vmem>>)
    %add3A_152 = arith.constant 896 : i32
    %add3A_153 = arith.addi %mul3A_2, %add3A_152 : i32
    "tpu.region"() ({
      %run_scoped3A = tpu.sem_alloc : memref<!tpu.dma_semaphore, #tpu.memory_space<semaphore_mem>>
      %dma_start3A_159 = arith.constant 0 : i32
      %dma_start3A_160 = tpu.memref_slice %arg4[%add3A_153, %dma_start3A_159] : memref<32768x768xf32, #tpu.memory_space<hbm>> -> memref<64x768xf32, #tpu.memory_space<hbm>>
      %dma_start3A_161 = arith.constant 0 : i32
      %dma_start3A_162 = tpu.memref_slice %arg4[%add3A_153, %dma_start3A_161] : memref<32768x768xf32, #tpu.memory_space<hbm>> -> memref<64x768xf32, #tpu.memory_space<hbm>>
      tpu.enqueue_dma source(%arg7 : memref<64x768xf32, #tpu.memory_space<vmem>>) target(%dma_start3A_162 : memref<64x768xf32, #tpu.memory_space<hbm>>) target_semaphore(%run_scoped3A : memref<!tpu.dma_semaphore, #tpu.memory_space<semaphore_mem>>)
      %dma_wait3A_163 = arith.constant 0 : i32
      %dma_wait3A_164 = tpu.memref_slice %arg4[%add3A_153, %dma_wait3A_163] : memref<32768x768xf32, #tpu.memory_space<hbm>> -> memref<64x768xf32, #tpu.memory_space<hbm>>
      %dma_wait3A_165 = arith.constant 0 : i32
      %dma_wait3A_166 = tpu.memref_slice %arg4[%add3A_153, %dma_wait3A_165] : memref<32768x768xf32, #tpu.memory_space<hbm>> -> memref<64x768xf32, #tpu.memory_space<hbm>>
      tpu.wait_dma2 semaphore(%run_scoped3A : memref<!tpu.dma_semaphore, #tpu.memory_space<semaphore_mem>>) src(%arg7 : memref<64x768xf32, #tpu.memory_space<vmem>>) dst(%dma_wait3A_166 : memref<64x768xf32, #tpu.memory_space<hbm>>)
      tpu.yield
    }) : () -> ()
    %dma_wait3A_154 = arith.constant 0 : i32
    %dma_wait3A_155 = arith.constant 0 : i32
    %dma_wait3A_156 = tpu.memref_slice %arg3[%dma_wait3A_154, %dma_wait3A_155] : memref<100000x768xf32, #tpu.memory_space<hbm>> -> memref<100000x768xf32, #tpu.memory_space<hbm>>
    tpu.wait_indirect_dma semaphore(%arg10 : memref<!tpu.dma_semaphore, #tpu.memory_space<semaphore_mem>>) src(%dma_wait3A_156 : memref<100000x768xf32, #tpu.memory_space<hbm>>) dst(%arg8 : memref<64x768xf32, #tpu.memory_space<vmem>>)
    %add3A_157 = arith.constant 960 : i32
    %add3A_158 = arith.addi %mul3A_2, %add3A_157 : i32
    "tpu.region"() ({
      %run_scoped3A = tpu.sem_alloc : memref<!tpu.dma_semaphore, #tpu.memory_space<semaphore_mem>>
      %dma_start3A_159 = arith.constant 0 : i32
      %dma_start3A_160 = tpu.memref_slice %arg4[%add3A_158, %dma_start3A_159] : memref<32768x768xf32, #tpu.memory_space<hbm>> -> memref<64x768xf32, #tpu.memory_space<hbm>>
      %dma_start3A_161 = arith.constant 0 : i32
      %dma_start3A_162 = tpu.memref_slice %arg4[%add3A_158, %dma_start3A_161] : memref<32768x768xf32, #tpu.memory_space<hbm>> -> memref<64x768xf32, #tpu.memory_space<hbm>>
      tpu.enqueue_dma source(%arg8 : memref<64x768xf32, #tpu.memory_space<vmem>>) target(%dma_start3A_162 : memref<64x768xf32, #tpu.memory_space<hbm>>) target_semaphore(%run_scoped3A : memref<!tpu.dma_semaphore, #tpu.memory_space<semaphore_mem>>)
      %dma_wait3A_163 = arith.constant 0 : i32
      %dma_wait3A_164 = tpu.memref_slice %arg4[%add3A_158, %dma_wait3A_163] : memref<32768x768xf32, #tpu.memory_space<hbm>> -> memref<64x768xf32, #tpu.memory_space<hbm>>
      %dma_wait3A_165 = arith.constant 0 : i32
      %dma_wait3A_166 = tpu.memref_slice %arg4[%add3A_158, %dma_wait3A_165] : memref<32768x768xf32, #tpu.memory_space<hbm>> -> memref<64x768xf32, #tpu.memory_space<hbm>>
      tpu.wait_dma2 semaphore(%run_scoped3A : memref<!tpu.dma_semaphore, #tpu.memory_space<semaphore_mem>>) src(%arg8 : memref<64x768xf32, #tpu.memory_space<vmem>>) dst(%dma_wait3A_166 : memref<64x768xf32, #tpu.memory_space<hbm>>)
      tpu.yield
    }) : () -> ()
    return
  }
}

module attributes {stable_mosaic.version = 14 : i64} {
  func.func @_ln_body(%arg0: i32, %arg1: i32, %arg2: memref<1x512x768xf32, #tpu.memory_space<vmem>>, %arg3: memref<1x1x512xi32, #tpu.memory_space<vmem>>, %arg4: memref<512x768xf32, #tpu.memory_space<vmem>>, %arg5: memref<2x768xf32, #tpu.memory_space<vmem>>, %arg6: memref<1x768xf32, #tpu.memory_space<vmem>>, %arg7: memref<1x768xf32, #tpu.memory_space<vmem>>, %arg8: memref<1x512x768xf32, #tpu.memory_space<vmem>>) attributes {dimension_semantics = [#tpu.dimension_semantics<arbitrary>, #tpu.dimension_semantics<arbitrary>], iteration_bounds = array<i64: 4, 16>, scalar_prefetch = 0 : i64, scratch_operands = 0 : i64, tpu.core_type = #tpu.core_type<tc>, window_params = [{transform_indices = @transform_0, window_bounds = array<i64: 1, 512, 768>}, {transform_indices = @transform_1, window_bounds = array<i64: 1, 1, 512>}, {transform_indices = @transform_2, window_bounds = array<i64: 512, 768>}, {pipeline_mode = #tpu.pipeline_mode<synchronous>, transform_indices = @transform_3, window_bounds = array<i64: 2, 768>}, {pipeline_mode = #tpu.pipeline_mode<synchronous>, transform_indices = @transform_4, window_bounds = array<i64: 1, 768>}, {pipeline_mode = #tpu.pipeline_mode<synchronous>, transform_indices = @transform_5, window_bounds = array<i64: 1, 768>}, {transform_indices = @transform_6, window_bounds = array<i64: 1, 512, 768>}]} {
    %get3A = arith.constant 0 : index
    %get3A_0 = arith.constant 0 : index
    %get3A_1 = arith.constant 0 : index
    %get3A_2 = vector.load %arg2[%get3A, %get3A_0, %get3A_1] : memref<1x512x768xf32, #tpu.memory_space<vmem>>, vector<1x512x768xf32>
    %get3A_3 = vector.shape_cast %get3A_2 : vector<1x512x768xf32> to vector<512x768xf32>
    %get3A_4 = arith.constant 0 : index
    %get3A_5 = arith.constant 0 : index
    %get3A_6 = arith.constant 0 : index
    %get3A_7 = vector.load %arg3[%get3A_4, %get3A_5, %get3A_6] : memref<1x1x512xi32, #tpu.memory_space<vmem>>, vector<1x1x512xi32>
    %get3A_8 = vector.shape_cast %get3A_7 : vector<1x1x512xi32> to vector<512xi32>
    %get3A_9 = arith.constant 0 : index
    %get3A_10 = arith.constant 0 : index
    %get3A_11 = vector.load %arg5[%get3A_9, %get3A_10] : memref<2x768xf32, #tpu.memory_space<vmem>>, vector<1x768xf32>
    %get3A_12 = vector.shape_cast %get3A_11 : vector<1x768xf32> to vector<768xf32>
    %get3A_13 = arith.constant 1 : index
    %get3A_14 = arith.constant 0 : index
    %get3A_15 = vector.load %arg5[%get3A_13, %get3A_14] : memref<2x768xf32, #tpu.memory_space<vmem>>, vector<1x768xf32>
    %get3A_16 = vector.shape_cast %get3A_15 : vector<1x768xf32> to vector<768xf32>
    %eq3A = arith.constant 1 : i32
    %eq3A_17 = vector.broadcast %eq3A : i32 to vector<512xi32>
    %eq3A_18 = arith.cmpi eq, %get3A_8, %eq3A_17 : vector<512xi32>
    %convert_element_type3A = arith.extui %eq3A_18 : vector<512xi1> to vector<512xi32>
    %convert_element_type3A_19 = arith.sitofp %convert_element_type3A : vector<512xi32> to vector<512xf32>
    %broadcast_in_dim3A = vector.shape_cast %convert_element_type3A_19 : vector<512xf32> to vector<512x1xf32>
    %get3A_20 = arith.constant 0 : index
    %get3A_21 = arith.constant 0 : index
    %get3A_22 = vector.load %arg4[%get3A_20, %get3A_21] : memref<512x768xf32, #tpu.memory_space<vmem>>, vector<512x768xf32>
    %add3A = arith.addf %get3A_3, %get3A_22 : vector<512x768xf32>
    %broadcast_in_dim3A_23 = vector.shape_cast %get3A_12 : vector<768xf32> to vector<1x768xf32>
    %add3A_24 = vector.broadcast %broadcast_in_dim3A_23 : vector<1x768xf32> to vector<512x768xf32>
    %add3A_25 = arith.addf %add3A, %add3A_24 : vector<512x768xf32>
    %sub3A = arith.subf %get3A_16, %get3A_12 : vector<768xf32>
    %broadcast_in_dim3A_26 = vector.shape_cast %sub3A : vector<768xf32> to vector<1x768xf32>
    %mul3A = vector.broadcast %broadcast_in_dim3A : vector<512x1xf32> to vector<512x768xf32>
    %mul3A_27 = vector.broadcast %broadcast_in_dim3A_26 : vector<1x768xf32> to vector<512x768xf32>
    %mul3A_28 = arith.mulf %mul3A, %mul3A_27 : vector<512x768xf32>
    %add3A_29 = arith.addf %add3A_25, %mul3A_28 : vector<512x768xf32>
    %reduce_sum3A = arith.constant dense<0.000000e+00> : vector<512xf32>
    %reduce_sum3A_30 = vector.multi_reduction <add>, %add3A_29, %reduce_sum3A [1] : vector<512x768xf32> to vector<512xf32>
    %broadcast_in_dim3A_31 = vector.shape_cast %reduce_sum3A_30 : vector<512xf32> to vector<512x1xf32>
    %div3A = arith.constant 7.680000e+02 : f32
    %div3A_32 = vector.broadcast %div3A : f32 to vector<512x1xf32>
    %div3A_33 = arith.divf %broadcast_in_dim3A_31, %div3A_32 : vector<512x1xf32>
    %sub3A_34 = vector.broadcast %div3A_33 : vector<512x1xf32> to vector<512x768xf32>
    %sub3A_35 = arith.subf %add3A_29, %sub3A_34 : vector<512x768xf32>
    %mul3A_36 = arith.mulf %sub3A_35, %sub3A_35 : vector<512x768xf32>
    %reduce_sum3A_37 = arith.constant dense<0.000000e+00> : vector<512xf32>
    %reduce_sum3A_38 = vector.multi_reduction <add>, %mul3A_36, %reduce_sum3A_37 [1] : vector<512x768xf32> to vector<512xf32>
    %broadcast_in_dim3A_39 = vector.shape_cast %reduce_sum3A_38 : vector<512xf32> to vector<512x1xf32>
    %div3A_40 = arith.constant 7.680000e+02 : f32
    %div3A_41 = vector.broadcast %div3A_40 : f32 to vector<512x1xf32>
    %div3A_42 = arith.divf %broadcast_in_dim3A_39, %div3A_41 : vector<512x1xf32>
    %add3A_43 = arith.constant 9.99999974E-6 : f32
    %add3A_44 = vector.broadcast %add3A_43 : f32 to vector<512x1xf32>
    %add3A_45 = arith.addf %div3A_42, %add3A_44 : vector<512x1xf32>
    %rsqrt3A = math.rsqrt %add3A_45 : vector<512x1xf32>
    %mul3A_46 = vector.broadcast %rsqrt3A : vector<512x1xf32> to vector<512x768xf32>
    %mul3A_47 = arith.mulf %sub3A_35, %mul3A_46 : vector<512x768xf32>
    %get3A_48 = arith.constant 0 : index
    %get3A_49 = arith.constant 0 : index
    %get3A_50 = vector.load %arg6[%get3A_48, %get3A_49] : memref<1x768xf32, #tpu.memory_space<vmem>>, vector<1x768xf32>
    %get3A_51 = vector.shape_cast %get3A_50 : vector<1x768xf32> to vector<768xf32>
    %broadcast_in_dim3A_52 = vector.shape_cast %get3A_51 : vector<768xf32> to vector<1x768xf32>
    %mul3A_53 = vector.broadcast %broadcast_in_dim3A_52 : vector<1x768xf32> to vector<512x768xf32>
    %mul3A_54 = arith.mulf %mul3A_47, %mul3A_53 : vector<512x768xf32>
    %get3A_55 = arith.constant 0 : index
    %get3A_56 = arith.constant 0 : index
    %get3A_57 = vector.load %arg7[%get3A_55, %get3A_56] : memref<1x768xf32, #tpu.memory_space<vmem>>, vector<1x768xf32>
    %get3A_58 = vector.shape_cast %get3A_57 : vector<1x768xf32> to vector<768xf32>
    %broadcast_in_dim3A_59 = vector.shape_cast %get3A_58 : vector<768xf32> to vector<1x768xf32>
    %add3A_60 = vector.broadcast %broadcast_in_dim3A_59 : vector<1x768xf32> to vector<512x768xf32>
    %add3A_61 = arith.addf %mul3A_54, %add3A_60 : vector<512x768xf32>
    %swap3A = arith.constant 0 : index
    %swap3A_62 = arith.constant 0 : index
    %swap3A_63 = arith.constant 0 : index
    %swap3A_64 = vector.load %arg8[%swap3A, %swap3A_62, %swap3A_63] : memref<1x512x768xf32, #tpu.memory_space<vmem>>, vector<1x512x768xf32>
    %swap3A_65 = vector.shape_cast %swap3A_64 : vector<1x512x768xf32> to vector<512x768xf32>
    %swap3A_66 = vector.shape_cast %add3A_61 : vector<512x768xf32> to vector<1x512x768xf32>
    tpu.vector_store %arg8[%swap3A, %swap3A_62, %swap3A_63], %swap3A_66 {strides = array<i32>} : memref<1x512x768xf32, #tpu.memory_space<vmem>>, vector<1x512x768xf32>,
    return
  }
  func.func @transform_0(%arg0: i32, %arg1: i32) -> (i32, i32, i32) {
    %c0_i32 = arith.constant 0 : i32
    %c0_i32_0 = arith.constant 0 : i32
    return %arg0, %arg1, %c0_i32 : i32, i32, i32
  }
  func.func @transform_1(%arg0: i32, %arg1: i32) -> (i32, i32, i32) {
    %mul3A = arith.constant 16 : i32
    %mul3A_0 = arith.muli %arg0, %mul3A : i32
    %add3A = arith.addi %mul3A_0, %arg1 : i32
    %c0_i32 = arith.constant 0 : i32
    %c0_i32_1 = arith.constant 0 : i32
    %c0_i32_2 = arith.constant 0 : i32
    return %add3A, %c0_i32, %c0_i32_1 : i32, i32, i32
  }
  func.func @transform_2(%arg0: i32, %arg1: i32) -> (i32, i32) {
    %c0_i32 = arith.constant 0 : i32
    %c0_i32_0 = arith.constant 0 : i32
    return %arg1, %c0_i32 : i32, i32
  }
  func.func @transform_3(%arg0: i32, %arg1: i32) -> (i32, i32) {
    %c0_i32 = arith.constant 0 : i32
    %c0_i32_0 = arith.constant 0 : i32
    %c0_i32_1 = arith.constant 0 : i32
    return %c0_i32, %c0_i32_0 : i32, i32
  }
  func.func @transform_4(%arg0: i32, %arg1: i32) -> (i32, i32) {
    %c0_i32 = arith.constant 0 : i32
    %c0_i32_0 = arith.constant 0 : i32
    %c0_i32_1 = arith.constant 0 : i32
    return %c0_i32, %c0_i32_0 : i32, i32
  }
  func.func @transform_5(%arg0: i32, %arg1: i32) -> (i32, i32) {
    %c0_i32 = arith.constant 0 : i32
    %c0_i32_0 = arith.constant 0 : i32
    %c0_i32_1 = arith.constant 0 : i32
    return %c0_i32, %c0_i32_0 : i32, i32
  }
  func.func @transform_6(%arg0: i32, %arg1: i32) -> (i32, i32, i32) {
    %c0_i32 = arith.constant 0 : i32
    %c0_i32_0 = arith.constant 0 : i32
    return %arg0, %arg1, %c0_i32 : i32, i32, i32
  }
}

</mosaic_0001>

<sc_bundles>
// kernel: kernel.4.cloned.1.call-start
scs
__scs_entry_jumppad:
0x0: {  	(pc) =	sbr.rel $0x88, $3  }
0x1: {  	(tag) =	ssettag $0x0;
	lr =	simm.s32 $0x1  }
0x2: {  	[smem:$0x3F9A] =	sst lr;
	_ =	strace $0xD0000000  }
0x3: {  	_ = 	snop  }
0x4: {  	_ = 	snop  }
0x5: {  	_ = 	snop  }
0x6: {  	_ = 	snop  }
0x7: {  	_ = 	snop  }
__scs_overlays_trampoline_lowered:
0x8: {  	[smem:$0x3FA9] =	sst s0  }
0x9: {  	[smem:$0x3FAA] =	sst s1  }
0xa: {  	[smem:$0x3FAB] =	sst s2  }
0xb: {  	[smem:$0x3FAC] =	sst s3  }
0xc: {  	[smem:$0x3FAD] =	sst s4  }
0xd: {  	[smem:$0x3FAE] =	sst s5  }
0xe: {  	[smem:$0x3FAF] =	sst s6  }
0xf: {  	[smem:$0x3FB0] =	sst s7  }
0x10: {  	[smem:$0x3FB1] =	sst s8  }
0x11: {  	[smem:$0x3FB2] =	sst s9;
	s0 =	simm.s32 @!p0 $0x0  }
0x12: {  	s1 =	sld [smem:$0x3F98];
	s0 =	simm.s32 @p0 $0x1  }
0x13: {  	[smem:$0x3FB3] =	sst s0;
	s0 =	simm.s32 @!p1 $0x0  }
0x14: {  	s2 =	sld [smem:$0x3F97];
	s0 =	simm.s32 @p1 $0x1  }
0x15: {  	[smem:$0x3FB4] =	sst s0;
	s0 =	simm.s32 @!p2 $0x0  }
0x16: {  	s3 =	sld [smem:$0x3FDB];
	s0 =	simm.s32 @p2 $0x1  }
0x17: {  	s4 =	simm.s32 $0x1BF5;
	[smem:$0x3FB6] =	sst s0  }
0x18: {  	s0 =	sld [smem:$0x3F99];
	_ =	swait.ge [sflag:s4], $0x0  }
0x19: {  	s7 =	sld [smem:$0x3F9A]  }
0x1a: {  	s8 =	sadd.s32 $0xFFFFE003, lr  }
0x1b: {  	s9 =	sadd.s32 $0xFFFFFEF7, lr;
	s5 =	simm.s32 $0xFFFFFFFF;
	p2 =	slt.u32 s8, $0xFFFFF086  }
0x1c: {  	p1 =	slt.u32 s9, $0xF7A;
	s5 =	simm.s32 @!p2 $0x0  }
0x1d: {  	s5 =	simm.s32 @p1 $0x1;
	p0 =	seq.s32 s7, s2  }
0x1e: {  	s7 =	smul.u32 @!p0 $0xF7A, s2;
	p2 =	seq.s32 @!p0 s5, $0x0  }
0x1f: {  	s9 =	smul.u32 $0xF7A, s1;
	s8 =	simm.s32 @!p0 $0x1BF5;
	p2 =	por !p2, p0  }
0x20: {  	[sflag:s8] =	ssyncset.s32 @!p0 $0xFFFFF086;
	s6 =	sadd.s32 @!p0 s3, s7;
	s7 =	simm.s32 @!p0 $0x108  }
0x21: {  	s3 =	sadd.s32 s3, s9;
	s6 =	sadd.s32 @!p0 $0x88, s6;
	s7 =	simm.s32 @p2 $0x1082  }
0x22: {  	[simem:s7], [sflag:s8] =	dma.local @!p0 [hbm:s6], $0xF7A  }
0x23: {  	s9 =	sor.u32 $0xD0000000, s2;
	s6 =	simm.s32 $0x108;
	_ =	swait.ge @!p0 [sflag:s8], $0x0  }
0x24: {  	s3 =	sadd.s32 $0x88, s3;
	s6 =	simm.s32 @!p1 $0x1082;
	[sflag:s4] =	ssyncset.s32 $0xFFFFF086  }
0x25: {  	[simem:s6], [sflag:s4] =	dma.local [hbm:s3], $0xF7A  }
0x26: {  	[smem:$0x3F9A] =	sst s1;
	(tag) =	ssettag s2;
	_ =	strace s9  }
0x27: {  	s1 =	sld [smem:$0x3FAA]  }
0x28: {  	s2 =	sld [smem:$0x3FAB]  }
0x29: {  	s4 =	sld [smem:$0x3FAD]  }
0x2a: {  	p0 =	seq.s32 s5, $0x0;
	s5 =	sld [smem:$0x3FAE]  }
0x2b: {  	s6 =	sld [smem:$0x3FAF]  }
0x2c: {  	s7 =	sld [smem:$0x3FB0]  }
0x2d: {  	s3 =	simm.s32 $0x108;
	s8 =	sld [smem:$0x3FB1]  }
0x2e: {  	s3 =	simm.s32 @!p0 $0x1082;
	s9 =	sld [smem:$0x3FB2]  }
0x2f: {  	lr =	sadd.s32 s0, s3;
	s0 =	sld [smem:$0x3FA9]  }
0x30: {  	s3 =	sld [smem:$0x3FAC]  }
0x31: {  	[smem:$0x3FB5] =	sst s10  }
0x32: {  	s10 =	sld [smem:$0x3FB3];
	_ =	sdelay $0x3  }
0x33: {  	p0 =	seq.s32 s10, $0x1;
	s10 =	sld [smem:$0x3FB5];
	_ =	sdelay $0x3  }
0x34: {  	[smem:$0x3FB5] =	sst s10  }
0x35: {  	s10 =	sld [smem:$0x3FB4];
	_ =	sdelay $0x3  }
0x36: {  	p1 =	seq.s32 s10, $0x1;
	s10 =	sld [smem:$0x3FB5];
	_ =	sdelay $0x3  }
0x37: {  	[smem:$0x3FB5] =	sst s10  }
0x38: {  	s10 =	sld [smem:$0x3FB6]  }
0x39: {  	_ = 	snop;
	(pc) =	sbr.ind lr, $3  }
0x3a: {  	_ = 	snop  }
0x3b: {  	_ = 	snop  }
0x3c: {  	p2 =	seq.s32 s10, $0x1;
	s10 =	sld [smem:$0x3FB5]  }
0x3d: {  	_ =	shalt  }
0x3e: {  	_ =	shalt  }
0x3f: {  	_ =	shalt  }
0x40: {  	_ =	shalt  }
0x41: {  	_ =	shalt  }
0x42: {  	_ =	shalt  }
0x43: {  	_ =	shalt  }
0x44: {  	_ =	shalt  }
0x45: {  	_ =	shalt  }
0x46: {  	_ =	shalt  }
0x47: {  	_ =	shalt  }
0x48: {  	_ =	shalt  }
0x49: {  	_ =	shalt  }
0x4a: {  	_ =	shalt  }
0x4b: {  	_ =	shalt  }
0x4c: {  	_ =	shalt  }
0x4d: {  	_ =	shalt  }
0x4e: {  	_ =	shalt  }
0x4f: {  	_ =	shalt  }
0x50: {  	_ =	shalt  }
0x51: {  	_ =	shalt  }
0x52: {  	_ =	shalt  }
0x53: {  	_ =	shalt  }
0x54: {  	_ =	shalt  }
0x55: {  	_ =	shalt  }
0x56: {  	_ =	shalt  }
0x57: {  	_ =	shalt  }
0x58: {  	_ =	shalt  }
0x59: {  	_ =	shalt  }
0x5a: {  	_ =	shalt  }
0x5b: {  	_ =	shalt  }
0x5c: {  	_ =	shalt  }
0x5d: {  	_ =	shalt  }
0x5e: {  	_ =	shalt  }
0x5f: {  	_ =	shalt  }
0x60: {  	_ =	shalt  }
0x61: {  	_ =	shalt  }
0x62: {  	_ =	shalt  }
0x63: {  	_ =	shalt  }
0x64: {  	_ =	shalt  }
0x65: {  	_ =	shalt  }
0x66: {  	_ =	shalt  }
0x67: {  	_ =	shalt  }
0x68: {  	_ =	shalt  }
0x69: {  	_ =	shalt  }
0x6a: {  	_ =	shalt  }
0x6b: {  	_ =	shalt  }
0x6c: {  	_ =	shalt  }
0x6d: {  	_ =	shalt  }
0x6e: {  	_ =	shalt  }
0x6f: {  	_ =	shalt  }
0x70: {  	_ =	shalt  }
0x71: {  	_ =	shalt  }
0x72: {  	_ =	shalt  }
0x73: {  	_ =	shalt  }
0x74: {  	_ =	shalt  }
0x75: {  	_ =	shalt  }
0x76: {  	_ =	shalt  }
0x77: {  	_ =	shalt  }
0x78: {  	_ =	shalt  }
0x79: {  	_ =	shalt  }
0x7a: {  	_ =	shalt  }
0x7b: {  	_ =	shalt  }
0x7c: {  	_ =	shalt  }
0x7d: {  	_ =	shalt  }
0x7e: {  	_ =	shalt  }
0x7f: {  	_ =	shalt  }
0x80: {  	_ =	shalt  }
0x81: {  	_ =	shalt  }
0x82: {  	_ =	shalt  }
0x83: {  	_ =	shalt  }
0x84: {  	_ =	shalt  }
0x85: {  	_ =	shalt  }
0x86: {  	_ =	shalt  }
0x87: {  	_ =	shalt  }
.Lfunc_end0:
.L_simem_size_0:
called_computation_lowered:
.L_overlay_start_0:
0x88: {  	s2 =	sld [smem:$0x3FD9]  }
0x89: {  	s3 =	sld [smem:$0x3FFE];
	_ =	sdelay $0x1  }
0x8a: {  	s1 =	srdreg.scid  }
0x8b: {  	s0 =	sand.u32 $0x1, s1  }
0x8c: {  	s17 =	sshll.u32 s0, $0xA;
	s2 =	sadd.s32 s3, s2  }
0x8d: {  	s2 =	sadd.s32 s2, s17  }
0x8e: {  	[smem:$0x3FC1] =	sst s2  }
0x8f: {  	_ = 	snop  }
0x90: {  	s2 =	sld [smem:$0x3FC7]  }
0x91: {  	s18 =	sld [smem:$0x3FD0];
	(tm) =	ssettm $0x1  }
0x92: {  	s4 =	sld [smem:$0x3FFB];
	_ =	sdelay $0x3  }
0x93: {  	_ =	strace s4  }
0x94: {  	s4 =	sld [smem:$0x3FFC];
	_ =	sdelay $0x3  }
0x95: {  	_ =	strace s4  }
0x96: {  	s4 =	sld [smem:$0x3FFD];
	_ =	sdelay $0x3  }
0x97: {  	_ =	strace s4  }
0x98: {  	_ =	strace $0x8FFFFFFF  }
0x99: {  	s19 =	sld [smem:$0x3FDB];
	_ =	sdelay $0x1  }
0x9a: {  	s5 =	simm.s32 $_scs_section_size  }
0x9b: {  	s6 =	simm.s32 $_size__tile_overlayer_lowered;
	s7 =	simm.s32 $_tile_overlayer_lowered  }
0x9c: {  	s22 =	simm.s32 $0x1BFF;
	s21 =	sshll.u32 s7, $0x1;
	s4 =	sadd.s32 s5, s19  }
0x9d: {  	s8 =	simm.s32 $0x0;
	s20 =	sshll.u32 s6, $0x1;
	s6 =	sadd.s32 s21, s4  }
0x9e: {  	[timem:s8], [sflag:s22] =	dma.local [hbm:s6], s20  }
0x9f: {  	_ =	swait.ge [sflag:s22], s20  }
0xa0: {  	s5 =	ssub.s32 $0x0, s20;
	[sflag:s22] =	ssyncset.done $0x0  }
0xa1: {  	[sflag:s22] =	ssyncadd.s32 s5;
	_ =	sdelay $0x1  }
0xa2: {  	s23 =	simm.s32 $0x1B8B  }
0xa3: {  	_ =	swait.ge [sflag:s23], $0x1  }
0xa4: {  	[sflag:s23] =	ssyncset.done $0x0  }
0xa5: {  	s25 =	simm.s32 $0x1B8E;
	s24 =	sld [smem:$0x3FFE];
	[sflag:s23] =	ssyncadd.s32 $0xFFFFFFFF  }
0xa6: {  	s26 =	simm.s32 $execute0_lowered;
	[smem:$0x3FD2] =	sst s25  }
0xa7: {  	s6 =	sshll.u32 s26, $0x1;
	_ =	strace $0x80000046;
	[dreg:$0x1] =	wrdreg $0xFFFFFFFF  }
0xa8: {  	s28 =	simm.s32 $_size_execute0_lowered;
	s4 =	sadd.s32 s4, s6;
	[dreg:$0x0] =	wrdreg $0x0  }
0xa9: {  	s6 =	sshll.u32 s28, $0x1;
	[dreg:$0x2] =	wrdreg s4  }
0xaa: {  	[dreg:$0x3] =	wrdreg s6  }
0xab: {  	[dreg:$0x4] =	wrdreg $0xC0  }
0xac: {  	_ =	task [dreg:s8], $0x5FFFF  }
0xad: {  	[dreg:$0x1] =	wrdreg $0xFFFFFFFF  }
0xae: {  	[dreg:$0x0] =	wrdreg $0x60  }
0xaf: {  	[dreg:$0x2] =	wrdreg s18  }
0xb0: {  	[dreg:$0x3] =	wrdreg s2  }
0xb1: {  	[dreg:$0x4] =	wrdreg s24  }
0xb2: {  	[dreg:$0x5] =	wrdreg $0x9  }
0xb3: {  	_ =	task.clear_ibuf [dreg:s8], $0x6FFFF;
	_ =	strace $0x90000046  }
0xb4: {  	s29 =	simm.s32 $0x9;
	_ =	strace $0x80000048  }
0xb5: {  	_ =	swait.ge [sflag:s29], $0x1  }
0xb6: {  	[sflag:s29] =	ssyncadd.s32 $0xFFFFFFFF  }
0xb7: {  	_ =	strace $0x90000048  }
0xb8: {  	_ =	sfence  }
0xb9: {  	s30 =	sld [smem:$0x0];
	_ =	sdelay $0x2  }
0xba: {  	s31 =	sshll.u32 s1, $0xD;
	s1 =	sshrl.u32 s1, $0x2  }
0xbb: {  	s3 =	sand.u32 $0x4000, s31;
	s1 =	sadd.s32 s1, s30  }
0xbc: {  	s0 =	sor.u32 s3, s0;
	s1 =	sshll.u32 s1, $0x11  }
0xbd: {  	s0 =	sor.u32 s1, s0  }
0xbe: {  	s0 =	sadd.s32 $0x8F2B, s0  }
0xbf: {  	[sflag:s0] =	ssyncadd.remote.s32 $0x1  }
0xc0: {  	_ =	sfence.sel $0xFFFF  }
0xc1: {  	[dreg:$0x0] =	wrdreg $0xFFFFFFFF;
	(pc) =	sbr.abs _section_cstart, $3  }
0xc2: {  	[dreg:$0x1] =	wrdreg $0xFFFFFFFF  }
0xc3: {  	_ =	task.clear_ibuf [dreg:s8], $0x2FFFF;
	_ =	strace $0x9FFFFFFF  }
0xc4: {  	(tm) =	ssettm $0x7FFFFFFF  }
0xc5: {  	_ =	shalt  }
tec
execute0_lowered:
.L_overlay_start_1:
0x0: {  	(tag) =	ssettag $0x1  }
0x1: {  	s0 =	rddreg [dreg:$0x0]  }
0x2: {  	s1 =	rddreg [dreg:$0x1]  }
0x3: {  	s2 =	rddreg [dreg:$0x2];
	s4 =	srdreg.scid;
	s3 =	simm.s32 $0x0  }
0x4: {  	s6 =	stileid.u32;
	s5 =	sand.u32 $0x1, s4;
	[smem:$0x7FF] =	sst s3  }
0x5: {  	s7 =	sshll.u32 s6, $0x8;
	s2 =	sadd.s32 $0xC00, s2;
	s8 =	sshll.u32 s5, $0x7  }
0x6: {  	_ =	strace $0x80000047;
	s5 =	ssub.s32 $0x2, s5;
	s4 =	sor.u32 s8, s7  }
0x7: {  	s6 =	sadd.s32 s0, s4;
	s7 =	sor.u32 $0x8, s4;
	s8 =	smul.u32 $0x300, s4  }
0x8: {  	s11 =	sor.u32 $0x10, s4;
	[dreg:$0x4] =	wrdreg s6;
	s9 =	sadd.s32 s0, s7  }
0x9: {  	s14 =	sor.u32 $0x18, s4;
	s12 =	sadd.s32 s0, s11;
	[dreg:$0x5] =	wrdreg s9  }
0xa: {  	s17 =	sor.u32 $0x20, s4;
	s15 =	sadd.s32 s0, s14;
	[dreg:$0x7] =	wrdreg s12  }
0xb: {  	s20 =	sor.u32 $0x28, s4;
	s18 =	sadd.s32 s0, s17;
	[dreg:$0x9] =	wrdreg s15  }
0xc: {  	s23 =	sor.u32 $0x30, s4;
	s21 =	sadd.s32 s0, s20;
	[dreg:$0xb] =	wrdreg s18  }
0xd: {  	s26 =	sor.u32 $0x38, s4;
	s24 =	sadd.s32 s0, s23;
	[dreg:$0xd] =	wrdreg s21  }
0xe: {  	s30 =	sor.u32 $0x40, s4;
	s28 =	sadd.s32 s0, s26;
	[dreg:$0xf] =	wrdreg s24  }
0xf: {  	s7 =	smul.u32 $0x300, s7;
	s31 =	sadd.s32 s0, s30;
	[dreg:$0x11] =	wrdreg s28  }
0x10: {  	s10 =	sadd.s32 s2, s8;
	s8 =	smul.u32 $0x300, s11;
	[dreg:$0x13] =	wrdreg s31  }
0x11: {  	s9 =	sor.u32 $0x48, s4;
	[dreg:$0x6] =	wrdreg s10;
	s13 =	sadd.s32 s2, s7  }
0x12: {  	s12 =	sor.u32 $0x50, s4;
	s10 =	sadd.s32 s0, s9;
	[dreg:$0x8] =	wrdreg s13  }
0x13: {  	s7 =	smul.u32 $0x300, s14;
	s16 =	sadd.s32 s2, s8;
	[dreg:$0x15] =	wrdreg s10  }
0x14: {  	s15 =	sor.u32 $0x58, s4;
	s13 =	sadd.s32 s0, s12;
	[dreg:$0xa] =	wrdreg s16  }
0x15: {  	s8 =	smul.u32 $0x300, s17;
	s19 =	sadd.s32 s2, s7;
	[dreg:$0x17] =	wrdreg s13  }
0x16: {  	s18 =	sor.u32 $0x60, s4;
	s16 =	sadd.s32 s0, s15;
	[dreg:$0xc] =	wrdreg s19  }
0x17: {  	s7 =	smul.u32 $0x300, s20;
	s22 =	sadd.s32 s2, s8;
	[dreg:$0x19] =	wrdreg s16  }
0x18: {  	s21 =	sor.u32 $0x68, s4;
	s19 =	sadd.s32 s0, s18;
	[dreg:$0xe] =	wrdreg s22  }
0x19: {  	s8 =	smul.u32 $0x300, s23;
	s25 =	sadd.s32 s2, s7;
	[dreg:$0x1b] =	wrdreg s19  }
0x1a: {  	s24 =	sor.u32 $0x70, s4;
	s22 =	sadd.s32 s0, s21;
	[dreg:$0x10] =	wrdreg s25  }
0x1b: {  	s4 =	sor.u32 $0x78, s4;
	s29 =	sadd.s32 s2, s8;
	[dreg:$0x1d] =	wrdreg s22  }
0x1c: {  	s28 =	smul.u32 $0x300, s24;
	s25 =	sadd.s32 s0, s24;
	[dreg:$0x12] =	wrdreg s29  }
0x1d: {  	s7 =	smul.u32 $0x300, s26;
	s0 =	sadd.s32 s0, s4;
	[dreg:$0x1f] =	wrdreg s25  }
0x1e: {  	s8 =	smul.u32 $0x300, s30;
	s30 =	sadd.s32 s2, s28;
	[smem:$0x7FB] =	sst s0  }
0x1f: {  	s10 =	simm.s32 $0x1;
	s7 =	sadd.s32 s2, s7;
	[smem:$0x7FC] =	sst s30  }
0x20: {  	s29 =	smul.u32 $0x300, s4;
	s4 =	sadd.s32 $0x100, s1;
	[dreg:$0x14] =	wrdreg s7  }
0x21: {  	s11 =	sadd.s32 s2, s8;
	s7 =	smul.u32 $0x300, s9;
	s9 =	sshrl.u32 s5, $0x1  }
0x22: {  	s8 =	smul.u32 $0x300, s12;
	[dreg:$0x16] =	wrdreg s11;
	s9 =	ssub.s32 s5, s9  }
0x23: {  	s5 =	sadd.s32 $0x200, s1;
	s31 =	sadd.s32 s2, s29;
	s11 =	simm.s32 $0x2  }
0x24: {  	s14 =	sadd.s32 s2, s7;
	s7 =	smul.u32 $0x300, s15;
	[smem:$0x7FD] =	sst s31  }
0x25: {  	s17 =	sadd.s32 s2, s8;
	s8 =	smul.u32 $0x300, s18;
	[dreg:$0x18] =	wrdreg s14  }
0x26: {  	[dreg:$0x1a] =	wrdreg s17;
	s20 =	sadd.s32 s2, s7;
	s7 =	smul.u32 $0x300, s21  }
0x27: {  	v2 =	vlaneseq.u32;
	s0 =	smax.u32 s9, $0x1;
	s23 =	sadd.s32 s2, s8;
	[dreg:$0x1c] =	wrdreg s20  }
0x28: {  	vm0 =	vmmov $0xffff;
	v1 =	vshrl.u32 v2, $0x3;
	s15 =	simm.s32 $0x100;
	[dreg:$0x1e] =	wrdreg s23;
	s26 =	sadd.s32 s2, s7  }
0x29: {  	v0 =	vand.u32 $0x7, v2;
	v2 =	vor.u32 $0x8, v2;
	v1 =	vmul.u32 $0x8, v1;
	s9 =	simm.s32 $0xC100;
	s7 =	simm.s32 $0x3;
	[smem:$0x7FA] =	sst s26  }
.LBB2_1:
0x2a: {  	[smem:$0x7F9] =	sst s0  }
0x2b: {  	s12 =	rddreg [dreg:$0x4]  }
0x2c: {  	[tilespmem:s3], [sflag:$0x3] =	stream.linear.gather [hbm4b:s12+s3], $0x40, $0x38;
	[tilespmem:$0x18100] =	vst v63  }
0x2d: {  	_ =	swait.ge [sflag:s7], $0x40  }
0x2e: {  	[sflag:s7] =	ssyncset.done $0x0  }
0x2f: {  	[sflag:s7] =	ssyncadd.s32 $0xFFFFFFC0  }
0x30: {  	v3 =	vld [tilespmem:$0x0];
	_ =	sdelay $0x4  }
0x31: {  	v4 =	vshrl.u32 v3, $0x3  }
0x32: {  	v4 =	vmul.u32 $0x30, v4  }
0x33: {  	v3 =	vand.u32 $0x7, v3  }
0x34: {  	v3 =	vor.u32 v3, v4  }
0x35: {  	v4 =	vperm.xlane v3, v0;
	_ =	sdelay $0x1  }
0x36: {  	v4 =	vadd.s32 v1, v4;
	_ =	sdelay $0x3  }
0x37: {  	v3 =	vperm.xlane v3, v2  }
0x38: {  	[tilespmem:s15], [sflag:$0x1] =	stream.indirect_vreg.gather [hbm4b:s1+s3], $0x80, v4, vm0, $0xb8;
	[tilespmem:$0x18100] =	vst v63  }
0x39: {  	s14 =	simm.s32 $0x900;
	v3 =	vadd.s32 v1, v3  }
0x3a: {  	[tilespmem:s14], [sflag:$0x1] =	stream.indirect_vreg.gather [hbm4b:s4+s3], $0x80, v4, vm0, $0xb8;
	[tilespmem:$0x18100] =	vst v63  }
0x3b: {  	s16 =	simm.s32 $0x1100  }
0x3c: {  	[tilespmem:s16], [sflag:$0x1] =	stream.indirect_vreg.gather [hbm4b:s5+s3], $0x80, v4, vm0, $0xb8;
	[tilespmem:$0x18100] =	vst v63  }
0x3d: {  	s17 =	simm.s32 $0x1900  }
0x3e: {  	[tilespmem:s17], [sflag:$0x1] =	stream.indirect_vreg.gather [hbm4b:s1+s3], $0x80, v3, vm0, $0xb8;
	[tilespmem:$0x18100] =	vst v63  }
0x3f: {  	s18 =	simm.s32 $0x2100  }
0x40: {  	[tilespmem:s18], [sflag:$0x1] =	stream.indirect_vreg.gather [hbm4b:s4+s3], $0x80, v3, vm0, $0xb8;
	[tilespmem:$0x18100] =	vst v63  }
0x41: {  	s19 =	simm.s32 $0x2900  }
0x42: {  	[tilespmem:s19], [sflag:$0x1] =	stream.indirect_vreg.gather [hbm4b:s5+s3], $0x80, v3, vm0, $0xb8;
	[tilespmem:$0x18100] =	vst v63  }
0x43: {  	v3 =	vld [tilespmem:$0x10];
	_ =	sdelay $0x4  }
0x44: {  	v57 =	vshrl.u32 v3, $0x3  }
0x45: {  	v4 =	vmul.u32 $0x30, v57  }
0x46: {  	v3 =	vand.u32 $0x7, v3  }
0x47: {  	v3 =	vor.u32 v3, v4  }
0x48: {  	v4 =	vperm.xlane v3, v0;
	_ =	sdelay $0x1  }
0x49: {  	v4 =	vadd.s32 v1, v4;
	_ =	sdelay $0x3  }
0x4a: {  	s20 =	simm.s32 $0x3100;
	v3 =	vperm.xlane v3, v2  }
0x4b: {  	[tilespmem:s20], [sflag:$0x1] =	stream.indirect_vreg.gather [hbm4b:s1+s3], $0x80, v4, vm0, $0xb8;
	[tilespmem:$0x18100] =	vst v63  }
0x4c: {  	s21 =	simm.s32 $0x3900;
	v3 =	vadd.s32 v1, v3  }
0x4d: {  	[tilespmem:s21], [sflag:$0x1] =	stream.indirect_vreg.gather [hbm4b:s4+s3], $0x80, v4, vm0, $0xb8;
	[tilespmem:$0x18100] =	vst v63  }
0x4e: {  	s22 =	simm.s32 $0x4100  }
0x4f: {  	[tilespmem:s22], [sflag:$0x1] =	stream.indirect_vreg.gather [hbm4b:s5+s3], $0x80, v4, vm0, $0xb8;
	[tilespmem:$0x18100] =	vst v63  }
0x50: {  	s23 =	simm.s32 $0x4900  }
0x51: {  	[tilespmem:s23], [sflag:$0x1] =	stream.indirect_vreg.gather [hbm4b:s1+s3], $0x80, v3, vm0, $0xb8;
	[tilespmem:$0x18100] =	vst v63  }
0x52: {  	s24 =	simm.s32 $0x5100  }
0x53: {  	[tilespmem:s24], [sflag:$0x1] =	stream.indirect_vreg.gather [hbm4b:s4+s3], $0x80, v3, vm0, $0xb8;
	[tilespmem:$0x18100] =	vst v63  }
0x54: {  	s25 =	simm.s32 $0x5900  }
0x55: {  	[tilespmem:s25], [sflag:$0x1] =	stream.indirect_vreg.gather [hbm4b:s5+s3], $0x80, v3, vm0, $0xb8;
	[tilespmem:$0x18100] =	vst v63  }
0x56: {  	v3 =	vld [tilespmem:$0x20];
	_ =	sdelay $0x4  }
0x57: {  	v58 =	vshrl.u32 v3, $0x3  }
0x58: {  	v4 =	vmul.u32 $0x30, v58  }
0x59: {  	v3 =	vand.u32 $0x7, v3  }
0x5a: {  	v3 =	vor.u32 v3, v4  }
0x5b: {  	v4 =	vperm.xlane v3, v0;
	_ =	sdelay $0x1  }
0x5c: {  	v4 =	vadd.s32 v1, v4;
	_ =	sdelay $0x3  }
0x5d: {  	s28 =	simm.s32 $0x6100;
	v3 =	vperm.xlane v3, v2  }
0x5e: {  	[tilespmem:s28], [sflag:$0x1] =	stream.indirect_vreg.gather [hbm4b:s1+s3], $0x80, v4, vm0, $0xb8;
	[tilespmem:$0x18100] =	vst v63  }
0x5f: {  	s29 =	simm.s32 $0x6900;
	v3 =	vadd.s32 v1, v3  }
0x60: {  	[tilespmem:s29], [sflag:$0x1] =	stream.indirect_vreg.gather [hbm4b:s4+s3], $0x80, v4, vm0, $0xb8;
	[tilespmem:$0x18100] =	vst v63  }
0x61: {  	s30 =	simm.s32 $0x7100  }
0x62: {  	[tilespmem:s30], [sflag:$0x1] =	stream.indirect_vreg.gather [hbm4b:s5+s3], $0x80, v4, vm0, $0xb8;
	[tilespmem:$0x18100] =	vst v63  }
0x63: {  	s31 =	simm.s32 $0x7900  }
0x64: {  	[tilespmem:s31], [sflag:$0x1] =	stream.indirect_vreg.gather [hbm4b:s1+s3], $0x80, v3, vm0, $0xb8;
	[tilespmem:$0x18100] =	vst v63  }
0x65: {  	s2 =	simm.s32 $0x8100  }
0x66: {  	[tilespmem:s2], [sflag:$0x1] =	stream.indirect_vreg.gather [hbm4b:s4+s3], $0x80, v3, vm0, $0xb8;
	[tilespmem:$0x18100] =	vst v63  }
0x67: {  	s6 =	simm.s32 $0x8900  }
0x68: {  	[tilespmem:s6], [sflag:$0x1] =	stream.indirect_vreg.gather [hbm4b:s5+s3], $0x80, v3, vm0, $0xb8;
	[tilespmem:$0x18100] =	vst v63  }
0x69: {  	v3 =	vld [tilespmem:$0x30];
	_ =	sdelay $0x4  }
0x6a: {  	v59 =	vshrl.u32 v3, $0x3  }
0x6b: {  	v4 =	vmul.u32 $0x30, v59  }
0x6c: {  	v3 =	vand.u32 $0x7, v3  }
0x6d: {  	v3 =	vor.u32 v3, v4  }
0x6e: {  	v4 =	vperm.xlane v3, v0;
	_ =	sdelay $0x1  }
0x6f: {  	v4 =	vadd.s32 v1, v4;
	_ =	sdelay $0x3  }
0x70: {  	s12 =	simm.s32 $0x9100;
	v3 =	vperm.xlane v3, v2  }
0x71: {  	[tilespmem:s12], [sflag:$0x1] =	stream.indirect_vreg.gather [hbm4b:s1+s3], $0x80, v4, vm0, $0xb8;
	[tilespmem:$0x18100] =	vst v63  }
0x72: {  	s13 =	simm.s32 $0x9900;
	v3 =	vadd.s32 v1, v3  }
0x73: {  	[tilespmem:s13], [sflag:$0x1] =	stream.indirect_vreg.gather [hbm4b:s4+s3], $0x80, v4, vm0, $0xb8;
	[tilespmem:$0x18100] =	vst v63  }
0x74: {  	s14 =	simm.s32 $0xA100  }
0x75: {  	[tilespmem:s14], [sflag:$0x1] =	stream.indirect_vreg.gather [hbm4b:s5+s3], $0x80, v4, vm0, $0xb8;
	[tilespmem:$0x18100] =	vst v63  }
0x76: {  	s17 =	simm.s32 $0xA900  }
0x77: {  	[tilespmem:s17], [sflag:$0x1] =	stream.indirect_vreg.gather [hbm4b:s1+s3], $0x80, v3, vm0, $0xb8;
	[tilespmem:$0x18100] =	vst v63  }
0x78: {  	s18 =	simm.s32 $0xB100  }
0x79: {  	[tilespmem:s18], [sflag:$0x1] =	stream.indirect_vreg.gather [hbm4b:s4+s3], $0x80, v3, vm0, $0xb8;
	[tilespmem:$0x18100] =	vst v63  }
0x7a: {  	s22 =	simm.s32 $0xB900  }
0x7b: {  	[tilespmem:s22], [sflag:$0x1] =	stream.indirect_vreg.gather [hbm4b:s5+s3], $0x80, v3, vm0, $0xb8;
	[tilespmem:$0x18100] =	vst v63  }
0x7c: {  	s21 =	rddreg [dreg:$0x5];
	s2 =	simm.s32 $0x80  }
0x7d: {  	[tilespmem:s2], [sflag:$0x3] =	stream.linear.gather [hbm4b:s21+s3], $0x40, $0x38;
	[tilespmem:$0x18100] =	vst v63  }
0x7e: {  	_ =	swait.ge [sflag:s7], $0x40  }
0x7f: {  	[sflag:s7] =	ssyncset.done $0x0  }
0x80: {  	[sflag:s7] =	ssyncadd.s32 $0xFFFFFFC0  }
0x81: {  	v3 =	vld [tilespmem:$0x80];
	_ =	sdelay $0x4  }
0x82: {  	v60 =	vshrl.u32 v3, $0x3  }
0x83: {  	v4 =	vmul.u32 $0x30, v60  }
0x84: {  	v3 =	vand.u32 $0x7, v3  }
0x85: {  	v3 =	vor.u32 v3, v4  }
0x86: {  	v4 =	vperm.xlane v3, v0;
	_ =	sdelay $0x1  }
0x87: {  	v4 =	vadd.s32 v1, v4;
	_ =	sdelay $0x3  }
0x88: {  	v3 =	vperm.xlane v3, v2  }
0x89: {  	[tilespmem:s9], [sflag:$0x2] =	stream.indirect_vreg.gather [hbm4b:s1+s3], $0x80, v4, vm0, $0xb8;
	[tilespmem:$0x18100] =	vst v63  }
0x8a: {  	s25 =	simm.s32 $0xC900;
	v3 =	vadd.s32 v1, v3  }
0x8b: {  	[tilespmem:s25], [sflag:$0x2] =	stream.indirect_vreg.gather [hbm4b:s4+s3], $0x80, v4, vm0, $0xb8;
	[tilespmem:$0x18100] =	vst v63  }
0x8c: {  	s28 =	simm.s32 $0xD100  }
0x8d: {  	[tilespmem:s28], [sflag:$0x2] =	stream.indirect_vreg.gather [hbm4b:s5+s3], $0x80, v4, vm0, $0xb8;
	[tilespmem:$0x18100] =	vst v63  }
0x8e: {  	s29 =	simm.s32 $0xD900  }
0x8f: {  	[tilespmem:s29], [sflag:$0x2] =	stream.indirect_vreg.gather [hbm4b:s1+s3], $0x80, v3, vm0, $0xb8;
	[tilespmem:$0x18100] =	vst v63  }
0x90: {  	s30 =	simm.s32 $0xE100  }
0x91: {  	[tilespmem:s30], [sflag:$0x2] =	stream.indirect_vreg.gather [hbm4b:s4+s3], $0x80, v3, vm0, $0xb8;
	[tilespmem:$0x18100] =	vst v63  }
0x92: {  	s31 =	simm.s32 $0xE900  }
0x93: {  	[tilespmem:s31], [sflag:$0x2] =	stream.indirect_vreg.gather [hbm4b:s5+s3], $0x80, v3, vm0, $0xb8;
	[tilespmem:$0x18100] =	vst v63  }
0x94: {  	v3 =	vld [tilespmem:$0x90];
	_ =	sdelay $0x4  }
0x95: {  	v61 =	vshrl.u32 v3, $0x3  }
0x96: {  	v4 =	vmul.u32 $0x30, v61  }
0x97: {  	v3 =	vand.u32 $0x7, v3  }
0x98: {  	v3 =	vor.u32 v3, v4  }
0x99: {  	v4 =	vperm.xlane v3, v0;
	_ =	sdelay $0x1  }
0x9a: {  	v4 =	vadd.s32 v1, v4;
	_ =	sdelay $0x3  }
0x9b: {  	s0 =	simm.s32 $0xF100;
	v3 =	vperm.xlane v3, v2  }
0x9c: {  	[tilespmem:s0], [sflag:$0x2] =	stream.indirect_vreg.gather [hbm4b:s1+s3], $0x80, v4, vm0, $0xb8;
	[tilespmem:$0x18100] =	vst v63  }
0x9d: {  	s2 =	simm.s32 $0xF900;
	v3 =	vadd.s32 v1, v3  }
0x9e: {  	[tilespmem:s2], [sflag:$0x2] =	stream.indirect_vreg.gather [hbm4b:s4+s3], $0x80, v4, vm0, $0xb8;
	[tilespmem:$0x18100] =	vst v63  }
0x9f: {  	s6 =	simm.s32 $0x10100  }
0xa0: {  	[tilespmem:s6], [sflag:$0x2] =	stream.indirect_vreg.gather [hbm4b:s5+s3], $0x80, v4, vm0, $0xb8;
	[tilespmem:$0x18100] =	vst v63  }
0xa1: {  	s13 =	simm.s32 $0x10900  }
0xa2: {  	[tilespmem:s13], [sflag:$0x2] =	stream.indirect_vreg.gather [hbm4b:s1+s3], $0x80, v3, vm0, $0xb8;
	[tilespmem:$0x18100] =	vst v63  }
0xa3: {  	s14 =	simm.s32 $0x11100  }
0xa4: {  	[tilespmem:s14], [sflag:$0x2] =	stream.indirect_vreg.gather [hbm4b:s4+s3], $0x80, v3, vm0, $0xb8;
	[tilespmem:$0x18100] =	vst v63  }
0xa5: {  	s17 =	simm.s32 $0x11900  }
0xa6: {  	[tilespmem:s17], [sflag:$0x2] =	stream.indirect_vreg.gather [hbm4b:s5+s3], $0x80, v3, vm0, $0xb8;
	[tilespmem:$0x18100] =	vst v63  }
0xa7: {  	v3 =	vld [tilespmem:$0xA0];
	_ =	sdelay $0x4  }
0xa8: {  	v62 =	vshrl.u32 v3, $0x3  }
0xa9: {  	v4 =	vmul.u32 $0x30, v62  }
0xaa: {  	v3 =	vand.u32 $0x7, v3  }
0xab: {  	v3 =	vor.u32 v3, v4  }
0xac: {  	v4 =	vperm.xlane v3, v0;
	_ =	sdelay $0x1  }
0xad: {  	v4 =	vadd.s32 v1, v4;
	_ =	sdelay $0x3  }
0xae: {  	s18 =	simm.s32 $0x12100;
	v3 =	vperm.xlane v3, v2  }
0xaf: {  	[tilespmem:s18], [sflag:$0x2] =	stream.indirect_vreg.gather [hbm4b:s1+s3], $0x80, v4, vm0, $0xb8;
	[tilespmem:$0x18100] =	vst v63  }
0xb0: {  	s21 =	simm.s32 $0x12900;
	v3 =	vadd.s32 v1, v3  }
0xb1: {  	[tilespmem:s21], [sflag:$0x2] =	stream.indirect_vreg.gather [hbm4b:s4+s3], $0x80, v4, vm0, $0xb8;
	[tilespmem:$0x18100] =	vst v63  }
0xb2: {  	s22 =	simm.s32 $0x13100  }
0xb3: {  	[tilespmem:s22], [sflag:$0x2] =	stream.indirect_vreg.gather [hbm4b:s5+s3], $0x80, v4, vm0, $0xb8;
	[tilespmem:$0x18100] =	vst v63  }
0xb4: {  	s25 =	simm.s32 $0x13900  }
0xb5: {  	[tilespmem:s25], [sflag:$0x2] =	stream.indirect_vreg.gather [hbm4b:s1+s3], $0x80, v3, vm0, $0xb8;
	[tilespmem:$0x18100] =	vst v63  }
0xb6: {  	s0 =	simm.s32 $0x14100  }
0xb7: {  	[tilespmem:s0], [sflag:$0x2] =	stream.indirect_vreg.gather [hbm4b:s4+s3], $0x80, v3, vm0, $0xb8;
	[tilespmem:$0x18100] =	vst v63  }
0xb8: {  	s2 =	simm.s32 $0x14900  }
0xb9: {  	[tilespmem:s2], [sflag:$0x2] =	stream.indirect_vreg.gather [hbm4b:s5+s3], $0x80, v3, vm0, $0xb8;
	[tilespmem:$0x18100] =	vst v63  }
0xba: {  	v3 =	vld [tilespmem:$0xB0];
	_ =	sdelay $0x4  }
0xbb: {  	v63 =	vshrl.u32 v3, $0x3  }
0xbc: {  	v4 =	vmul.u32 $0x30, v63  }
0xbd: {  	v3 =	vand.u32 $0x7, v3  }
0xbe: {  	v3 =	vor.u32 v3, v4  }
0xbf: {  	v4 =	vperm.xlane v3, v0;
	_ =	sdelay $0x1  }
0xc0: {  	v4 =	vadd.s32 v1, v4;
	_ =	sdelay $0x3  }
0xc1: {  	s6 =	simm.s32 $0x15100;
	v3 =	vperm.xlane v3, v2  }
0xc2: {  	[tilespmem:s6], [sflag:$0x2] =	stream.indirect_vreg.gather [hbm4b:s1+s3], $0x80, v4, vm0, $0xb8;
	[tilespmem:$0x18100] =	vst v63  }
0xc3: {  	s13 =	simm.s32 $0x15900;
	v3 =	vadd.s32 v1, v3  }
0xc4: {  	[tilespmem:s13], [sflag:$0x2] =	stream.indirect_vreg.gather [hbm4b:s4+s3], $0x80, v4, vm0, $0xb8;
	[tilespmem:$0x18100] =	vst v63  }
0xc5: {  	s14 =	simm.s32 $0x16100  }
0xc6: {  	[tilespmem:s14], [sflag:$0x2] =	stream.indirect_vreg.gather [hbm4b:s5+s3], $0x80, v4, vm0, $0xb8;
	[tilespmem:$0x18100] =	vst v63  }
0xc7: {  	s17 =	simm.s32 $0x16900  }
0xc8: {  	[tilespmem:s17], [sflag:$0x2] =	stream.indirect_vreg.gather [hbm4b:s1+s3], $0x80, v3, vm0, $0xb8;
	[tilespmem:$0x18100] =	vst v63  }
0xc9: {  	s18 =	simm.s32 $0x17100  }
0xca: {  	[tilespmem:s18], [sflag:$0x2] =	stream.indirect_vreg.gather [hbm4b:s4+s3], $0x80, v3, vm0, $0xb8;
	[tilespmem:$0x18100] =	vst v63  }
0xcb: {  	s21 =	simm.s32 $0x17900  }
0xcc: {  	[tilespmem:s21], [sflag:$0x2] =	stream.indirect_vreg.gather [hbm4b:s5+s3], $0x80, v3, vm0, $0xb8;
	[tilespmem:$0x18100] =	vst v63  }
0xcd: {  	_ =	swait.ge [sflag:s10], $0xC000  }
0xce: {  	[sflag:s10] =	ssyncset.done $0x0  }
0xcf: {  	s22 =	rddreg [dreg:$0x6];
	[sflag:s10] =	ssyncadd.s32 $0xFFFF4000  }
0xd0: {  	[hbm4b:s22+s3] =	stream.linear.scatter [tilespmem:s15], [sflag:$0x3], $0xC000, $0x38;
	[tilespmem:$0x18100] =	vst v63  }
0xd1: {  	_ =	swait.ge [sflag:s7], $0xC000  }
0xd2: {  	[sflag:s7] =	ssyncset.done $0x0  }
0xd3: {  	s25 =	rddreg [dreg:$0x7];
	[sflag:s7] =	ssyncadd.s32 $0xFFFF4000  }
0xd4: {  	[tilespmem:s3], [sflag:$0x3] =	stream.linear.gather [hbm4b:s25+s3], $0x40, $0x38;
	[tilespmem:$0x18100] =	vst v63  }
0xd5: {  	_ =	swait.ge [sflag:s7], $0x40  }
0xd6: {  	[sflag:s7] =	ssyncset.done $0x0  }
0xd7: {  	[sflag:s7] =	ssyncadd.s32 $0xFFFFFFC0  }
0xd8: {  	v3 =	vld [tilespmem:$0x0];
	_ =	sdelay $0x4  }
0xd9: {  	v8 =	vshrl.u32 v3, $0x3  }
0xda: {  	v4 =	vmul.u32 $0x30, v8  }
0xdb: {  	v3 =	vand.u32 $0x7, v3  }
0xdc: {  	v3 =	vor.u32 v3, v4  }
0xdd: {  	v4 =	vperm.xlane v3, v0;
	_ =	sdelay $0x1  }
0xde: {  	v4 =	vadd.s32 v1, v4;
	_ =	sdelay $0x3  }
0xdf: {  	v3 =	vperm.xlane v3, v2  }
0xe0: {  	[tilespmem:s15], [sflag:$0x1] =	stream.indirect_vreg.gather [hbm4b:s1+s3], $0x80, v4, vm0, $0xb8;
	[tilespmem:$0x18100] =	vst v63  }
0xe1: {  	s26 =	simm.s32 $0x900;
	v3 =	vadd.s32 v1, v3  }
0xe2: {  	[tilespmem:s26], [sflag:$0x1] =	stream.indirect_vreg.gather [hbm4b:s4+s3], $0x80, v4, vm0, $0xb8;
	[tilespmem:$0x18100] =	vst v63  }
0xe3: {  	s0 =	simm.s32 $0x1100  }
0xe4: {  	[tilespmem:s0], [sflag:$0x1] =	stream.indirect_vreg.gather [hbm4b:s5+s3], $0x80, v4, vm0, $0xb8;
	[tilespmem:$0x18100] =	vst v63  }
0xe5: {  	s2 =	simm.s32 $0x1900  }
0xe6: {  	[tilespmem:s2], [sflag:$0x1] =	stream.indirect_vreg.gather [hbm4b:s1+s3], $0x80, v3, vm0, $0xb8;
	[tilespmem:$0x18100] =	vst v63  }
0xe7: {  	s6 =	simm.s32 $0x2100  }
0xe8: {  	[tilespmem:s6], [sflag:$0x1] =	stream.indirect_vreg.gather [hbm4b:s4+s3], $0x80, v3, vm0, $0xb8;
	[tilespmem:$0x18100] =	vst v63  }
0xe9: {  	s8 =	simm.s32 $0x2900  }
0xea: {  	[tilespmem:s8], [sflag:$0x1] =	stream.indirect_vreg.gather [hbm4b:s5+s3], $0x80, v3, vm0, $0xb8;
	[tilespmem:$0x18100] =	vst v63  }
0xeb: {  	v3 =	vld [tilespmem:$0x10];
	_ =	sdelay $0x4  }
0xec: {  	v9 =	vshrl.u32 v3, $0x3  }
0xed: {  	v4 =	vmul.u32 $0x30, v9  }
0xee: {  	v3 =	vand.u32 $0x7, v3  }
0xef: {  	v3 =	vor.u32 v3, v4  }
0xf0: {  	v4 =	vperm.xlane v3, v0;
	_ =	sdelay $0x1  }
0xf1: {  	v4 =	vadd.s32 v1, v4;
	_ =	sdelay $0x3  }
0xf2: {  	s16 =	simm.s32 $0x3100;
	v3 =	vperm.xlane v3, v2  }
0xf3: {  	[tilespmem:s16], [sflag:$0x1] =	stream.indirect_vreg.gather [hbm4b:s1+s3], $0x80, v4, vm0, $0xb8;
	[tilespmem:$0x18100] =	vst v63  }
0xf4: {  	s8 =	simm.s32 $0x3900;
	v3 =	vadd.s32 v1, v3  }
0xf5: {  	[tilespmem:s8], [sflag:$0x1] =	stream.indirect_vreg.gather [hbm4b:s4+s3], $0x80, v4, vm0, $0xb8;
	[tilespmem:$0x18100] =	vst v63  }
0xf6: {  	s16 =	simm.s32 $0x4100  }
0xf7: {  	[tilespmem:s16], [sflag:$0x1] =	stream.indirect_vreg.gather [hbm4b:s5+s3], $0x80, v4, vm0, $0xb8;
	[tilespmem:$0x18100] =	vst v63  }
0xf8: {  	s17 =	simm.s32 $0x4900  }
0xf9: {  	[tilespmem:s17], [sflag:$0x1] =	stream.indirect_vreg.gather [hbm4b:s1+s3], $0x80, v3, vm0, $0xb8;
	[tilespmem:$0x18100] =	vst v63  }
0xfa: {  	s18 =	simm.s32 $0x5100  }
0xfb: {  	[tilespmem:s18], [sflag:$0x1] =	stream.indirect_vreg.gather [hbm4b:s4+s3], $0x80, v3, vm0, $0xb8;
	[tilespmem:$0x18100] =	vst v63  }
0xfc: {  	s19 =	simm.s32 $0x5900  }
0xfd: {  	[tilespmem:s19], [sflag:$0x1] =	stream.indirect_vreg.gather [hbm4b:s5+s3], $0x80, v3, vm0, $0xb8;
	[tilespmem:$0x18100] =	vst v63  }
0xfe: {  	v3 =	vld [tilespmem:$0x20];
	_ =	sdelay $0x4  }
0xff: {  	v10 =	vshrl.u32 v3, $0x3  }
0x100: {  	v4 =	vmul.u32 $0x30, v10  }
0x101: {  	v3 =	vand.u32 $0x7, v3  }
0x102: {  	v3 =	vor.u32 v3, v4  }
0x103: {  	v4 =	vperm.xlane v3, v0;
	_ =	sdelay $0x1  }
0x104: {  	v4 =	vadd.s32 v1, v4;
	_ =	sdelay $0x3  }
0x105: {  	s20 =	simm.s32 $0x6100;
	v3 =	vperm.xlane v3, v2  }
0x106: {  	[tilespmem:s20], [sflag:$0x1] =	stream.indirect_vreg.gather [hbm4b:s1+s3], $0x80, v4, vm0, $0xb8;
	[tilespmem:$0x18100] =	vst v63  }
0x107: {  	s19 =	simm.s32 $0x6900;
	v3 =	vadd.s32 v1, v3  }
0x108: {  	[tilespmem:s19], [sflag:$0x1] =	stream.indirect_vreg.gather [hbm4b:s4+s3], $0x80, v4, vm0, $0xb8;
	[tilespmem:$0x18100] =	vst v63  }
0x109: {  	s20 =	simm.s32 $0x7100  }
0x10a: {  	[tilespmem:s20], [sflag:$0x1] =	stream.indirect_vreg.gather [hbm4b:s5+s3], $0x80, v4, vm0, $0xb8;
	[tilespmem:$0x18100] =	vst v63  }
0x10b: {  	s21 =	simm.s32 $0x7900  }
0x10c: {  	[tilespmem:s21], [sflag:$0x1] =	stream.indirect_vreg.gather [hbm4b:s1+s3], $0x80, v3, vm0, $0xb8;
	[tilespmem:$0x18100] =	vst v63  }
0x10d: {  	s22 =	simm.s32 $0x8100  }
0x10e: {  	[tilespmem:s22], [sflag:$0x1] =	stream.indirect_vreg.gather [hbm4b:s4+s3], $0x80, v3, vm0, $0xb8;
	[tilespmem:$0x18100] =	vst v63  }
0x10f: {  	s23 =	simm.s32 $0x8900  }
0x110: {  	[tilespmem:s23], [sflag:$0x1] =	stream.indirect_vreg.gather [hbm4b:s5+s3], $0x80, v3, vm0, $0xb8;
	[tilespmem:$0x18100] =	vst v63  }
0x111: {  	v3 =	vld [tilespmem:$0x30];
	_ =	sdelay $0x4  }
0x112: {  	v11 =	vshrl.u32 v3, $0x3  }
0x113: {  	v4 =	vmul.u32 $0x30, v11  }
0x114: {  	v3 =	vand.u32 $0x7, v3  }
0x115: {  	v3 =	vor.u32 v3, v4  }
0x116: {  	v4 =	vperm.xlane v3, v0;
	_ =	sdelay $0x1  }
0x117: {  	v4 =	vadd.s32 v1, v4;
	_ =	sdelay $0x3  }
0x118: {  	s24 =	simm.s32 $0x9100;
	v3 =	vperm.xlane v3, v2  }
0x119: {  	[tilespmem:s24], [sflag:$0x1] =	stream.indirect_vreg.gather [hbm4b:s1+s3], $0x80, v4, vm0, $0xb8;
	[tilespmem:$0x18100] =	vst v63  }
0x11a: {  	s23 =	simm.s32 $0x9900;
	v3 =	vadd.s32 v1, v3  }
0x11b: {  	[tilespmem:s23], [sflag:$0x1] =	stream.indirect_vreg.gather [hbm4b:s4+s3], $0x80, v4, vm0, $0xb8;
	[tilespmem:$0x18100] =	vst v63  }
0x11c: {  	s24 =	simm.s32 $0xA100  }
0x11d: {  	[tilespmem:s24], [sflag:$0x1] =	stream.indirect_vreg.gather [hbm4b:s5+s3], $0x80, v4, vm0, $0xb8;
	[tilespmem:$0x18100] =	vst v63  }
0x11e: {  	s25 =	simm.s32 $0xA900  }
0x11f: {  	[tilespmem:s25], [sflag:$0x1] =	stream.indirect_vreg.gather [hbm4b:s1+s3], $0x80, v3, vm0, $0xb8;
	[tilespmem:$0x18100] =	vst v63  }
0x120: {  	s13 =	simm.s32 $0xB100  }
0x121: {  	[tilespmem:s13], [sflag:$0x1] =	stream.indirect_vreg.gather [hbm4b:s4+s3], $0x80, v3, vm0, $0xb8;
	[tilespmem:$0x18100] =	vst v63  }
0x122: {  	s14 =	simm.s32 $0xB900  }
0x123: {  	[tilespmem:s14], [sflag:$0x1] =	stream.indirect_vreg.gather [hbm4b:s5+s3], $0x80, v3, vm0, $0xb8;
	[tilespmem:$0x18100] =	vst v63  }
0x124: {  	_ =	swait.ge [sflag:s11], $0xC000  }
0x125: {  	[sflag:s11] =	ssyncset.done $0x0  }
0x126: {  	s26 =	rddreg [dreg:$0x8];
	[sflag:s11] =	ssyncadd.s32 $0xFFFF4000  }
0x127: {  	[hbm4b:s26+s3] =	stream.linear.scatter [tilespmem:s9], [sflag:$0x3], $0xC000, $0x38;
	[tilespmem:$0x18100] =	vst v63  }
0x128: {  	_ =	swait.ge [sflag:s7], $0xC000  }
0x129: {  	[sflag:s7] =	ssyncset.done $0x0  }
0x12a: {  	s26 =	simm.s32 $0x80;
	s12 =	rddreg [dreg:$0x9];
	[sflag:s7] =	ssyncadd.s32 $0xFFFF4000  }
0x12b: {  	[tilespmem:s26], [sflag:$0x3] =	stream.linear.gather [hbm4b:s12+s3], $0x40, $0x38;
	[tilespmem:$0x18100] =	vst v63  }
0x12c: {  	_ =	swait.ge [sflag:s7], $0x40  }
0x12d: {  	[sflag:s7] =	ssyncset.done $0x0  }
0x12e: {  	[sflag:s7] =	ssyncadd.s32 $0xFFFFFFC0  }
0x12f: {  	v3 =	vld [tilespmem:$0x80];
	_ =	sdelay $0x4  }
0x130: {  	v12 =	vshrl.u32 v3, $0x3  }
0x131: {  	v4 =	vmul.u32 $0x30, v12  }
0x132: {  	v3 =	vand.u32 $0x7, v3  }
0x133: {  	v3 =	vor.u32 v3, v4  }
0x134: {  	v4 =	vperm.xlane v3, v0;
	_ =	sdelay $0x1  }
0x135: {  	v4 =	vadd.s32 v1, v4;
	_ =	sdelay $0x3  }
0x136: {  	v3 =	vperm.xlane v3, v2  }
0x137: {  	[tilespmem:s9], [sflag:$0x2] =	stream.indirect_vreg.gather [hbm4b:s1+s3], $0x80, v4, vm0, $0xb8;
	[tilespmem:$0x18100] =	vst v63  }
0x138: {  	s12 =	simm.s32 $0xC900;
	v3 =	vadd.s32 v1, v3  }
0x139: {  	[tilespmem:s12], [sflag:$0x2] =	stream.indirect_vreg.gather [hbm4b:s4+s3], $0x80, v4, vm0, $0xb8;
	[tilespmem:$0x18100] =	vst v63  }
0x13a: {  	s12 =	simm.s32 $0xD100  }
0x13b: {  	[tilespmem:s12], [sflag:$0x2] =	stream.indirect_vreg.gather [hbm4b:s5+s3], $0x80, v4, vm0, $0xb8;
	[tilespmem:$0x18100] =	vst v63  }
0x13c: {  	s12 =	simm.s32 $0xD900  }
0x13d: {  	[tilespmem:s12], [sflag:$0x2] =	stream.indirect_vreg.gather [hbm4b:s1+s3], $0x80, v3, vm0, $0xb8;
	[tilespmem:$0x18100] =	vst v63  }
0x13e: {  	s12 =	simm.s32 $0xE100  }
0x13f: {  	[tilespmem:s12], [sflag:$0x2] =	stream.indirect_vreg.gather [hbm4b:s4+s3], $0x80, v3, vm0, $0xb8;
	[tilespmem:$0x18100] =	vst v63  }
0x140: {  	s29 =	simm.s32 $0xE900  }
0x141: {  	[tilespmem:s29], [sflag:$0x2] =	stream.indirect_vreg.gather [hbm4b:s5+s3], $0x80, v3, vm0, $0xb8;
	[tilespmem:$0x18100] =	vst v63  }
0x142: {  	v3 =	vld [tilespmem:$0x90];
	_ =	sdelay $0x4  }
0x143: {  	v13 =	vshrl.u32 v3, $0x3  }
0x144: {  	v4 =	vmul.u32 $0x30, v13  }
0x145: {  	v3 =	vand.u32 $0x7, v3  }
0x146: {  	v3 =	vor.u32 v3, v4  }
0x147: {  	v4 =	vperm.xlane v3, v0;
	_ =	sdelay $0x1  }
0x148: {  	v4 =	vadd.s32 v1, v4;
	_ =	sdelay $0x3  }
0x149: {  	s30 =	simm.s32 $0xF100;
	v3 =	vperm.xlane v3, v2  }
0x14a: {  	[tilespmem:s30], [sflag:$0x2] =	stream.indirect_vreg.gather [hbm4b:s1+s3], $0x80, v4, vm0, $0xb8;
	[tilespmem:$0x18100] =	vst v63  }
0x14b: {  	s29 =	simm.s32 $0xF900;
	v3 =	vadd.s32 v1, v3  }
0x14c: {  	[tilespmem:s29], [sflag:$0x2] =	stream.indirect_vreg.gather [hbm4b:s4+s3], $0x80, v4, vm0, $0xb8;
	[tilespmem:$0x18100] =	vst v63  }
0x14d: {  	s30 =	simm.s32 $0x10100  }
0x14e: {  	[tilespmem:s30], [sflag:$0x2] =	stream.indirect_vreg.gather [hbm4b:s5+s3], $0x80, v4, vm0, $0xb8;
	[tilespmem:$0x18100] =	vst v63  }
0x14f: {  	s12 =	simm.s32 $0x10900  }
0x150: {  	[tilespmem:s12], [sflag:$0x2] =	stream.indirect_vreg.gather [hbm4b:s1+s3], $0x80, v3, vm0, $0xb8;
	[tilespmem:$0x18100] =	vst v63  }
0x151: {  	s12 =	simm.s32 $0x11100  }
0x152: {  	[tilespmem:s12], [sflag:$0x2] =	stream.indirect_vreg.gather [hbm4b:s4+s3], $0x80, v3, vm0, $0xb8;
	[tilespmem:$0x18100] =	vst v63  }
0x153: {  	s31 =	simm.s32 $0x11900  }
0x154: {  	[tilespmem:s31], [sflag:$0x2] =	stream.indirect_vreg.gather [hbm4b:s5+s3], $0x80, v3, vm0, $0xb8;
	[tilespmem:$0x18100] =	vst v63  }
0x155: {  	v3 =	vld [tilespmem:$0xA0];
	_ =	sdelay $0x4  }
0x156: {  	v14 =	vshrl.u32 v3, $0x3  }
0x157: {  	v4 =	vmul.u32 $0x30, v14  }
0x158: {  	v3 =	vand.u32 $0x7, v3  }
0x159: {  	v3 =	vor.u32 v3, v4  }
0x15a: {  	v4 =	vperm.xlane v3, v0;
	_ =	sdelay $0x1  }
0x15b: {  	v4 =	vadd.s32 v1, v4;
	_ =	sdelay $0x3  }
0x15c: {  	s28 =	simm.s32 $0x12100;
	v3 =	vperm.xlane v3, v2  }
0x15d: {  	[tilespmem:s28], [sflag:$0x2] =	stream.indirect_vreg.gather [hbm4b:s1+s3], $0x80, v4, vm0, $0xb8;
	[tilespmem:$0x18100] =	vst v63  }
0x15e: {  	v3 =	vadd.s32 v1, v3;
	s28 =	simm.s32 $0x12900  }
0x15f: {  	[tilespmem:s28], [sflag:$0x2] =	stream.indirect_vreg.gather [hbm4b:s4+s3], $0x80, v4, vm0, $0xb8;
	[tilespmem:$0x18100] =	vst v63  }
0x160: {  	s31 =	simm.s32 $0x13100  }
0x161: {  	[tilespmem:s31], [sflag:$0x2] =	stream.indirect_vreg.gather [hbm4b:s5+s3], $0x80, v4, vm0, $0xb8;
	[tilespmem:$0x18100] =	vst v63  }
0x162: {  	s12 =	simm.s32 $0x13900  }
0x163: {  	[tilespmem:s12], [sflag:$0x2] =	stream.indirect_vreg.gather [hbm4b:s1+s3], $0x80, v3, vm0, $0xb8;
	[tilespmem:$0x18100] =	vst v63  }
0x164: {  	s12 =	simm.s32 $0x14100  }
0x165: {  	[tilespmem:s12], [sflag:$0x2] =	stream.indirect_vreg.gather [hbm4b:s4+s3], $0x80, v3, vm0, $0xb8;
	[tilespmem:$0x18100] =	vst v63  }
0x166: {  	s12 =	simm.s32 $0x14900  }
0x167: {  	[tilespmem:s12], [sflag:$0x2] =	stream.indirect_vreg.gather [hbm4b:s5+s3], $0x80, v3, vm0, $0xb8;
	[tilespmem:$0x18100] =	vst v63  }
0x168: {  	v3 =	vld [tilespmem:$0xB0];
	_ =	sdelay $0x4  }
0x169: {  	v15 =	vshrl.u32 v3, $0x3  }
0x16a: {  	v4 =	vmul.u32 $0x30, v15  }
0x16b: {  	v3 =	vand.u32 $0x7, v3  }
0x16c: {  	v3 =	vor.u32 v3, v4  }
0x16d: {  	v4 =	vperm.xlane v3, v0;
	_ =	sdelay $0x1  }
0x16e: {  	v4 =	vadd.s32 v1, v4;
	_ =	sdelay $0x3  }
0x16f: {  	s12 =	simm.s32 $0x15100;
	v3 =	vperm.xlane v3, v2  }
0x170: {  	[tilespmem:s12], [sflag:$0x2] =	stream.indirect_vreg.gather [hbm4b:s1+s3], $0x80, v4, vm0, $0xb8;
	[tilespmem:$0x18100] =	vst v63  }
0x171: {  	v3 =	vadd.s32 v1, v3;
	s12 =	simm.s32 $0x15900  }
0x172: {  	[tilespmem:s12], [sflag:$0x2] =	stream.indirect_vreg.gather [hbm4b:s4+s3], $0x80, v4, vm0, $0xb8;
	[tilespmem:$0x18100] =	vst v63  }
0x173: {  	s12 =	simm.s32 $0x16100  }
0x174: {  	[tilespmem:s12], [sflag:$0x2] =	stream.indirect_vreg.gather [hbm4b:s5+s3], $0x80, v4, vm0, $0xb8;
	[tilespmem:$0x18100] =	vst v63  }
0x175: {  	s12 =	simm.s32 $0x16900  }
0x176: {  	[tilespmem:s12], [sflag:$0x2] =	stream.indirect_vreg.gather [hbm4b:s1+s3], $0x80, v3, vm0, $0xb8;
	[tilespmem:$0x18100] =	vst v63  }
0x177: {  	s12 =	simm.s32 $0x17100  }
0x178: {  	[tilespmem:s12], [sflag:$0x2] =	stream.indirect_vreg.gather [hbm4b:s4+s3], $0x80, v3, vm0, $0xb8;
	[tilespmem:$0x18100] =	vst v63  }
0x179: {  	s12 =	simm.s32 $0x17900  }
0x17a: {  	[tilespmem:s12], [sflag:$0x2] =	stream.indirect_vreg.gather [hbm4b:s5+s3], $0x80, v3, vm0, $0xb8;
	[tilespmem:$0x18100] =	vst v63  }
0x17b: {  	_ =	swait.ge [sflag:s10], $0xC000  }
0x17c: {  	[sflag:s10] =	ssyncset.done $0x0  }
0x17d: {  	s12 =	rddreg [dreg:$0xa];
	[sflag:s10] =	ssyncadd.s32 $0xFFFF4000  }
0x17e: {  	[hbm4b:s12+s3] =	stream.linear.scatter [tilespmem:s15], [sflag:$0x3], $0xC000, $0x38;
	[tilespmem:$0x18100] =	vst v63  }
0x17f: {  	_ =	swait.ge [sflag:s7], $0xC000  }
0x180: {  	[sflag:s7] =	ssyncset.done $0x0  }
0x181: {  	s12 =	rddreg [dreg:$0xb];
	[sflag:s7] =	ssyncadd.s32 $0xFFFF4000  }
0x182: {  	[tilespmem:s3], [sflag:$0x3] =	stream.linear.gather [hbm4b:s12+s3], $0x40, $0x38;
	[tilespmem:$0x18100] =	vst v63  }
0x183: {  	_ =	swait.ge [sflag:s7], $0x40  }
0x184: {  	[sflag:s7] =	ssyncset.done $0x0  }
0x185: {  	[sflag:s7] =	ssyncadd.s32 $0xFFFFFFC0  }
0x186: {  	v3 =	vld [tilespmem:$0x0];
	_ =	sdelay $0x4  }
0x187: {  	v16 =	vshrl.u32 v3, $0x3  }
0x188: {  	v4 =	vmul.u32 $0x30, v16  }
0x189: {  	v3 =	vand.u32 $0x7, v3  }
0x18a: {  	v3 =	vor.u32 v3, v4  }
0x18b: {  	v4 =	vperm.xlane v3, v0;
	_ =	sdelay $0x1  }
0x18c: {  	v4 =	vadd.s32 v1, v4;
	_ =	sdelay $0x3  }
0x18d: {  	v3 =	vperm.xlane v3, v2  }
0x18e: {  	[tilespmem:s15], [sflag:$0x1] =	stream.indirect_vreg.gather [hbm4b:s1+s3], $0x80, v4, vm0, $0xb8;
	[tilespmem:$0x18100] =	vst v63  }
0x18f: {  	s12 =	simm.s32 $0x900;
	v3 =	vadd.s32 v1, v3  }
0x190: {  	[tilespmem:s12], [sflag:$0x1] =	stream.indirect_vreg.gather [hbm4b:s4+s3], $0x80, v4, vm0, $0xb8;
	[tilespmem:$0x18100] =	vst v63  }
0x191: {  	_ = 	snop  }
0x192: {  	[tilespmem:s0], [sflag:$0x1] =	stream.indirect_vreg.gather [hbm4b:s5+s3], $0x80, v4, vm0, $0xb8;
	[tilespmem:$0x18100] =	vst v63  }
0x193: {  	_ = 	snop  }
0x194: {  	[tilespmem:s2], [sflag:$0x1] =	stream.indirect_vreg.gather [hbm4b:s1+s3], $0x80, v3, vm0, $0xb8;
	[tilespmem:$0x18100] =	vst v63  }
0x195: {  	_ = 	snop  }
0x196: {  	[tilespmem:s6], [sflag:$0x1] =	stream.indirect_vreg.gather [hbm4b:s4+s3], $0x80, v3, vm0, $0xb8;
	[tilespmem:$0x18100] =	vst v63  }
0x197: {  	s12 =	simm.s32 $0x2900  }
0x198: {  	[tilespmem:s12], [sflag:$0x1] =	stream.indirect_vreg.gather [hbm4b:s5+s3], $0x80, v3, vm0, $0xb8;
	[tilespmem:$0x18100] =	vst v63  }
0x199: {  	v3 =	vld [tilespmem:$0x10];
	_ =	sdelay $0x4  }
0x19a: {  	v17 =	vshrl.u32 v3, $0x3  }
0x19b: {  	v4 =	vmul.u32 $0x30, v17  }
0x19c: {  	v3 =	vand.u32 $0x7, v3  }
0x19d: {  	v3 =	vor.u32 v3, v4  }
0x19e: {  	v4 =	vperm.xlane v3, v0;
	_ =	sdelay $0x1  }
0x19f: {  	v4 =	vadd.s32 v1, v4;
	_ =	sdelay $0x3  }
0x1a0: {  	s12 =	simm.s32 $0x3100;
	v3 =	vperm.xlane v3, v2  }
0x1a1: {  	[tilespmem:s12], [sflag:$0x1] =	stream.indirect_vreg.gather [hbm4b:s1+s3], $0x80, v4, vm0, $0xb8;
	[tilespmem:$0x18100] =	vst v63  }
0x1a2: {  	v3 =	vadd.s32 v1, v3  }
0x1a3: {  	[tilespmem:s8], [sflag:$0x1] =	stream.indirect_vreg.gather [hbm4b:s4+s3], $0x80, v4, vm0, $0xb8;
	[tilespmem:$0x18100] =	vst v63  }
0x1a4: {  	_ = 	snop  }
0x1a5: {  	[tilespmem:s16], [sflag:$0x1] =	stream.indirect_vreg.gather [hbm4b:s5+s3], $0x80, v4, vm0, $0xb8;
	[tilespmem:$0x18100] =	vst v63  }
0x1a6: {  	_ = 	snop  }
0x1a7: {  	[tilespmem:s17], [sflag:$0x1] =	stream.indirect_vreg.gather [hbm4b:s1+s3], $0x80, v3, vm0, $0xb8;
	[tilespmem:$0x18100] =	vst v63  }
0x1a8: {  	_ = 	snop  }
0x1a9: {  	[tilespmem:s18], [sflag:$0x1] =	stream.indirect_vreg.gather [hbm4b:s4+s3], $0x80, v3, vm0, $0xb8;
	[tilespmem:$0x18100] =	vst v63  }
0x1aa: {  	s18 =	simm.s32 $0x5900  }
0x1ab: {  	[tilespmem:s18], [sflag:$0x1] =	stream.indirect_vreg.gather [hbm4b:s5+s3], $0x80, v3, vm0, $0xb8;
	[tilespmem:$0x18100] =	vst v63  }
0x1ac: {  	v3 =	vld [tilespmem:$0x20];
	_ =	sdelay $0x4  }
0x1ad: {  	v18 =	vshrl.u32 v3, $0x3  }
0x1ae: {  	v4 =	vmul.u32 $0x30, v18  }
0x1af: {  	v3 =	vand.u32 $0x7, v3  }
0x1b0: {  	v3 =	vor.u32 v3, v4  }
0x1b1: {  	v4 =	vperm.xlane v3, v0;
	_ =	sdelay $0x1  }
0x1b2: {  	v4 =	vadd.s32 v1, v4;
	_ =	sdelay $0x3  }
0x1b3: {  	s18 =	simm.s32 $0x6100;
	v3 =	vperm.xlane v3, v2  }
0x1b4: {  	[tilespmem:s18], [sflag:$0x1] =	stream.indirect_vreg.gather [hbm4b:s1+s3], $0x80, v4, vm0, $0xb8;
	[tilespmem:$0x18100] =	vst v63  }
0x1b5: {  	v3 =	vadd.s32 v1, v3  }
0x1b6: {  	[tilespmem:s19], [sflag:$0x1] =	stream.indirect_vreg.gather [hbm4b:s4+s3], $0x80, v4, vm0, $0xb8;
	[tilespmem:$0x18100] =	vst v63  }
0x1b7: {  	_ = 	snop  }
0x1b8: {  	[tilespmem:s20], [sflag:$0x1] =	stream.indirect_vreg.gather [hbm4b:s5+s3], $0x80, v4, vm0, $0xb8;
	[tilespmem:$0x18100] =	vst v63  }
0x1b9: {  	_ = 	snop  }
0x1ba: {  	[tilespmem:s21], [sflag:$0x1] =	stream.indirect_vreg.gather [hbm4b:s1+s3], $0x80, v3, vm0, $0xb8;
	[tilespmem:$0x18100] =	vst v63  }
0x1bb: {  	_ = 	snop  }
0x1bc: {  	[tilespmem:s22], [sflag:$0x1] =	stream.indirect_vreg.gather [hbm4b:s4+s3], $0x80, v3, vm0, $0xb8;
	[tilespmem:$0x18100] =	vst v63  }
0x1bd: {  	s22 =	simm.s32 $0x8900  }
0x1be: {  	[tilespmem:s22], [sflag:$0x1] =	stream.indirect_vreg.gather [hbm4b:s5+s3], $0x80, v3, vm0, $0xb8;
	[tilespmem:$0x18100] =	vst v63  }
0x1bf: {  	v3 =	vld [tilespmem:$0x30];
	_ =	sdelay $0x4  }
0x1c0: {  	v19 =	vshrl.u32 v3, $0x3  }
0x1c1: {  	v4 =	vmul.u32 $0x30, v19  }
0x1c2: {  	v3 =	vand.u32 $0x7, v3  }
0x1c3: {  	v3 =	vor.u32 v3, v4  }
0x1c4: {  	v4 =	vperm.xlane v3, v0;
	_ =	sdelay $0x1  }
0x1c5: {  	v4 =	vadd.s32 v1, v4;
	_ =	sdelay $0x3  }
0x1c6: {  	s22 =	simm.s32 $0x9100;
	v3 =	vperm.xlane v3, v2  }
0x1c7: {  	[tilespmem:s22], [sflag:$0x1] =	stream.indirect_vreg.gather [hbm4b:s1+s3], $0x80, v4, vm0, $0xb8;
	[tilespmem:$0x18100] =	vst v63  }
0x1c8: {  	v3 =	vadd.s32 v1, v3  }
0x1c9: {  	[tilespmem:s23], [sflag:$0x1] =	stream.indirect_vreg.gather [hbm4b:s4+s3], $0x80, v4, vm0, $0xb8;
	[tilespmem:$0x18100] =	vst v63  }
0x1ca: {  	_ = 	snop  }
0x1cb: {  	[tilespmem:s24], [sflag:$0x1] =	stream.indirect_vreg.gather [hbm4b:s5+s3], $0x80, v4, vm0, $0xb8;
	[tilespmem:$0x18100] =	vst v63  }
0x1cc: {  	_ = 	snop  }
0x1cd: {  	[tilespmem:s25], [sflag:$0x1] =	stream.indirect_vreg.gather [hbm4b:s1+s3], $0x80, v3, vm0, $0xb8;
	[tilespmem:$0x18100] =	vst v63  }
0x1ce: {  	_ = 	snop  }
0x1cf: {  	[tilespmem:s13], [sflag:$0x1] =	stream.indirect_vreg.gather [hbm4b:s4+s3], $0x80, v3, vm0, $0xb8;
	[tilespmem:$0x18100] =	vst v63  }
0x1d0: {  	_ = 	snop  }
0x1d1: {  	[tilespmem:s14], [sflag:$0x1] =	stream.indirect_vreg.gather [hbm4b:s5+s3], $0x80, v3, vm0, $0xb8;
	[tilespmem:$0x18100] =	vst v63  }
0x1d2: {  	_ =	swait.ge [sflag:s11], $0xC000  }
0x1d3: {  	[sflag:s11] =	ssyncset.done $0x0  }
0x1d4: {  	s13 =	rddreg [dreg:$0xc];
	[sflag:s11] =	ssyncadd.s32 $0xFFFF4000  }
0x1d5: {  	[hbm4b:s13+s3] =	stream.linear.scatter [tilespmem:s9], [sflag:$0x3], $0xC000, $0x38;
	[tilespmem:$0x18100] =	vst v63  }
0x1d6: {  	_ =	swait.ge [sflag:s7], $0xC000  }
0x1d7: {  	[sflag:s7] =	ssyncset.done $0x0  }
0x1d8: {  	s13 =	rddreg [dreg:$0xd];
	[sflag:s7] =	ssyncadd.s32 $0xFFFF4000  }
0x1d9: {  	[tilespmem:s26], [sflag:$0x3] =	stream.linear.gather [hbm4b:s13+s3], $0x40, $0x38;
	[tilespmem:$0x18100] =	vst v63  }
0x1da: {  	_ =	swait.ge [sflag:s7], $0x40  }
0x1db: {  	[sflag:s7] =	ssyncset.done $0x0  }
0x1dc: {  	[sflag:s7] =	ssyncadd.s32 $0xFFFFFFC0  }
0x1dd: {  	v3 =	vld [tilespmem:$0x80];
	_ =	sdelay $0x4  }
0x1de: {  	v20 =	vshrl.u32 v3, $0x3  }
0x1df: {  	v4 =	vmul.u32 $0x30, v20  }
0x1e0: {  	v3 =	vand.u32 $0x7, v3  }
0x1e1: {  	v3 =	vor.u32 v3, v4  }
0x1e2: {  	v4 =	vperm.xlane v3, v0;
	_ =	sdelay $0x1  }
0x1e3: {  	v4 =	vadd.s32 v1, v4;
	_ =	sdelay $0x3  }
0x1e4: {  	v3 =	vperm.xlane v3, v2  }
0x1e5: {  	[tilespmem:s9], [sflag:$0x2] =	stream.indirect_vreg.gather [hbm4b:s1+s3], $0x80, v4, vm0, $0xb8;
	[tilespmem:$0x18100] =	vst v63  }
0x1e6: {  	s26 =	simm.s32 $0xC900;
	v3 =	vadd.s32 v1, v3  }
0x1e7: {  	[tilespmem:s26], [sflag:$0x2] =	stream.indirect_vreg.gather [hbm4b:s4+s3], $0x80, v4, vm0, $0xb8;
	[tilespmem:$0x18100] =	vst v63  }
0x1e8: {  	s26 =	simm.s32 $0xD100  }
0x1e9: {  	[tilespmem:s26], [sflag:$0x2] =	stream.indirect_vreg.gather [hbm4b:s5+s3], $0x80, v4, vm0, $0xb8;
	[tilespmem:$0x18100] =	vst v63  }
0x1ea: {  	s12 =	simm.s32 $0xD900  }
0x1eb: {  	[tilespmem:s12], [sflag:$0x2] =	stream.indirect_vreg.gather [hbm4b:s1+s3], $0x80, v3, vm0, $0xb8;
	[tilespmem:$0x18100] =	vst v63  }
0x1ec: {  	s12 =	simm.s32 $0xE100  }
0x1ed: {  	[tilespmem:s12], [sflag:$0x2] =	stream.indirect_vreg.gather [hbm4b:s4+s3], $0x80, v3, vm0, $0xb8;
	[tilespmem:$0x18100] =	vst v63  }
0x1ee: {  	s12 =	simm.s32 $0xE900  }
0x1ef: {  	[tilespmem:s12], [sflag:$0x2] =	stream.indirect_vreg.gather [hbm4b:s5+s3], $0x80, v3, vm0, $0xb8;
	[tilespmem:$0x18100] =	vst v63  }
0x1f0: {  	v3 =	vld [tilespmem:$0x90];
	_ =	sdelay $0x4  }
0x1f1: {  	v21 =	vshrl.u32 v3, $0x3  }
0x1f2: {  	v4 =	vmul.u32 $0x30, v21  }
0x1f3: {  	v3 =	vand.u32 $0x7, v3  }
0x1f4: {  	v3 =	vor.u32 v3, v4  }
0x1f5: {  	v4 =	vperm.xlane v3, v0;
	_ =	sdelay $0x1  }
0x1f6: {  	v4 =	vadd.s32 v1, v4;
	_ =	sdelay $0x3  }
0x1f7: {  	s12 =	simm.s32 $0xF100;
	v3 =	vperm.xlane v3, v2  }
0x1f8: {  	[tilespmem:s12], [sflag:$0x2] =	stream.indirect_vreg.gather [hbm4b:s1+s3], $0x80, v4, vm0, $0xb8;
	[tilespmem:$0x18100] =	vst v63  }
0x1f9: {  	s29 =	simm.s32 $0xF900;
	v3 =	vadd.s32 v1, v3  }
0x1fa: {  	[tilespmem:s29], [sflag:$0x2] =	stream.indirect_vreg.gather [hbm4b:s4+s3], $0x80, v4, vm0, $0xb8;
	[tilespmem:$0x18100] =	vst v63  }
0x1fb: {  	s30 =	simm.s32 $0x10100  }
0x1fc: {  	[tilespmem:s30], [sflag:$0x2] =	stream.indirect_vreg.gather [hbm4b:s5+s3], $0x80, v4, vm0, $0xb8;
	[tilespmem:$0x18100] =	vst v63  }
0x1fd: {  	s12 =	simm.s32 $0x10900  }
0x1fe: {  	[tilespmem:s12], [sflag:$0x2] =	stream.indirect_vreg.gather [hbm4b:s1+s3], $0x80, v3, vm0, $0xb8;
	[tilespmem:$0x18100] =	vst v63  }
0x1ff: {  	s12 =	simm.s32 $0x11100  }
0x200: {  	[tilespmem:s12], [sflag:$0x2] =	stream.indirect_vreg.gather [hbm4b:s4+s3], $0x80, v3, vm0, $0xb8;
	[tilespmem:$0x18100] =	vst v63  }
0x201: {  	s12 =	simm.s32 $0x11900  }
0x202: {  	[tilespmem:s12], [sflag:$0x2] =	stream.indirect_vreg.gather [hbm4b:s5+s3], $0x80, v3, vm0, $0xb8;
	[tilespmem:$0x18100] =	vst v63  }
0x203: {  	v3 =	vld [tilespmem:$0xA0];
	_ =	sdelay $0x4  }
0x204: {  	v22 =	vshrl.u32 v3, $0x3  }
0x205: {  	v4 =	vmul.u32 $0x30, v22  }
0x206: {  	v3 =	vand.u32 $0x7, v3  }
0x207: {  	v3 =	vor.u32 v3, v4  }
0x208: {  	v4 =	vperm.xlane v3, v0;
	_ =	sdelay $0x1  }
0x209: {  	v4 =	vadd.s32 v1, v4;
	_ =	sdelay $0x3  }
0x20a: {  	s12 =	simm.s32 $0x12100;
	v3 =	vperm.xlane v3, v2  }
0x20b: {  	[tilespmem:s12], [sflag:$0x2] =	stream.indirect_vreg.gather [hbm4b:s1+s3], $0x80, v4, vm0, $0xb8;
	[tilespmem:$0x18100] =	vst v63  }
0x20c: {  	s28 =	simm.s32 $0x12900;
	v3 =	vadd.s32 v1, v3  }
0x20d: {  	[tilespmem:s28], [sflag:$0x2] =	stream.indirect_vreg.gather [hbm4b:s4+s3], $0x80, v4, vm0, $0xb8;
	[tilespmem:$0x18100] =	vst v63  }
0x20e: {  	s31 =	simm.s32 $0x13100  }
0x20f: {  	[tilespmem:s31], [sflag:$0x2] =	stream.indirect_vreg.gather [hbm4b:s5+s3], $0x80, v4, vm0, $0xb8;
	[tilespmem:$0x18100] =	vst v63  }
0x210: {  	s12 =	simm.s32 $0x13900  }
0x211: {  	[tilespmem:s12], [sflag:$0x2] =	stream.indirect_vreg.gather [hbm4b:s1+s3], $0x80, v3, vm0, $0xb8;
	[tilespmem:$0x18100] =	vst v63  }
0x212: {  	s12 =	simm.s32 $0x14100  }
0x213: {  	[tilespmem:s12], [sflag:$0x2] =	stream.indirect_vreg.gather [hbm4b:s4+s3], $0x80, v3, vm0, $0xb8;
	[tilespmem:$0x18100] =	vst v63  }
0x214: {  	s12 =	simm.s32 $0x14900  }
0x215: {  	[tilespmem:s12], [sflag:$0x2] =	stream.indirect_vreg.gather [hbm4b:s5+s3], $0x80, v3, vm0, $0xb8;
	[tilespmem:$0x18100] =	vst v63  }
0x216: {  	v3 =	vld [tilespmem:$0xB0];
	_ =	sdelay $0x4  }
0x217: {  	v23 =	vshrl.u32 v3, $0x3  }
0x218: {  	v4 =	vmul.u32 $0x30, v23  }
0x219: {  	v3 =	vand.u32 $0x7, v3  }
0x21a: {  	v3 =	vor.u32 v3, v4  }
0x21b: {  	v4 =	vperm.xlane v3, v0;
	_ =	sdelay $0x1  }
0x21c: {  	v4 =	vadd.s32 v1, v4;
	_ =	sdelay $0x3  }
0x21d: {  	s12 =	simm.s32 $0x15100;
	v3 =	vperm.xlane v3, v2  }
0x21e: {  	[tilespmem:s12], [sflag:$0x2] =	stream.indirect_vreg.gather [hbm4b:s1+s3], $0x80, v4, vm0, $0xb8;
	[tilespmem:$0x18100] =	vst v63  }
0x21f: {  	v3 =	vadd.s32 v1, v3;
	s12 =	simm.s32 $0x15900  }
0x220: {  	[tilespmem:s12], [sflag:$0x2] =	stream.indirect_vreg.gather [hbm4b:s4+s3], $0x80, v4, vm0, $0xb8;
	[tilespmem:$0x18100] =	vst v63  }
0x221: {  	s12 =	simm.s32 $0x16100  }
0x222: {  	[tilespmem:s12], [sflag:$0x2] =	stream.indirect_vreg.gather [hbm4b:s5+s3], $0x80, v4, vm0, $0xb8;
	[tilespmem:$0x18100] =	vst v63  }
0x223: {  	s12 =	simm.s32 $0x16900  }
0x224: {  	[tilespmem:s12], [sflag:$0x2] =	stream.indirect_vreg.gather [hbm4b:s1+s3], $0x80, v3, vm0, $0xb8;
	[tilespmem:$0x18100] =	vst v63  }
0x225: {  	s12 =	simm.s32 $0x17100  }
0x226: {  	[tilespmem:s12], [sflag:$0x2] =	stream.indirect_vreg.gather [hbm4b:s4+s3], $0x80, v3, vm0, $0xb8;
	[tilespmem:$0x18100] =	vst v63  }
0x227: {  	s12 =	simm.s32 $0x17900  }
0x228: {  	[tilespmem:s12], [sflag:$0x2] =	stream.indirect_vreg.gather [hbm4b:s5+s3], $0x80, v3, vm0, $0xb8;
	[tilespmem:$0x18100] =	vst v63  }
0x229: {  	_ =	swait.ge [sflag:s10], $0xC000  }
0x22a: {  	[sflag:s10] =	ssyncset.done $0x0  }
0x22b: {  	s12 =	rddreg [dreg:$0xe];
	[sflag:s10] =	ssyncadd.s32 $0xFFFF4000  }
0x22c: {  	[hbm4b:s12+s3] =	stream.linear.scatter [tilespmem:s15], [sflag:$0x3], $0xC000, $0x38;
	[tilespmem:$0x18100] =	vst v63  }
0x22d: {  	_ =	swait.ge [sflag:s7], $0xC000  }
0x22e: {  	[sflag:s7] =	ssyncset.done $0x0  }
0x22f: {  	s12 =	rddreg [dreg:$0xf];
	[sflag:s7] =	ssyncadd.s32 $0xFFFF4000  }
0x230: {  	[tilespmem:s3], [sflag:$0x3] =	stream.linear.gather [hbm4b:s12+s3], $0x40, $0x38;
	[tilespmem:$0x18100] =	vst v63  }
0x231: {  	_ =	swait.ge [sflag:s7], $0x40  }
0x232: {  	[sflag:s7] =	ssyncset.done $0x0  }
0x233: {  	[sflag:s7] =	ssyncadd.s32 $0xFFFFFFC0  }
0x234: {  	v3 =	vld [tilespmem:$0x0];
	_ =	sdelay $0x4  }
0x235: {  	v24 =	vshrl.u32 v3, $0x3  }
0x236: {  	v4 =	vmul.u32 $0x30, v24  }
0x237: {  	v3 =	vand.u32 $0x7, v3  }
0x238: {  	v3 =	vor.u32 v3, v4  }
0x239: {  	v4 =	vperm.xlane v3, v0;
	_ =	sdelay $0x1  }
0x23a: {  	v4 =	vadd.s32 v1, v4;
	_ =	sdelay $0x3  }
0x23b: {  	v3 =	vperm.xlane v3, v2  }
0x23c: {  	[tilespmem:s15], [sflag:$0x1] =	stream.indirect_vreg.gather [hbm4b:s1+s3], $0x80, v4, vm0, $0xb8;
	[tilespmem:$0x18100] =	vst v63  }
0x23d: {  	s12 =	simm.s32 $0x900;
	v3 =	vadd.s32 v1, v3  }
0x23e: {  	[tilespmem:s12], [sflag:$0x1] =	stream.indirect_vreg.gather [hbm4b:s4+s3], $0x80, v4, vm0, $0xb8;
	[tilespmem:$0x18100] =	vst v63  }
0x23f: {  	s12 =	simm.s32 $0x1100  }
0x240: {  	[tilespmem:s12], [sflag:$0x1] =	stream.indirect_vreg.gather [hbm4b:s5+s3], $0x80, v4, vm0, $0xb8;
	[tilespmem:$0x18100] =	vst v63  }
0x241: {  	s0 =	simm.s32 $0x1900  }
0x242: {  	[tilespmem:s0], [sflag:$0x1] =	stream.indirect_vreg.gather [hbm4b:s1+s3], $0x80, v3, vm0, $0xb8;
	[tilespmem:$0x18100] =	vst v63  }
0x243: {  	s6 =	simm.s32 $0x2100  }
0x244: {  	[tilespmem:s6], [sflag:$0x1] =	stream.indirect_vreg.gather [hbm4b:s4+s3], $0x80, v3, vm0, $0xb8;
	[tilespmem:$0x18100] =	vst v63  }
0x245: {  	s12 =	simm.s32 $0x2900  }
0x246: {  	[tilespmem:s12], [sflag:$0x1] =	stream.indirect_vreg.gather [hbm4b:s5+s3], $0x80, v3, vm0, $0xb8;
	[tilespmem:$0x18100] =	vst v63  }
0x247: {  	v3 =	vld [tilespmem:$0x10];
	_ =	sdelay $0x4  }
0x248: {  	v25 =	vshrl.u32 v3, $0x3  }
0x249: {  	v4 =	vmul.u32 $0x30, v25  }
0x24a: {  	v3 =	vand.u32 $0x7, v3  }
0x24b: {  	v3 =	vor.u32 v3, v4  }
0x24c: {  	v4 =	vperm.xlane v3, v0;
	_ =	sdelay $0x1  }
0x24d: {  	v4 =	vadd.s32 v1, v4;
	_ =	sdelay $0x3  }
0x24e: {  	s12 =	simm.s32 $0x3100;
	v3 =	vperm.xlane v3, v2  }
0x24f: {  	[tilespmem:s12], [sflag:$0x1] =	stream.indirect_vreg.gather [hbm4b:s1+s3], $0x80, v4, vm0, $0xb8;
	[tilespmem:$0x18100] =	vst v63  }
0x250: {  	s8 =	simm.s32 $0x3900;
	v3 =	vadd.s32 v1, v3  }
0x251: {  	[tilespmem:s8], [sflag:$0x1] =	stream.indirect_vreg.gather [hbm4b:s4+s3], $0x80, v4, vm0, $0xb8;
	[tilespmem:$0x18100] =	vst v63  }
0x252: {  	s2 =	simm.s32 $0x4100  }
0x253: {  	[tilespmem:s2], [sflag:$0x1] =	stream.indirect_vreg.gather [hbm4b:s5+s3], $0x80, v4, vm0, $0xb8;
	[tilespmem:$0x18100] =	vst v63  }
0x254: {  	s16 =	simm.s32 $0x4900  }
0x255: {  	[tilespmem:s16], [sflag:$0x1] =	stream.indirect_vreg.gather [hbm4b:s1+s3], $0x80, v3, vm0, $0xb8;
	[tilespmem:$0x18100] =	vst v63  }
0x256: {  	s17 =	simm.s32 $0x5100  }
0x257: {  	[tilespmem:s17], [sflag:$0x1] =	stream.indirect_vreg.gather [hbm4b:s4+s3], $0x80, v3, vm0, $0xb8;
	[tilespmem:$0x18100] =	vst v63  }
0x258: {  	s12 =	simm.s32 $0x5900  }
0x259: {  	[tilespmem:s12], [sflag:$0x1] =	stream.indirect_vreg.gather [hbm4b:s5+s3], $0x80, v3, vm0, $0xb8;
	[tilespmem:$0x18100] =	vst v63  }
0x25a: {  	v3 =	vld [tilespmem:$0x20];
	_ =	sdelay $0x4  }
0x25b: {  	v26 =	vshrl.u32 v3, $0x3  }
0x25c: {  	v4 =	vmul.u32 $0x30, v26  }
0x25d: {  	v3 =	vand.u32 $0x7, v3  }
0x25e: {  	v3 =	vor.u32 v3, v4  }
0x25f: {  	v4 =	vperm.xlane v3, v0;
	_ =	sdelay $0x1  }
0x260: {  	v4 =	vadd.s32 v1, v4;
	_ =	sdelay $0x3  }
0x261: {  	s12 =	simm.s32 $0x6100;
	v3 =	vperm.xlane v3, v2  }
0x262: {  	[tilespmem:s12], [sflag:$0x1] =	stream.indirect_vreg.gather [hbm4b:s1+s3], $0x80, v4, vm0, $0xb8;
	[tilespmem:$0x18100] =	vst v63  }
0x263: {  	s18 =	simm.s32 $0x6900;
	v3 =	vadd.s32 v1, v3  }
0x264: {  	[tilespmem:s18], [sflag:$0x1] =	stream.indirect_vreg.gather [hbm4b:s4+s3], $0x80, v4, vm0, $0xb8;
	[tilespmem:$0x18100] =	vst v63  }
0x265: {  	s19 =	simm.s32 $0x7100  }
0x266: {  	[tilespmem:s19], [sflag:$0x1] =	stream.indirect_vreg.gather [hbm4b:s5+s3], $0x80, v4, vm0, $0xb8;
	[tilespmem:$0x18100] =	vst v63  }
0x267: {  	s20 =	simm.s32 $0x7900  }
0x268: {  	[tilespmem:s20], [sflag:$0x1] =	stream.indirect_vreg.gather [hbm4b:s1+s3], $0x80, v3, vm0, $0xb8;
	[tilespmem:$0x18100] =	vst v63  }
0x269: {  	s21 =	simm.s32 $0x8100  }
0x26a: {  	[tilespmem:s21], [sflag:$0x1] =	stream.indirect_vreg.gather [hbm4b:s4+s3], $0x80, v3, vm0, $0xb8;
	[tilespmem:$0x18100] =	vst v63  }
0x26b: {  	s12 =	simm.s32 $0x8900  }
0x26c: {  	[tilespmem:s12], [sflag:$0x1] =	stream.indirect_vreg.gather [hbm4b:s5+s3], $0x80, v3, vm0, $0xb8;
	[tilespmem:$0x18100] =	vst v63  }
0x26d: {  	v3 =	vld [tilespmem:$0x30];
	_ =	sdelay $0x4  }
0x26e: {  	v27 =	vshrl.u32 v3, $0x3  }
0x26f: {  	v4 =	vmul.u32 $0x30, v27  }
0x270: {  	v3 =	vand.u32 $0x7, v3  }
0x271: {  	v3 =	vor.u32 v3, v4  }
0x272: {  	v4 =	vperm.xlane v3, v0;
	_ =	sdelay $0x1  }
0x273: {  	v4 =	vadd.s32 v1, v4;
	_ =	sdelay $0x3  }
0x274: {  	s12 =	simm.s32 $0x9100;
	v3 =	vperm.xlane v3, v2  }
0x275: {  	[tilespmem:s12], [sflag:$0x1] =	stream.indirect_vreg.gather [hbm4b:s1+s3], $0x80, v4, vm0, $0xb8;
	[tilespmem:$0x18100] =	vst v63  }
0x276: {  	s22 =	simm.s32 $0x9900;
	v3 =	vadd.s32 v1, v3  }
0x277: {  	[tilespmem:s22], [sflag:$0x1] =	stream.indirect_vreg.gather [hbm4b:s4+s3], $0x80, v4, vm0, $0xb8;
	[tilespmem:$0x18100] =	vst v63  }
0x278: {  	s24 =	simm.s32 $0xA100  }
0x279: {  	[tilespmem:s24], [sflag:$0x1] =	stream.indirect_vreg.gather [hbm4b:s5+s3], $0x80, v4, vm0, $0xb8;
	[tilespmem:$0x18100] =	vst v63  }
0x27a: {  	s25 =	simm.s32 $0xA900  }
0x27b: {  	[tilespmem:s25], [sflag:$0x1] =	stream.indirect_vreg.gather [hbm4b:s1+s3], $0x80, v3, vm0, $0xb8;
	[tilespmem:$0x18100] =	vst v63  }
0x27c: {  	s23 =	simm.s32 $0xB100  }
0x27d: {  	[tilespmem:s23], [sflag:$0x1] =	stream.indirect_vreg.gather [hbm4b:s4+s3], $0x80, v3, vm0, $0xb8;
	[tilespmem:$0x18100] =	vst v63  }
0x27e: {  	s14 =	simm.s32 $0xB900  }
0x27f: {  	[tilespmem:s14], [sflag:$0x1] =	stream.indirect_vreg.gather [hbm4b:s5+s3], $0x80, v3, vm0, $0xb8;
	[tilespmem:$0x18100] =	vst v63  }
0x280: {  	_ =	swait.ge [sflag:s11], $0xC000  }
0x281: {  	[sflag:s11] =	ssyncset.done $0x0  }
0x282: {  	s23 =	rddreg [dreg:$0x10];
	[sflag:s11] =	ssyncadd.s32 $0xFFFF4000  }
0x283: {  	[hbm4b:s23+s3] =	stream.linear.scatter [tilespmem:s9], [sflag:$0x3], $0xC000, $0x38;
	[tilespmem:$0x18100] =	vst v63  }
0x284: {  	_ =	swait.ge [sflag:s7], $0xC000  }
0x285: {  	[sflag:s7] =	ssyncset.done $0x0  }
0x286: {  	s13 =	simm.s32 $0x80;
	s23 =	rddreg [dreg:$0x11];
	[sflag:s7] =	ssyncadd.s32 $0xFFFF4000  }
0x287: {  	[tilespmem:s13], [sflag:$0x3] =	stream.linear.gather [hbm4b:s23+s3], $0x40, $0x38;
	[tilespmem:$0x18100] =	vst v63  }
0x288: {  	_ =	swait.ge [sflag:s7], $0x40  }
0x289: {  	[sflag:s7] =	ssyncset.done $0x0  }
0x28a: {  	[sflag:s7] =	ssyncadd.s32 $0xFFFFFFC0  }
0x28b: {  	v3 =	vld [tilespmem:$0x80];
	_ =	sdelay $0x4  }
0x28c: {  	v28 =	vshrl.u32 v3, $0x3  }
0x28d: {  	v4 =	vmul.u32 $0x30, v28  }
0x28e: {  	v3 =	vand.u32 $0x7, v3  }
0x28f: {  	v3 =	vor.u32 v3, v4  }
0x290: {  	v4 =	vperm.xlane v3, v0;
	_ =	sdelay $0x1  }
0x291: {  	v4 =	vadd.s32 v1, v4;
	_ =	sdelay $0x3  }
0x292: {  	v3 =	vperm.xlane v3, v2  }
0x293: {  	[tilespmem:s9], [sflag:$0x2] =	stream.indirect_vreg.gather [hbm4b:s1+s3], $0x80, v4, vm0, $0xb8;
	[tilespmem:$0x18100] =	vst v63  }
0x294: {  	s23 =	simm.s32 $0xC900;
	v3 =	vadd.s32 v1, v3  }
0x295: {  	[tilespmem:s23], [sflag:$0x2] =	stream.indirect_vreg.gather [hbm4b:s4+s3], $0x80, v4, vm0, $0xb8;
	[tilespmem:$0x18100] =	vst v63  }
0x296: {  	s26 =	simm.s32 $0xD100  }
0x297: {  	[tilespmem:s26], [sflag:$0x2] =	stream.indirect_vreg.gather [hbm4b:s5+s3], $0x80, v4, vm0, $0xb8;
	[tilespmem:$0x18100] =	vst v63  }
0x298: {  	s26 =	simm.s32 $0xD900  }
0x299: {  	[tilespmem:s26], [sflag:$0x2] =	stream.indirect_vreg.gather [hbm4b:s1+s3], $0x80, v3, vm0, $0xb8;
	[tilespmem:$0x18100] =	vst v63  }
0x29a: {  	s12 =	simm.s32 $0xE100  }
0x29b: {  	[tilespmem:s12], [sflag:$0x2] =	stream.indirect_vreg.gather [hbm4b:s4+s3], $0x80, v3, vm0, $0xb8;
	[tilespmem:$0x18100] =	vst v63  }
0x29c: {  	s12 =	simm.s32 $0xE900  }
0x29d: {  	[tilespmem:s12], [sflag:$0x2] =	stream.indirect_vreg.gather [hbm4b:s5+s3], $0x80, v3, vm0, $0xb8;
	[tilespmem:$0x18100] =	vst v63  }
0x29e: {  	v3 =	vld [tilespmem:$0x90];
	_ =	sdelay $0x4  }
0x29f: {  	v29 =	vshrl.u32 v3, $0x3  }
0x2a0: {  	v4 =	vmul.u32 $0x30, v29  }
0x2a1: {  	v3 =	vand.u32 $0x7, v3  }
0x2a2: {  	v3 =	vor.u32 v3, v4  }
0x2a3: {  	v4 =	vperm.xlane v3, v0;
	_ =	sdelay $0x1  }
0x2a4: {  	v4 =	vadd.s32 v1, v4;
	_ =	sdelay $0x3  }
0x2a5: {  	s12 =	simm.s32 $0xF100;
	v3 =	vperm.xlane v3, v2  }
0x2a6: {  	[tilespmem:s12], [sflag:$0x2] =	stream.indirect_vreg.gather [hbm4b:s1+s3], $0x80, v4, vm0, $0xb8;
	[tilespmem:$0x18100] =	vst v63  }
0x2a7: {  	s29 =	simm.s32 $0xF900;
	v3 =	vadd.s32 v1, v3  }
0x2a8: {  	[tilespmem:s29], [sflag:$0x2] =	stream.indirect_vreg.gather [hbm4b:s4+s3], $0x80, v4, vm0, $0xb8;
	[tilespmem:$0x18100] =	vst v63  }
0x2a9: {  	s30 =	simm.s32 $0x10100  }
0x2aa: {  	[tilespmem:s30], [sflag:$0x2] =	stream.indirect_vreg.gather [hbm4b:s5+s3], $0x80, v4, vm0, $0xb8;
	[tilespmem:$0x18100] =	vst v63  }
0x2ab: {  	s12 =	simm.s32 $0x10900  }
0x2ac: {  	[tilespmem:s12], [sflag:$0x2] =	stream.indirect_vreg.gather [hbm4b:s1+s3], $0x80, v3, vm0, $0xb8;
	[tilespmem:$0x18100] =	vst v63  }
0x2ad: {  	s12 =	simm.s32 $0x11100  }
0x2ae: {  	[tilespmem:s12], [sflag:$0x2] =	stream.indirect_vreg.gather [hbm4b:s4+s3], $0x80, v3, vm0, $0xb8;
	[tilespmem:$0x18100] =	vst v63  }
0x2af: {  	s12 =	simm.s32 $0x11900  }
0x2b0: {  	[tilespmem:s12], [sflag:$0x2] =	stream.indirect_vreg.gather [hbm4b:s5+s3], $0x80, v3, vm0, $0xb8;
	[tilespmem:$0x18100] =	vst v63  }
0x2b1: {  	v3 =	vld [tilespmem:$0xA0];
	_ =	sdelay $0x4  }
0x2b2: {  	v30 =	vshrl.u32 v3, $0x3  }
0x2b3: {  	v4 =	vmul.u32 $0x30, v30  }
0x2b4: {  	v3 =	vand.u32 $0x7, v3  }
0x2b5: {  	v3 =	vor.u32 v3, v4  }
0x2b6: {  	v4 =	vperm.xlane v3, v0;
	_ =	sdelay $0x1  }
0x2b7: {  	v4 =	vadd.s32 v1, v4;
	_ =	sdelay $0x3  }
0x2b8: {  	s12 =	simm.s32 $0x12100;
	v3 =	vperm.xlane v3, v2  }
0x2b9: {  	[tilespmem:s12], [sflag:$0x2] =	stream.indirect_vreg.gather [hbm4b:s1+s3], $0x80, v4, vm0, $0xb8;
	[tilespmem:$0x18100] =	vst v63  }
0x2ba: {  	s28 =	simm.s32 $0x12900;
	v3 =	vadd.s32 v1, v3  }
0x2bb: {  	[tilespmem:s28], [sflag:$0x2] =	stream.indirect_vreg.gather [hbm4b:s4+s3], $0x80, v4, vm0, $0xb8;
	[tilespmem:$0x18100] =	vst v63  }
0x2bc: {  	s31 =	simm.s32 $0x13100  }
0x2bd: {  	[tilespmem:s31], [sflag:$0x2] =	stream.indirect_vreg.gather [hbm4b:s5+s3], $0x80, v4, vm0, $0xb8;
	[tilespmem:$0x18100] =	vst v63  }
0x2be: {  	s12 =	simm.s32 $0x13900  }
0x2bf: {  	[tilespmem:s12], [sflag:$0x2] =	stream.indirect_vreg.gather [hbm4b:s1+s3], $0x80, v3, vm0, $0xb8;
	[tilespmem:$0x18100] =	vst v63  }
0x2c0: {  	s12 =	simm.s32 $0x14100  }
0x2c1: {  	[tilespmem:s12], [sflag:$0x2] =	stream.indirect_vreg.gather [hbm4b:s4+s3], $0x80, v3, vm0, $0xb8;
	[tilespmem:$0x18100] =	vst v63  }
0x2c2: {  	s12 =	simm.s32 $0x14900  }
0x2c3: {  	[tilespmem:s12], [sflag:$0x2] =	stream.indirect_vreg.gather [hbm4b:s5+s3], $0x80, v3, vm0, $0xb8;
	[tilespmem:$0x18100] =	vst v63  }
0x2c4: {  	v3 =	vld [tilespmem:$0xB0];
	_ =	sdelay $0x4  }
0x2c5: {  	v31 =	vshrl.u32 v3, $0x3  }
0x2c6: {  	v4 =	vmul.u32 $0x30, v31  }
0x2c7: {  	v3 =	vand.u32 $0x7, v3  }
0x2c8: {  	v3 =	vor.u32 v3, v4  }
0x2c9: {  	v4 =	vperm.xlane v3, v0;
	_ =	sdelay $0x1  }
0x2ca: {  	v4 =	vadd.s32 v1, v4;
	_ =	sdelay $0x3  }
0x2cb: {  	s12 =	simm.s32 $0x15100;
	v3 =	vperm.xlane v3, v2  }
0x2cc: {  	[tilespmem:s12], [sflag:$0x2] =	stream.indirect_vreg.gather [hbm4b:s1+s3], $0x80, v4, vm0, $0xb8;
	[tilespmem:$0x18100] =	vst v63  }
0x2cd: {  	v3 =	vadd.s32 v1, v3;
	s12 =	simm.s32 $0x15900  }
0x2ce: {  	[tilespmem:s12], [sflag:$0x2] =	stream.indirect_vreg.gather [hbm4b:s4+s3], $0x80, v4, vm0, $0xb8;
	[tilespmem:$0x18100] =	vst v63  }
0x2cf: {  	s12 =	simm.s32 $0x16100  }
0x2d0: {  	[tilespmem:s12], [sflag:$0x2] =	stream.indirect_vreg.gather [hbm4b:s5+s3], $0x80, v4, vm0, $0xb8;
	[tilespmem:$0x18100] =	vst v63  }
0x2d1: {  	s12 =	simm.s32 $0x16900  }
0x2d2: {  	[tilespmem:s12], [sflag:$0x2] =	stream.indirect_vreg.gather [hbm4b:s1+s3], $0x80, v3, vm0, $0xb8;
	[tilespmem:$0x18100] =	vst v63  }
0x2d3: {  	s12 =	simm.s32 $0x17100  }
0x2d4: {  	[tilespmem:s12], [sflag:$0x2] =	stream.indirect_vreg.gather [hbm4b:s4+s3], $0x80, v3, vm0, $0xb8;
	[tilespmem:$0x18100] =	vst v63  }
0x2d5: {  	s12 =	simm.s32 $0x17900  }
0x2d6: {  	[tilespmem:s12], [sflag:$0x2] =	stream.indirect_vreg.gather [hbm4b:s5+s3], $0x80, v3, vm0, $0xb8;
	[tilespmem:$0x18100] =	vst v63  }
0x2d7: {  	_ =	swait.ge [sflag:s10], $0xC000  }
0x2d8: {  	[sflag:s10] =	ssyncset.done $0x0  }
0x2d9: {  	s12 =	rddreg [dreg:$0x12];
	[sflag:s10] =	ssyncadd.s32 $0xFFFF4000  }
0x2da: {  	[hbm4b:s12+s3] =	stream.linear.scatter [tilespmem:s15], [sflag:$0x3], $0xC000, $0x38;
	[tilespmem:$0x18100] =	vst v63  }
0x2db: {  	_ =	swait.ge [sflag:s7], $0xC000  }
0x2dc: {  	[sflag:s7] =	ssyncset.done $0x0  }
0x2dd: {  	s12 =	rddreg [dreg:$0x13];
	[sflag:s7] =	ssyncadd.s32 $0xFFFF4000  }
0x2de: {  	[tilespmem:s3], [sflag:$0x3] =	stream.linear.gather [hbm4b:s12+s3], $0x40, $0x38;
	[tilespmem:$0x18100] =	vst v63  }
0x2df: {  	_ =	swait.ge [sflag:s7], $0x40  }
0x2e0: {  	[sflag:s7] =	ssyncset.done $0x0  }
0x2e1: {  	[sflag:s7] =	ssyncadd.s32 $0xFFFFFFC0  }
0x2e2: {  	v3 =	vld [tilespmem:$0x0];
	_ =	sdelay $0x4  }
0x2e3: {  	v32 =	vshrl.u32 v3, $0x3  }
0x2e4: {  	v4 =	vmul.u32 $0x30, v32  }
0x2e5: {  	v3 =	vand.u32 $0x7, v3  }
0x2e6: {  	v3 =	vor.u32 v3, v4  }
0x2e7: {  	v4 =	vperm.xlane v3, v0;
	_ =	sdelay $0x1  }
0x2e8: {  	v4 =	vadd.s32 v1, v4;
	_ =	sdelay $0x3  }
0x2e9: {  	v3 =	vperm.xlane v3, v2  }
0x2ea: {  	[tilespmem:s15], [sflag:$0x1] =	stream.indirect_vreg.gather [hbm4b:s1+s3], $0x80, v4, vm0, $0xb8;
	[tilespmem:$0x18100] =	vst v63  }
0x2eb: {  	s12 =	simm.s32 $0x900;
	v3 =	vadd.s32 v1, v3  }
0x2ec: {  	[tilespmem:s12], [sflag:$0x1] =	stream.indirect_vreg.gather [hbm4b:s4+s3], $0x80, v4, vm0, $0xb8;
	[tilespmem:$0x18100] =	vst v63  }
0x2ed: {  	s12 =	simm.s32 $0x1100  }
0x2ee: {  	[tilespmem:s12], [sflag:$0x1] =	stream.indirect_vreg.gather [hbm4b:s5+s3], $0x80, v4, vm0, $0xb8;
	[tilespmem:$0x18100] =	vst v63  }
0x2ef: {  	s0 =	simm.s32 $0x1900  }
0x2f0: {  	[tilespmem:s0], [sflag:$0x1] =	stream.indirect_vreg.gather [hbm4b:s1+s3], $0x80, v3, vm0, $0xb8;
	[tilespmem:$0x18100] =	vst v63  }
0x2f1: {  	s6 =	simm.s32 $0x2100  }
0x2f2: {  	[tilespmem:s6], [sflag:$0x1] =	stream.indirect_vreg.gather [hbm4b:s4+s3], $0x80, v3, vm0, $0xb8;
	[tilespmem:$0x18100] =	vst v63  }
0x2f3: {  	s12 =	simm.s32 $0x2900  }
0x2f4: {  	[tilespmem:s12], [sflag:$0x1] =	stream.indirect_vreg.gather [hbm4b:s5+s3], $0x80, v3, vm0, $0xb8;
	[tilespmem:$0x18100] =	vst v63  }
0x2f5: {  	v3 =	vld [tilespmem:$0x10];
	_ =	sdelay $0x4  }
0x2f6: {  	v33 =	vshrl.u32 v3, $0x3  }
0x2f7: {  	v4 =	vmul.u32 $0x30, v33  }
0x2f8: {  	v3 =	vand.u32 $0x7, v3  }
0x2f9: {  	v3 =	vor.u32 v3, v4  }
0x2fa: {  	v4 =	vperm.xlane v3, v0;
	_ =	sdelay $0x1  }
0x2fb: {  	v4 =	vadd.s32 v1, v4;
	_ =	sdelay $0x3  }
0x2fc: {  	s12 =	simm.s32 $0x3100;
	v3 =	vperm.xlane v3, v2  }
0x2fd: {  	[tilespmem:s12], [sflag:$0x1] =	stream.indirect_vreg.gather [hbm4b:s1+s3], $0x80, v4, vm0, $0xb8;
	[tilespmem:$0x18100] =	vst v63  }
0x2fe: {  	s8 =	simm.s32 $0x3900;
	v3 =	vadd.s32 v1, v3  }
0x2ff: {  	[tilespmem:s8], [sflag:$0x1] =	stream.indirect_vreg.gather [hbm4b:s4+s3], $0x80, v4, vm0, $0xb8;
	[tilespmem:$0x18100] =	vst v63  }
0x300: {  	s2 =	simm.s32 $0x4100  }
0x301: {  	[tilespmem:s2], [sflag:$0x1] =	stream.indirect_vreg.gather [hbm4b:s5+s3], $0x80, v4, vm0, $0xb8;
	[tilespmem:$0x18100] =	vst v63  }
0x302: {  	s16 =	simm.s32 $0x4900  }
0x303: {  	[tilespmem:s16], [sflag:$0x1] =	stream.indirect_vreg.gather [hbm4b:s1+s3], $0x80, v3, vm0, $0xb8;
	[tilespmem:$0x18100] =	vst v63  }
0x304: {  	s17 =	simm.s32 $0x5100  }
0x305: {  	[tilespmem:s17], [sflag:$0x1] =	stream.indirect_vreg.gather [hbm4b:s4+s3], $0x80, v3, vm0, $0xb8;
	[tilespmem:$0x18100] =	vst v63  }
0x306: {  	s12 =	simm.s32 $0x5900  }
0x307: {  	[tilespmem:s12], [sflag:$0x1] =	stream.indirect_vreg.gather [hbm4b:s5+s3], $0x80, v3, vm0, $0xb8;
	[tilespmem:$0x18100] =	vst v63  }
0x308: {  	v3 =	vld [tilespmem:$0x20];
	_ =	sdelay $0x4  }
0x309: {  	v34 =	vshrl.u32 v3, $0x3  }
0x30a: {  	v4 =	vmul.u32 $0x30, v34  }
0x30b: {  	v3 =	vand.u32 $0x7, v3  }
0x30c: {  	v3 =	vor.u32 v3, v4  }
0x30d: {  	v4 =	vperm.xlane v3, v0;
	_ =	sdelay $0x1  }
0x30e: {  	v4 =	vadd.s32 v1, v4;
	_ =	sdelay $0x3  }
0x30f: {  	s12 =	simm.s32 $0x6100;
	v3 =	vperm.xlane v3, v2  }
0x310: {  	[tilespmem:s12], [sflag:$0x1] =	stream.indirect_vreg.gather [hbm4b:s1+s3], $0x80, v4, vm0, $0xb8;
	[tilespmem:$0x18100] =	vst v63  }
0x311: {  	s18 =	simm.s32 $0x6900;
	v3 =	vadd.s32 v1, v3  }
0x312: {  	[tilespmem:s18], [sflag:$0x1] =	stream.indirect_vreg.gather [hbm4b:s4+s3], $0x80, v4, vm0, $0xb8;
	[tilespmem:$0x18100] =	vst v63  }
0x313: {  	s19 =	simm.s32 $0x7100  }
0x314: {  	[tilespmem:s19], [sflag:$0x1] =	stream.indirect_vreg.gather [hbm4b:s5+s3], $0x80, v4, vm0, $0xb8;
	[tilespmem:$0x18100] =	vst v63  }
0x315: {  	s20 =	simm.s32 $0x7900  }
0x316: {  	[tilespmem:s20], [sflag:$0x1] =	stream.indirect_vreg.gather [hbm4b:s1+s3], $0x80, v3, vm0, $0xb8;
	[tilespmem:$0x18100] =	vst v63  }
0x317: {  	s21 =	simm.s32 $0x8100  }
0x318: {  	[tilespmem:s21], [sflag:$0x1] =	stream.indirect_vreg.gather [hbm4b:s4+s3], $0x80, v3, vm0, $0xb8;
	[tilespmem:$0x18100] =	vst v63  }
0x319: {  	s12 =	simm.s32 $0x8900  }
0x31a: {  	[tilespmem:s12], [sflag:$0x1] =	stream.indirect_vreg.gather [hbm4b:s5+s3], $0x80, v3, vm0, $0xb8;
	[tilespmem:$0x18100] =	vst v63  }
0x31b: {  	v3 =	vld [tilespmem:$0x30];
	_ =	sdelay $0x4  }
0x31c: {  	v35 =	vshrl.u32 v3, $0x3  }
0x31d: {  	v4 =	vmul.u32 $0x30, v35  }
0x31e: {  	v3 =	vand.u32 $0x7, v3  }
0x31f: {  	v3 =	vor.u32 v3, v4  }
0x320: {  	v4 =	vperm.xlane v3, v0;
	_ =	sdelay $0x1  }
0x321: {  	v4 =	vadd.s32 v1, v4;
	_ =	sdelay $0x3  }
0x322: {  	s12 =	simm.s32 $0x9100;
	v3 =	vperm.xlane v3, v2  }
0x323: {  	[tilespmem:s12], [sflag:$0x1] =	stream.indirect_vreg.gather [hbm4b:s1+s3], $0x80, v4, vm0, $0xb8;
	[tilespmem:$0x18100] =	vst v63  }
0x324: {  	s22 =	simm.s32 $0x9900;
	v3 =	vadd.s32 v1, v3  }
0x325: {  	[tilespmem:s22], [sflag:$0x1] =	stream.indirect_vreg.gather [hbm4b:s4+s3], $0x80, v4, vm0, $0xb8;
	[tilespmem:$0x18100] =	vst v63  }
0x326: {  	s12 =	simm.s32 $0xA100  }
0x327: {  	[tilespmem:s12], [sflag:$0x1] =	stream.indirect_vreg.gather [hbm4b:s5+s3], $0x80, v4, vm0, $0xb8;
	[tilespmem:$0x18100] =	vst v63  }
0x328: {  	s25 =	simm.s32 $0xA900  }
0x329: {  	[tilespmem:s25], [sflag:$0x1] =	stream.indirect_vreg.gather [hbm4b:s1+s3], $0x80, v3, vm0, $0xb8;
	[tilespmem:$0x18100] =	vst v63  }
0x32a: {  	s24 =	simm.s32 $0xB100  }
0x32b: {  	[tilespmem:s24], [sflag:$0x1] =	stream.indirect_vreg.gather [hbm4b:s4+s3], $0x80, v3, vm0, $0xb8;
	[tilespmem:$0x18100] =	vst v63  }
0x32c: {  	s14 =	simm.s32 $0xB900  }
0x32d: {  	[tilespmem:s14], [sflag:$0x1] =	stream.indirect_vreg.gather [hbm4b:s5+s3], $0x80, v3, vm0, $0xb8;
	[tilespmem:$0x18100] =	vst v63  }
0x32e: {  	_ =	swait.ge [sflag:s11], $0xC000  }
0x32f: {  	[sflag:s11] =	ssyncset.done $0x0  }
0x330: {  	s24 =	rddreg [dreg:$0x14];
	[sflag:s11] =	ssyncadd.s32 $0xFFFF4000  }
0x331: {  	[hbm4b:s24+s3] =	stream.linear.scatter [tilespmem:s9], [sflag:$0x3], $0xC000, $0x38;
	[tilespmem:$0x18100] =	vst v63  }
0x332: {  	_ =	swait.ge [sflag:s7], $0xC000  }
0x333: {  	[sflag:s7] =	ssyncset.done $0x0  }
0x334: {  	s13 =	simm.s32 $0x80;
	s24 =	rddreg [dreg:$0x15];
	[sflag:s7] =	ssyncadd.s32 $0xFFFF4000  }
0x335: {  	[tilespmem:s13], [sflag:$0x3] =	stream.linear.gather [hbm4b:s24+s3], $0x40, $0x38;
	[tilespmem:$0x18100] =	vst v63  }
0x336: {  	_ =	swait.ge [sflag:s7], $0x40  }
0x337: {  	[sflag:s7] =	ssyncset.done $0x0  }
0x338: {  	[sflag:s7] =	ssyncadd.s32 $0xFFFFFFC0  }
0x339: {  	v3 =	vld [tilespmem:$0x80];
	_ =	sdelay $0x4  }
0x33a: {  	v36 =	vshrl.u32 v3, $0x3  }
0x33b: {  	v4 =	vmul.u32 $0x30, v36  }
0x33c: {  	v3 =	vand.u32 $0x7, v3  }
0x33d: {  	v3 =	vor.u32 v3, v4  }
0x33e: {  	v4 =	vperm.xlane v3, v0;
	_ =	sdelay $0x1  }
0x33f: {  	v4 =	vadd.s32 v1, v4;
	_ =	sdelay $0x3  }
0x340: {  	v3 =	vperm.xlane v3, v2  }
0x341: {  	[tilespmem:s9], [sflag:$0x2] =	stream.indirect_vreg.gather [hbm4b:s1+s3], $0x80, v4, vm0, $0xb8;
	[tilespmem:$0x18100] =	vst v63  }
0x342: {  	s24 =	simm.s32 $0xC900;
	v3 =	vadd.s32 v1, v3  }
0x343: {  	[tilespmem:s24], [sflag:$0x2] =	stream.indirect_vreg.gather [hbm4b:s4+s3], $0x80, v4, vm0, $0xb8;
	[tilespmem:$0x18100] =	vst v63  }
0x344: {  	s23 =	simm.s32 $0xD100  }
0x345: {  	[tilespmem:s23], [sflag:$0x2] =	stream.indirect_vreg.gather [hbm4b:s5+s3], $0x80, v4, vm0, $0xb8;
	[tilespmem:$0x18100] =	vst v63  }
0x346: {  	s26 =	simm.s32 $0xD900  }
0x347: {  	[tilespmem:s26], [sflag:$0x2] =	stream.indirect_vreg.gather [hbm4b:s1+s3], $0x80, v3, vm0, $0xb8;
	[tilespmem:$0x18100] =	vst v63  }
0x348: {  	s26 =	simm.s32 $0xE100  }
0x349: {  	[tilespmem:s26], [sflag:$0x2] =	stream.indirect_vreg.gather [hbm4b:s4+s3], $0x80, v3, vm0, $0xb8;
	[tilespmem:$0x18100] =	vst v63  }
0x34a: {  	s12 =	simm.s32 $0xE900  }
0x34b: {  	[tilespmem:s12], [sflag:$0x2] =	stream.indirect_vreg.gather [hbm4b:s5+s3], $0x80, v3, vm0, $0xb8;
	[tilespmem:$0x18100] =	vst v63  }
0x34c: {  	v3 =	vld [tilespmem:$0x90];
	_ =	sdelay $0x4  }
0x34d: {  	v37 =	vshrl.u32 v3, $0x3  }
0x34e: {  	v4 =	vmul.u32 $0x30, v37  }
0x34f: {  	v3 =	vand.u32 $0x7, v3  }
0x350: {  	v3 =	vor.u32 v3, v4  }
0x351: {  	v4 =	vperm.xlane v3, v0;
	_ =	sdelay $0x1  }
0x352: {  	v4 =	vadd.s32 v1, v4;
	_ =	sdelay $0x3  }
0x353: {  	s12 =	simm.s32 $0xF100;
	v3 =	vperm.xlane v3, v2  }
0x354: {  	[tilespmem:s12], [sflag:$0x2] =	stream.indirect_vreg.gather [hbm4b:s1+s3], $0x80, v4, vm0, $0xb8;
	[tilespmem:$0x18100] =	vst v63  }
0x355: {  	s29 =	simm.s32 $0xF900;
	v3 =	vadd.s32 v1, v3  }
0x356: {  	[tilespmem:s29], [sflag:$0x2] =	stream.indirect_vreg.gather [hbm4b:s4+s3], $0x80, v4, vm0, $0xb8;
	[tilespmem:$0x18100] =	vst v63  }
0x357: {  	s30 =	simm.s32 $0x10100  }
0x358: {  	[tilespmem:s30], [sflag:$0x2] =	stream.indirect_vreg.gather [hbm4b:s5+s3], $0x80, v4, vm0, $0xb8;
	[tilespmem:$0x18100] =	vst v63  }
0x359: {  	s12 =	simm.s32 $0x10900  }
0x35a: {  	[tilespmem:s12], [sflag:$0x2] =	stream.indirect_vreg.gather [hbm4b:s1+s3], $0x80, v3, vm0, $0xb8;
	[tilespmem:$0x18100] =	vst v63  }
0x35b: {  	s12 =	simm.s32 $0x11100  }
0x35c: {  	[tilespmem:s12], [sflag:$0x2] =	stream.indirect_vreg.gather [hbm4b:s4+s3], $0x80, v3, vm0, $0xb8;
	[tilespmem:$0x18100] =	vst v63  }
0x35d: {  	s12 =	simm.s32 $0x11900  }
0x35e: {  	[tilespmem:s12], [sflag:$0x2] =	stream.indirect_vreg.gather [hbm4b:s5+s3], $0x80, v3, vm0, $0xb8;
	[tilespmem:$0x18100] =	vst v63  }
0x35f: {  	v3 =	vld [tilespmem:$0xA0];
	_ =	sdelay $0x4  }
0x360: {  	v38 =	vshrl.u32 v3, $0x3  }
0x361: {  	v4 =	vmul.u32 $0x30, v38  }
0x362: {  	v3 =	vand.u32 $0x7, v3  }
0x363: {  	v3 =	vor.u32 v3, v4  }
0x364: {  	v4 =	vperm.xlane v3, v0;
	_ =	sdelay $0x1  }
0x365: {  	v4 =	vadd.s32 v1, v4;
	_ =	sdelay $0x3  }
0x366: {  	s12 =	simm.s32 $0x12100;
	v3 =	vperm.xlane v3, v2  }
0x367: {  	[tilespmem:s12], [sflag:$0x2] =	stream.indirect_vreg.gather [hbm4b:s1+s3], $0x80, v4, vm0, $0xb8;
	[tilespmem:$0x18100] =	vst v63  }
0x368: {  	s28 =	simm.s32 $0x12900;
	v3 =	vadd.s32 v1, v3  }
0x369: {  	[tilespmem:s28], [sflag:$0x2] =	stream.indirect_vreg.gather [hbm4b:s4+s3], $0x80, v4, vm0, $0xb8;
	[tilespmem:$0x18100] =	vst v63  }
0x36a: {  	s31 =	simm.s32 $0x13100  }
0x36b: {  	[tilespmem:s31], [sflag:$0x2] =	stream.indirect_vreg.gather [hbm4b:s5+s3], $0x80, v4, vm0, $0xb8;
	[tilespmem:$0x18100] =	vst v63  }
0x36c: {  	s12 =	simm.s32 $0x13900  }
0x36d: {  	[tilespmem:s12], [sflag:$0x2] =	stream.indirect_vreg.gather [hbm4b:s1+s3], $0x80, v3, vm0, $0xb8;
	[tilespmem:$0x18100] =	vst v63  }
0x36e: {  	s12 =	simm.s32 $0x14100  }
0x36f: {  	[tilespmem:s12], [sflag:$0x2] =	stream.indirect_vreg.gather [hbm4b:s4+s3], $0x80, v3, vm0, $0xb8;
	[tilespmem:$0x18100] =	vst v63  }
0x370: {  	s12 =	simm.s32 $0x14900  }
0x371: {  	[tilespmem:s12], [sflag:$0x2] =	stream.indirect_vreg.gather [hbm4b:s5+s3], $0x80, v3, vm0, $0xb8;
	[tilespmem:$0x18100] =	vst v63  }
0x372: {  	v3 =	vld [tilespmem:$0xB0];
	_ =	sdelay $0x4  }
0x373: {  	v39 =	vshrl.u32 v3, $0x3  }
0x374: {  	v4 =	vmul.u32 $0x30, v39  }
0x375: {  	v3 =	vand.u32 $0x7, v3  }
0x376: {  	v3 =	vor.u32 v3, v4  }
0x377: {  	v4 =	vperm.xlane v3, v0;
	_ =	sdelay $0x1  }
0x378: {  	v4 =	vadd.s32 v1, v4;
	_ =	sdelay $0x3  }
0x379: {  	s12 =	simm.s32 $0x15100;
	v3 =	vperm.xlane v3, v2  }
0x37a: {  	[tilespmem:s12], [sflag:$0x2] =	stream.indirect_vreg.gather [hbm4b:s1+s3], $0x80, v4, vm0, $0xb8;
	[tilespmem:$0x18100] =	vst v63  }
0x37b: {  	v3 =	vadd.s32 v1, v3;
	s12 =	simm.s32 $0x15900  }
0x37c: {  	[tilespmem:s12], [sflag:$0x2] =	stream.indirect_vreg.gather [hbm4b:s4+s3], $0x80, v4, vm0, $0xb8;
	[tilespmem:$0x18100] =	vst v63  }
0x37d: {  	s12 =	simm.s32 $0x16100  }
0x37e: {  	[tilespmem:s12], [sflag:$0x2] =	stream.indirect_vreg.gather [hbm4b:s5+s3], $0x80, v4, vm0, $0xb8;
	[tilespmem:$0x18100] =	vst v63  }
0x37f: {  	s12 =	simm.s32 $0x16900  }
0x380: {  	[tilespmem:s12], [sflag:$0x2] =	stream.indirect_vreg.gather [hbm4b:s1+s3], $0x80, v3, vm0, $0xb8;
	[tilespmem:$0x18100] =	vst v63  }
0x381: {  	s12 =	simm.s32 $0x17100  }
0x382: {  	[tilespmem:s12], [sflag:$0x2] =	stream.indirect_vreg.gather [hbm4b:s4+s3], $0x80, v3, vm0, $0xb8;
	[tilespmem:$0x18100] =	vst v63  }
0x383: {  	s12 =	simm.s32 $0x17900  }
0x384: {  	[tilespmem:s12], [sflag:$0x2] =	stream.indirect_vreg.gather [hbm4b:s5+s3], $0x80, v3, vm0, $0xb8;
	[tilespmem:$0x18100] =	vst v63  }
0x385: {  	_ =	swait.ge [sflag:s10], $0xC000  }
0x386: {  	[sflag:s10] =	ssyncset.done $0x0  }
0x387: {  	s12 =	rddreg [dreg:$0x16];
	[sflag:s10] =	ssyncadd.s32 $0xFFFF4000  }
0x388: {  	[hbm4b:s12+s3] =	stream.linear.scatter [tilespmem:s15], [sflag:$0x3], $0xC000, $0x38;
	[tilespmem:$0x18100] =	vst v63  }
0x389: {  	_ =	swait.ge [sflag:s7], $0xC000  }
0x38a: {  	[sflag:s7] =	ssyncset.done $0x0  }
0x38b: {  	s12 =	rddreg [dreg:$0x17];
	[sflag:s7] =	ssyncadd.s32 $0xFFFF4000  }
0x38c: {  	[tilespmem:s3], [sflag:$0x3] =	stream.linear.gather [hbm4b:s12+s3], $0x40, $0x38;
	[tilespmem:$0x18100] =	vst v63  }
0x38d: {  	_ =	swait.ge [sflag:s7], $0x40  }
0x38e: {  	[sflag:s7] =	ssyncset.done $0x0  }
0x38f: {  	[sflag:s7] =	ssyncadd.s32 $0xFFFFFFC0  }
0x390: {  	v3 =	vld [tilespmem:$0x0];
	_ =	sdelay $0x4  }
0x391: {  	v40 =	vshrl.u32 v3, $0x3  }
0x392: {  	v4 =	vmul.u32 $0x30, v40  }
0x393: {  	v3 =	vand.u32 $0x7, v3  }
0x394: {  	v3 =	vor.u32 v3, v4  }
0x395: {  	v4 =	vperm.xlane v3, v0;
	_ =	sdelay $0x1  }
0x396: {  	v4 =	vadd.s32 v1, v4;
	_ =	sdelay $0x3  }
0x397: {  	v3 =	vperm.xlane v3, v2  }
0x398: {  	[tilespmem:s15], [sflag:$0x1] =	stream.indirect_vreg.gather [hbm4b:s1+s3], $0x80, v4, vm0, $0xb8;
	[tilespmem:$0x18100] =	vst v63  }
0x399: {  	s12 =	simm.s32 $0x900;
	v3 =	vadd.s32 v1, v3  }
0x39a: {  	[tilespmem:s12], [sflag:$0x1] =	stream.indirect_vreg.gather [hbm4b:s4+s3], $0x80, v4, vm0, $0xb8;
	[tilespmem:$0x18100] =	vst v63  }
0x39b: {  	s12 =	simm.s32 $0x1100  }
0x39c: {  	[tilespmem:s12], [sflag:$0x1] =	stream.indirect_vreg.gather [hbm4b:s5+s3], $0x80, v4, vm0, $0xb8;
	[tilespmem:$0x18100] =	vst v63  }
0x39d: {  	s0 =	simm.s32 $0x1900  }
0x39e: {  	[tilespmem:s0], [sflag:$0x1] =	stream.indirect_vreg.gather [hbm4b:s1+s3], $0x80, v3, vm0, $0xb8;
	[tilespmem:$0x18100] =	vst v63  }
0x39f: {  	s6 =	simm.s32 $0x2100  }
0x3a0: {  	[tilespmem:s6], [sflag:$0x1] =	stream.indirect_vreg.gather [hbm4b:s4+s3], $0x80, v3, vm0, $0xb8;
	[tilespmem:$0x18100] =	vst v63  }
0x3a1: {  	s12 =	simm.s32 $0x2900  }
0x3a2: {  	[tilespmem:s12], [sflag:$0x1] =	stream.indirect_vreg.gather [hbm4b:s5+s3], $0x80, v3, vm0, $0xb8;
	[tilespmem:$0x18100] =	vst v63  }
0x3a3: {  	v3 =	vld [tilespmem:$0x10];
	_ =	sdelay $0x4  }
0x3a4: {  	v41 =	vshrl.u32 v3, $0x3  }
0x3a5: {  	v4 =	vmul.u32 $0x30, v41  }
0x3a6: {  	v3 =	vand.u32 $0x7, v3  }
0x3a7: {  	v3 =	vor.u32 v3, v4  }
0x3a8: {  	v4 =	vperm.xlane v3, v0;
	_ =	sdelay $0x1  }
0x3a9: {  	v4 =	vadd.s32 v1, v4;
	_ =	sdelay $0x3  }
0x3aa: {  	s12 =	simm.s32 $0x3100;
	v3 =	vperm.xlane v3, v2  }
0x3ab: {  	[tilespmem:s12], [sflag:$0x1] =	stream.indirect_vreg.gather [hbm4b:s1+s3], $0x80, v4, vm0, $0xb8;
	[tilespmem:$0x18100] =	vst v63  }
0x3ac: {  	s8 =	simm.s32 $0x3900;
	v3 =	vadd.s32 v1, v3  }
0x3ad: {  	[tilespmem:s8], [sflag:$0x1] =	stream.indirect_vreg.gather [hbm4b:s4+s3], $0x80, v4, vm0, $0xb8;
	[tilespmem:$0x18100] =	vst v63  }
0x3ae: {  	s2 =	simm.s32 $0x4100  }
0x3af: {  	[tilespmem:s2], [sflag:$0x1] =	stream.indirect_vreg.gather [hbm4b:s5+s3], $0x80, v4, vm0, $0xb8;
	[tilespmem:$0x18100] =	vst v63  }
0x3b0: {  	s16 =	simm.s32 $0x4900  }
0x3b1: {  	[tilespmem:s16], [sflag:$0x1] =	stream.indirect_vreg.gather [hbm4b:s1+s3], $0x80, v3, vm0, $0xb8;
	[tilespmem:$0x18100] =	vst v63  }
0x3b2: {  	s17 =	simm.s32 $0x5100  }
0x3b3: {  	[tilespmem:s17], [sflag:$0x1] =	stream.indirect_vreg.gather [hbm4b:s4+s3], $0x80, v3, vm0, $0xb8;
	[tilespmem:$0x18100] =	vst v63  }
0x3b4: {  	s2 =	simm.s32 $0x5900  }
0x3b5: {  	[tilespmem:s2], [sflag:$0x1] =	stream.indirect_vreg.gather [hbm4b:s5+s3], $0x80, v3, vm0, $0xb8;
	[tilespmem:$0x18100] =	vst v63  }
0x3b6: {  	v3 =	vld [tilespmem:$0x20];
	_ =	sdelay $0x4  }
0x3b7: {  	v42 =	vshrl.u32 v3, $0x3  }
0x3b8: {  	v4 =	vmul.u32 $0x30, v42  }
0x3b9: {  	v3 =	vand.u32 $0x7, v3  }
0x3ba: {  	v3 =	vor.u32 v3, v4  }
0x3bb: {  	v4 =	vperm.xlane v3, v0;
	_ =	sdelay $0x1  }
0x3bc: {  	v4 =	vadd.s32 v1, v4;
	_ =	sdelay $0x3  }
0x3bd: {  	s12 =	simm.s32 $0x6100;
	v3 =	vperm.xlane v3, v2  }
0x3be: {  	[tilespmem:s12], [sflag:$0x1] =	stream.indirect_vreg.gather [hbm4b:s1+s3], $0x80, v4, vm0, $0xb8;
	[tilespmem:$0x18100] =	vst v63  }
0x3bf: {  	s18 =	simm.s32 $0x6900;
	v3 =	vadd.s32 v1, v3  }
0x3c0: {  	[tilespmem:s18], [sflag:$0x1] =	stream.indirect_vreg.gather [hbm4b:s4+s3], $0x80, v4, vm0, $0xb8;
	[tilespmem:$0x18100] =	vst v63  }
0x3c1: {  	s19 =	simm.s32 $0x7100  }
0x3c2: {  	[tilespmem:s19], [sflag:$0x1] =	stream.indirect_vreg.gather [hbm4b:s5+s3], $0x80, v4, vm0, $0xb8;
	[tilespmem:$0x18100] =	vst v63  }
0x3c3: {  	s20 =	simm.s32 $0x7900  }
0x3c4: {  	[tilespmem:s20], [sflag:$0x1] =	stream.indirect_vreg.gather [hbm4b:s1+s3], $0x80, v3, vm0, $0xb8;
	[tilespmem:$0x18100] =	vst v63  }
0x3c5: {  	s21 =	simm.s32 $0x8100  }
0x3c6: {  	[tilespmem:s21], [sflag:$0x1] =	stream.indirect_vreg.gather [hbm4b:s4+s3], $0x80, v3, vm0, $0xb8;
	[tilespmem:$0x18100] =	vst v63  }
0x3c7: {  	s2 =	simm.s32 $0x8900  }
0x3c8: {  	[tilespmem:s2], [sflag:$0x1] =	stream.indirect_vreg.gather [hbm4b:s5+s3], $0x80, v3, vm0, $0xb8;
	[tilespmem:$0x18100] =	vst v63  }
0x3c9: {  	v3 =	vld [tilespmem:$0x30];
	_ =	sdelay $0x4  }
0x3ca: {  	v43 =	vshrl.u32 v3, $0x3  }
0x3cb: {  	v4 =	vmul.u32 $0x30, v43  }
0x3cc: {  	v3 =	vand.u32 $0x7, v3  }
0x3cd: {  	v3 =	vor.u32 v3, v4  }
0x3ce: {  	v4 =	vperm.xlane v3, v0;
	_ =	sdelay $0x1  }
0x3cf: {  	v4 =	vadd.s32 v1, v4;
	_ =	sdelay $0x3  }
0x3d0: {  	s12 =	simm.s32 $0x9100;
	v3 =	vperm.xlane v3, v2  }
0x3d1: {  	[tilespmem:s12], [sflag:$0x1] =	stream.indirect_vreg.gather [hbm4b:s1+s3], $0x80, v4, vm0, $0xb8;
	[tilespmem:$0x18100] =	vst v63  }
0x3d2: {  	s22 =	simm.s32 $0x9900;
	v3 =	vadd.s32 v1, v3  }
0x3d3: {  	[tilespmem:s22], [sflag:$0x1] =	stream.indirect_vreg.gather [hbm4b:s4+s3], $0x80, v4, vm0, $0xb8;
	[tilespmem:$0x18100] =	vst v63  }
0x3d4: {  	s2 =	simm.s32 $0xA100  }
0x3d5: {  	[tilespmem:s2], [sflag:$0x1] =	stream.indirect_vreg.gather [hbm4b:s5+s3], $0x80, v4, vm0, $0xb8;
	[tilespmem:$0x18100] =	vst v63  }
0x3d6: {  	s12 =	simm.s32 $0xA900  }
0x3d7: {  	[tilespmem:s12], [sflag:$0x1] =	stream.indirect_vreg.gather [hbm4b:s1+s3], $0x80, v3, vm0, $0xb8;
	[tilespmem:$0x18100] =	vst v63  }
0x3d8: {  	s25 =	simm.s32 $0xB100  }
0x3d9: {  	[tilespmem:s25], [sflag:$0x1] =	stream.indirect_vreg.gather [hbm4b:s4+s3], $0x80, v3, vm0, $0xb8;
	[tilespmem:$0x18100] =	vst v63  }
0x3da: {  	s14 =	simm.s32 $0xB900  }
0x3db: {  	[tilespmem:s14], [sflag:$0x1] =	stream.indirect_vreg.gather [hbm4b:s5+s3], $0x80, v3, vm0, $0xb8;
	[tilespmem:$0x18100] =	vst v63  }
0x3dc: {  	_ =	swait.ge [sflag:s11], $0xC000  }
0x3dd: {  	[sflag:s11] =	ssyncset.done $0x0  }
0x3de: {  	s0 =	rddreg [dreg:$0x18];
	[sflag:s11] =	ssyncadd.s32 $0xFFFF4000  }
0x3df: {  	[hbm4b:s0+s3] =	stream.linear.scatter [tilespmem:s9], [sflag:$0x3], $0xC000, $0x38;
	[tilespmem:$0x18100] =	vst v63  }
0x3e0: {  	_ =	swait.ge [sflag:s7], $0xC000  }
0x3e1: {  	[sflag:s7] =	ssyncset.done $0x0  }
0x3e2: {  	s13 =	simm.s32 $0x80;
	s2 =	rddreg [dreg:$0x19];
	[sflag:s7] =	ssyncadd.s32 $0xFFFF4000  }
0x3e3: {  	[tilespmem:s13], [sflag:$0x3] =	stream.linear.gather [hbm4b:s2+s3], $0x40, $0x38;
	[tilespmem:$0x18100] =	vst v63  }
0x3e4: {  	_ =	swait.ge [sflag:s7], $0x40  }
0x3e5: {  	[sflag:s7] =	ssyncset.done $0x0  }
0x3e6: {  	[sflag:s7] =	ssyncadd.s32 $0xFFFFFFC0  }
0x3e7: {  	v3 =	vld [tilespmem:$0x80];
	_ =	sdelay $0x4  }
0x3e8: {  	v44 =	vshrl.u32 v3, $0x3  }
0x3e9: {  	v4 =	vmul.u32 $0x30, v44  }
0x3ea: {  	v3 =	vand.u32 $0x7, v3  }
0x3eb: {  	v3 =	vor.u32 v3, v4  }
0x3ec: {  	v4 =	vperm.xlane v3, v0;
	_ =	sdelay $0x1  }
0x3ed: {  	v4 =	vadd.s32 v1, v4;
	_ =	sdelay $0x3  }
0x3ee: {  	v3 =	vperm.xlane v3, v2  }
0x3ef: {  	[tilespmem:s9], [sflag:$0x2] =	stream.indirect_vreg.gather [hbm4b:s1+s3], $0x80, v4, vm0, $0xb8;
	[tilespmem:$0x18100] =	vst v63  }
0x3f0: {  	s14 =	simm.s32 $0xC900;
	v3 =	vadd.s32 v1, v3  }
0x3f1: {  	[tilespmem:s14], [sflag:$0x2] =	stream.indirect_vreg.gather [hbm4b:s4+s3], $0x80, v4, vm0, $0xb8;
	[tilespmem:$0x18100] =	vst v63  }
0x3f2: {  	s23 =	simm.s32 $0xD100  }
0x3f3: {  	[tilespmem:s23], [sflag:$0x2] =	stream.indirect_vreg.gather [hbm4b:s5+s3], $0x80, v4, vm0, $0xb8;
	[tilespmem:$0x18100] =	vst v63  }
0x3f4: {  	s24 =	simm.s32 $0xD900  }
0x3f5: {  	[tilespmem:s24], [sflag:$0x2] =	stream.indirect_vreg.gather [hbm4b:s1+s3], $0x80, v3, vm0, $0xb8;
	[tilespmem:$0x18100] =	vst v63  }
0x3f6: {  	s26 =	simm.s32 $0xE100  }
0x3f7: {  	[tilespmem:s26], [sflag:$0x2] =	stream.indirect_vreg.gather [hbm4b:s4+s3], $0x80, v3, vm0, $0xb8;
	[tilespmem:$0x18100] =	vst v63  }
0x3f8: {  	s24 =	simm.s32 $0xE900  }
0x3f9: {  	[tilespmem:s24], [sflag:$0x2] =	stream.indirect_vreg.gather [hbm4b:s5+s3], $0x80, v3, vm0, $0xb8;
	[tilespmem:$0x18100] =	vst v63  }
0x3fa: {  	v3 =	vld [tilespmem:$0x90];
	_ =	sdelay $0x4  }
0x3fb: {  	v45 =	vshrl.u32 v3, $0x3  }
0x3fc: {  	v4 =	vmul.u32 $0x30, v45  }
0x3fd: {  	v3 =	vand.u32 $0x7, v3  }
0x3fe: {  	v3 =	vor.u32 v3, v4  }
0x3ff: {  	v4 =	vperm.xlane v3, v0;
	_ =	sdelay $0x1  }
0x400: {  	v4 =	vadd.s32 v1, v4;
	_ =	sdelay $0x3  }
0x401: {  	s26 =	simm.s32 $0xF100;
	v3 =	vperm.xlane v3, v2  }
0x402: {  	[tilespmem:s26], [sflag:$0x2] =	stream.indirect_vreg.gather [hbm4b:s1+s3], $0x80, v4, vm0, $0xb8;
	[tilespmem:$0x18100] =	vst v63  }
0x403: {  	s29 =	simm.s32 $0xF900;
	v3 =	vadd.s32 v1, v3  }
0x404: {  	[tilespmem:s29], [sflag:$0x2] =	stream.indirect_vreg.gather [hbm4b:s4+s3], $0x80, v4, vm0, $0xb8;
	[tilespmem:$0x18100] =	vst v63  }
0x405: {  	s30 =	simm.s32 $0x10100  }
0x406: {  	[tilespmem:s30], [sflag:$0x2] =	stream.indirect_vreg.gather [hbm4b:s5+s3], $0x80, v4, vm0, $0xb8;
	[tilespmem:$0x18100] =	vst v63  }
0x407: {  	s29 =	simm.s32 $0x10900  }
0x408: {  	[tilespmem:s29], [sflag:$0x2] =	stream.indirect_vreg.gather [hbm4b:s1+s3], $0x80, v3, vm0, $0xb8;
	[tilespmem:$0x18100] =	vst v63  }
0x409: {  	s30 =	simm.s32 $0x11100  }
0x40a: {  	[tilespmem:s30], [sflag:$0x2] =	stream.indirect_vreg.gather [hbm4b:s4+s3], $0x80, v3, vm0, $0xb8;
	[tilespmem:$0x18100] =	vst v63  }
0x40b: {  	s2 =	simm.s32 $0x11900  }
0x40c: {  	[tilespmem:s2], [sflag:$0x2] =	stream.indirect_vreg.gather [hbm4b:s5+s3], $0x80, v3, vm0, $0xb8;
	[tilespmem:$0x18100] =	vst v63  }
0x40d: {  	v3 =	vld [tilespmem:$0xA0];
	_ =	sdelay $0x4  }
0x40e: {  	v46 =	vshrl.u32 v3, $0x3  }
0x40f: {  	v4 =	vmul.u32 $0x30, v46  }
0x410: {  	v3 =	vand.u32 $0x7, v3  }
0x411: {  	v3 =	vor.u32 v3, v4  }
0x412: {  	v4 =	vperm.xlane v3, v0;
	_ =	sdelay $0x1  }
0x413: {  	v4 =	vadd.s32 v1, v4;
	_ =	sdelay $0x3  }
0x414: {  	s12 =	simm.s32 $0x12100;
	v3 =	vperm.xlane v3, v2  }
0x415: {  	[tilespmem:s12], [sflag:$0x2] =	stream.indirect_vreg.gather [hbm4b:s1+s3], $0x80, v4, vm0, $0xb8;
	[tilespmem:$0x18100] =	vst v63  }
0x416: {  	s28 =	simm.s32 $0x12900;
	v3 =	vadd.s32 v1, v3  }
0x417: {  	[tilespmem:s28], [sflag:$0x2] =	stream.indirect_vreg.gather [hbm4b:s4+s3], $0x80, v4, vm0, $0xb8;
	[tilespmem:$0x18100] =	vst v63  }
0x418: {  	s31 =	simm.s32 $0x13100  }
0x419: {  	[tilespmem:s31], [sflag:$0x2] =	stream.indirect_vreg.gather [hbm4b:s5+s3], $0x80, v4, vm0, $0xb8;
	[tilespmem:$0x18100] =	vst v63  }
0x41a: {  	s13 =	simm.s32 $0x13900  }
0x41b: {  	[tilespmem:s13], [sflag:$0x2] =	stream.indirect_vreg.gather [hbm4b:s1+s3], $0x80, v3, vm0, $0xb8;
	[tilespmem:$0x18100] =	vst v63  }
0x41c: {  	s14 =	simm.s32 $0x14100  }
0x41d: {  	[tilespmem:s14], [sflag:$0x2] =	stream.indirect_vreg.gather [hbm4b:s4+s3], $0x80, v3, vm0, $0xb8;
	[tilespmem:$0x18100] =	vst v63  }
0x41e: {  	s23 =	simm.s32 $0x14900  }
0x41f: {  	[tilespmem:s23], [sflag:$0x2] =	stream.indirect_vreg.gather [hbm4b:s5+s3], $0x80, v3, vm0, $0xb8;
	[tilespmem:$0x18100] =	vst v63  }
0x420: {  	v3 =	vld [tilespmem:$0xB0];
	_ =	sdelay $0x4  }
0x421: {  	v47 =	vshrl.u32 v3, $0x3  }
0x422: {  	v4 =	vmul.u32 $0x30, v47  }
0x423: {  	v3 =	vand.u32 $0x7, v3  }
0x424: {  	v3 =	vor.u32 v3, v4  }
0x425: {  	v4 =	vperm.xlane v3, v0;
	_ =	sdelay $0x1  }
0x426: {  	v4 =	vadd.s32 v1, v4;
	_ =	sdelay $0x3  }
0x427: {  	s24 =	simm.s32 $0x15100;
	v3 =	vperm.xlane v3, v2  }
0x428: {  	[tilespmem:s24], [sflag:$0x2] =	stream.indirect_vreg.gather [hbm4b:s1+s3], $0x80, v4, vm0, $0xb8;
	[tilespmem:$0x18100] =	vst v63  }
0x429: {  	s26 =	simm.s32 $0x15900;
	v3 =	vadd.s32 v1, v3  }
0x42a: {  	[tilespmem:s26], [sflag:$0x2] =	stream.indirect_vreg.gather [hbm4b:s4+s3], $0x80, v4, vm0, $0xb8;
	[tilespmem:$0x18100] =	vst v63  }
0x42b: {  	s28 =	simm.s32 $0x16100  }
0x42c: {  	[tilespmem:s28], [sflag:$0x2] =	stream.indirect_vreg.gather [hbm4b:s5+s3], $0x80, v4, vm0, $0xb8;
	[tilespmem:$0x18100] =	vst v63  }
0x42d: {  	s29 =	simm.s32 $0x16900  }
0x42e: {  	[tilespmem:s29], [sflag:$0x2] =	stream.indirect_vreg.gather [hbm4b:s1+s3], $0x80, v3, vm0, $0xb8;
	[tilespmem:$0x18100] =	vst v63  }
0x42f: {  	s30 =	simm.s32 $0x17100  }
0x430: {  	[tilespmem:s30], [sflag:$0x2] =	stream.indirect_vreg.gather [hbm4b:s4+s3], $0x80, v3, vm0, $0xb8;
	[tilespmem:$0x18100] =	vst v63  }
0x431: {  	s31 =	simm.s32 $0x17900  }
0x432: {  	[tilespmem:s31], [sflag:$0x2] =	stream.indirect_vreg.gather [hbm4b:s5+s3], $0x80, v3, vm0, $0xb8;
	[tilespmem:$0x18100] =	vst v63  }
0x433: {  	_ =	swait.ge [sflag:s10], $0xC000  }
0x434: {  	[sflag:s10] =	ssyncset.done $0x0  }
0x435: {  	s0 =	rddreg [dreg:$0x1a];
	[sflag:s10] =	ssyncadd.s32 $0xFFFF4000  }
0x436: {  	[hbm4b:s0+s3] =	stream.linear.scatter [tilespmem:s15], [sflag:$0x3], $0xC000, $0x38;
	[tilespmem:$0x18100] =	vst v63  }
0x437: {  	_ =	swait.ge [sflag:s7], $0xC000  }
0x438: {  	[sflag:s7] =	ssyncset.done $0x0  }
0x439: {  	s2 =	rddreg [dreg:$0x1b];
	[sflag:s7] =	ssyncadd.s32 $0xFFFF4000  }
0x43a: {  	[tilespmem:s3], [sflag:$0x3] =	stream.linear.gather [hbm4b:s2+s3], $0x40, $0x38;
	[tilespmem:$0x18100] =	vst v63  }
0x43b: {  	_ =	swait.ge [sflag:s7], $0x40  }
0x43c: {  	[sflag:s7] =	ssyncset.done $0x0  }
0x43d: {  	[sflag:s7] =	ssyncadd.s32 $0xFFFFFFC0  }
0x43e: {  	v3 =	vld [tilespmem:$0x0];
	_ =	sdelay $0x4  }
0x43f: {  	v48 =	vshrl.u32 v3, $0x3  }
0x440: {  	v4 =	vmul.u32 $0x30, v48  }
0x441: {  	v3 =	vand.u32 $0x7, v3  }
0x442: {  	v3 =	vor.u32 v3, v4  }
0x443: {  	v4 =	vperm.xlane v3, v0;
	_ =	sdelay $0x1  }
0x444: {  	v4 =	vadd.s32 v1, v4;
	_ =	sdelay $0x3  }
0x445: {  	v3 =	vperm.xlane v3, v2  }
0x446: {  	[tilespmem:s15], [sflag:$0x1] =	stream.indirect_vreg.gather [hbm4b:s1+s3], $0x80, v4, vm0, $0xb8;
	[tilespmem:$0x18100] =	vst v63  }
0x447: {  	s13 =	simm.s32 $0x900;
	v3 =	vadd.s32 v1, v3  }
0x448: {  	[tilespmem:s13], [sflag:$0x1] =	stream.indirect_vreg.gather [hbm4b:s4+s3], $0x80, v4, vm0, $0xb8;
	[tilespmem:$0x18100] =	vst v63  }
0x449: {  	s14 =	simm.s32 $0x1100  }
0x44a: {  	[tilespmem:s14], [sflag:$0x1] =	stream.indirect_vreg.gather [hbm4b:s5+s3], $0x80, v4, vm0, $0xb8;
	[tilespmem:$0x18100] =	vst v63  }
0x44b: {  	s23 =	simm.s32 $0x1900  }
0x44c: {  	[tilespmem:s23], [sflag:$0x1] =	stream.indirect_vreg.gather [hbm4b:s1+s3], $0x80, v3, vm0, $0xb8;
	[tilespmem:$0x18100] =	vst v63  }
0x44d: {  	s6 =	simm.s32 $0x2100  }
0x44e: {  	[tilespmem:s6], [sflag:$0x1] =	stream.indirect_vreg.gather [hbm4b:s4+s3], $0x80, v3, vm0, $0xb8;
	[tilespmem:$0x18100] =	vst v63  }
0x44f: {  	s24 =	simm.s32 $0x2900  }
0x450: {  	[tilespmem:s24], [sflag:$0x1] =	stream.indirect_vreg.gather [hbm4b:s5+s3], $0x80, v3, vm0, $0xb8;
	[tilespmem:$0x18100] =	vst v63  }
0x451: {  	v3 =	vld [tilespmem:$0x10];
	_ =	sdelay $0x4  }
0x452: {  	v49 =	vshrl.u32 v3, $0x3  }
0x453: {  	v4 =	vmul.u32 $0x30, v49  }
0x454: {  	v3 =	vand.u32 $0x7, v3  }
0x455: {  	v3 =	vor.u32 v3, v4  }
0x456: {  	v4 =	vperm.xlane v3, v0;
	_ =	sdelay $0x1  }
0x457: {  	v4 =	vadd.s32 v1, v4;
	_ =	sdelay $0x3  }
0x458: {  	s26 =	simm.s32 $0x3100;
	v3 =	vperm.xlane v3, v2  }
0x459: {  	[tilespmem:s26], [sflag:$0x1] =	stream.indirect_vreg.gather [hbm4b:s1+s3], $0x80, v4, vm0, $0xb8;
	[tilespmem:$0x18100] =	vst v63  }
0x45a: {  	s8 =	simm.s32 $0x3900;
	v3 =	vadd.s32 v1, v3  }
0x45b: {  	[tilespmem:s8], [sflag:$0x1] =	stream.indirect_vreg.gather [hbm4b:s4+s3], $0x80, v4, vm0, $0xb8;
	[tilespmem:$0x18100] =	vst v63  }
0x45c: {  	s28 =	simm.s32 $0x4100  }
0x45d: {  	[tilespmem:s28], [sflag:$0x1] =	stream.indirect_vreg.gather [hbm4b:s5+s3], $0x80, v4, vm0, $0xb8;
	[tilespmem:$0x18100] =	vst v63  }
0x45e: {  	s16 =	simm.s32 $0x4900  }
0x45f: {  	[tilespmem:s16], [sflag:$0x1] =	stream.indirect_vreg.gather [hbm4b:s1+s3], $0x80, v3, vm0, $0xb8;
	[tilespmem:$0x18100] =	vst v63  }
0x460: {  	s17 =	simm.s32 $0x5100  }
0x461: {  	[tilespmem:s17], [sflag:$0x1] =	stream.indirect_vreg.gather [hbm4b:s4+s3], $0x80, v3, vm0, $0xb8;
	[tilespmem:$0x18100] =	vst v63  }
0x462: {  	s29 =	simm.s32 $0x5900  }
0x463: {  	[tilespmem:s29], [sflag:$0x1] =	stream.indirect_vreg.gather [hbm4b:s5+s3], $0x80, v3, vm0, $0xb8;
	[tilespmem:$0x18100] =	vst v63  }
0x464: {  	v3 =	vld [tilespmem:$0x20];
	_ =	sdelay $0x4  }
0x465: {  	v50 =	vshrl.u32 v3, $0x3  }
0x466: {  	v4 =	vmul.u32 $0x30, v50  }
0x467: {  	v3 =	vand.u32 $0x7, v3  }
0x468: {  	v3 =	vor.u32 v3, v4  }
0x469: {  	v4 =	vperm.xlane v3, v0;
	_ =	sdelay $0x1  }
0x46a: {  	v4 =	vadd.s32 v1, v4;
	_ =	sdelay $0x3  }
0x46b: {  	s30 =	simm.s32 $0x6100;
	v3 =	vperm.xlane v3, v2  }
0x46c: {  	[tilespmem:s30], [sflag:$0x1] =	stream.indirect_vreg.gather [hbm4b:s1+s3], $0x80, v4, vm0, $0xb8;
	[tilespmem:$0x18100] =	vst v63  }
0x46d: {  	s18 =	simm.s32 $0x6900;
	v3 =	vadd.s32 v1, v3  }
0x46e: {  	[tilespmem:s18], [sflag:$0x1] =	stream.indirect_vreg.gather [hbm4b:s4+s3], $0x80, v4, vm0, $0xb8;
	[tilespmem:$0x18100] =	vst v63  }
0x46f: {  	s19 =	simm.s32 $0x7100  }
0x470: {  	[tilespmem:s19], [sflag:$0x1] =	stream.indirect_vreg.gather [hbm4b:s5+s3], $0x80, v4, vm0, $0xb8;
	[tilespmem:$0x18100] =	vst v63  }
0x471: {  	s20 =	simm.s32 $0x7900  }
0x472: {  	[tilespmem:s20], [sflag:$0x1] =	stream.indirect_vreg.gather [hbm4b:s1+s3], $0x80, v3, vm0, $0xb8;
	[tilespmem:$0x18100] =	vst v63  }
0x473: {  	s21 =	simm.s32 $0x8100  }
0x474: {  	[tilespmem:s21], [sflag:$0x1] =	stream.indirect_vreg.gather [hbm4b:s4+s3], $0x80, v3, vm0, $0xb8;
	[tilespmem:$0x18100] =	vst v63  }
0x475: {  	s31 =	simm.s32 $0x8900  }
0x476: {  	[tilespmem:s31], [sflag:$0x1] =	stream.indirect_vreg.gather [hbm4b:s5+s3], $0x80, v3, vm0, $0xb8;
	[tilespmem:$0x18100] =	vst v63  }
0x477: {  	v3 =	vld [tilespmem:$0x30];
	_ =	sdelay $0x4  }
0x478: {  	v51 =	vshrl.u32 v3, $0x3  }
0x479: {  	v4 =	vmul.u32 $0x30, v51  }
0x47a: {  	v3 =	vand.u32 $0x7, v3  }
0x47b: {  	v3 =	vor.u32 v3, v4  }
0x47c: {  	v4 =	vperm.xlane v3, v0;
	_ =	sdelay $0x1  }
0x47d: {  	v4 =	vadd.s32 v1, v4;
	_ =	sdelay $0x3  }
0x47e: {  	s21 =	simm.s32 $0x9100;
	v3 =	vperm.xlane v3, v2  }
0x47f: {  	[tilespmem:s21], [sflag:$0x1] =	stream.indirect_vreg.gather [hbm4b:s1+s3], $0x80, v4, vm0, $0xb8;
	[tilespmem:$0x18100] =	vst v63  }
0x480: {  	s22 =	simm.s32 $0x9900;
	v3 =	vadd.s32 v1, v3  }
0x481: {  	[tilespmem:s22], [sflag:$0x1] =	stream.indirect_vreg.gather [hbm4b:s4+s3], $0x80, v4, vm0, $0xb8;
	[tilespmem:$0x18100] =	vst v63  }
0x482: {  	s23 =	simm.s32 $0xA100  }
0x483: {  	[tilespmem:s23], [sflag:$0x1] =	stream.indirect_vreg.gather [hbm4b:s5+s3], $0x80, v4, vm0, $0xb8;
	[tilespmem:$0x18100] =	vst v63  }
0x484: {  	s24 =	simm.s32 $0xA900  }
0x485: {  	[tilespmem:s24], [sflag:$0x1] =	stream.indirect_vreg.gather [hbm4b:s1+s3], $0x80, v3, vm0, $0xb8;
	[tilespmem:$0x18100] =	vst v63  }
0x486: {  	s26 =	simm.s32 $0xB100  }
0x487: {  	[tilespmem:s26], [sflag:$0x1] =	stream.indirect_vreg.gather [hbm4b:s4+s3], $0x80, v3, vm0, $0xb8;
	[tilespmem:$0x18100] =	vst v63  }
0x488: {  	s28 =	simm.s32 $0xB900  }
0x489: {  	[tilespmem:s28], [sflag:$0x1] =	stream.indirect_vreg.gather [hbm4b:s5+s3], $0x80, v3, vm0, $0xb8;
	[tilespmem:$0x18100] =	vst v63  }
0x48a: {  	_ =	swait.ge [sflag:s11], $0xC000  }
0x48b: {  	[sflag:s11] =	ssyncset.done $0x0  }
0x48c: {  	s29 =	rddreg [dreg:$0x1c];
	[sflag:s11] =	ssyncadd.s32 $0xFFFF4000  }
0x48d: {  	[hbm4b:s29+s3] =	stream.linear.scatter [tilespmem:s9], [sflag:$0x3], $0xC000, $0x38;
	[tilespmem:$0x18100] =	vst v63  }
0x48e: {  	_ =	swait.ge [sflag:s7], $0xC000  }
0x48f: {  	[sflag:s7] =	ssyncset.done $0x0  }
0x490: {  	s25 =	simm.s32 $0x80;
	s30 =	rddreg [dreg:$0x1d];
	[sflag:s7] =	ssyncadd.s32 $0xFFFF4000  }
0x491: {  	[tilespmem:s25], [sflag:$0x3] =	stream.linear.gather [hbm4b:s30+s3], $0x40, $0x38;
	[tilespmem:$0x18100] =	vst v63  }
0x492: {  	_ =	swait.ge [sflag:s7], $0x40  }
0x493: {  	[sflag:s7] =	ssyncset.done $0x0  }
0x494: {  	[sflag:s7] =	ssyncadd.s32 $0xFFFFFFC0  }
0x495: {  	v3 =	vld [tilespmem:$0x80];
	_ =	sdelay $0x4  }
0x496: {  	v52 =	vshrl.u32 v3, $0x3  }
0x497: {  	v4 =	vmul.u32 $0x30, v52  }
0x498: {  	v3 =	vand.u32 $0x7, v3  }
0x499: {  	v3 =	vor.u32 v3, v4  }
0x49a: {  	v4 =	vperm.xlane v3, v0;
	_ =	sdelay $0x1  }
0x49b: {  	v4 =	vadd.s32 v1, v4;
	_ =	sdelay $0x3  }
0x49c: {  	v3 =	vperm.xlane v3, v2  }
0x49d: {  	[tilespmem:s9], [sflag:$0x2] =	stream.indirect_vreg.gather [hbm4b:s1+s3], $0x80, v4, vm0, $0xb8;
	[tilespmem:$0x18100] =	vst v63  }
0x49e: {  	s31 =	simm.s32 $0xC900;
	v3 =	vadd.s32 v1, v3  }
0x49f: {  	[tilespmem:s31], [sflag:$0x2] =	stream.indirect_vreg.gather [hbm4b:s4+s3], $0x80, v4, vm0, $0xb8;
	[tilespmem:$0x18100] =	vst v63  }
0x4a0: {  	s25 =	simm.s32 $0xD100  }
0x4a1: {  	[tilespmem:s25], [sflag:$0x2] =	stream.indirect_vreg.gather [hbm4b:s5+s3], $0x80, v4, vm0, $0xb8;
	[tilespmem:$0x18100] =	vst v63  }
0x4a2: {  	s28 =	simm.s32 $0xD900  }
0x4a3: {  	[tilespmem:s28], [sflag:$0x2] =	stream.indirect_vreg.gather [hbm4b:s1+s3], $0x80, v3, vm0, $0xb8;
	[tilespmem:$0x18100] =	vst v63  }
0x4a4: {  	s29 =	simm.s32 $0xE100  }
0x4a5: {  	[tilespmem:s29], [sflag:$0x2] =	stream.indirect_vreg.gather [hbm4b:s4+s3], $0x80, v3, vm0, $0xb8;
	[tilespmem:$0x18100] =	vst v63  }
0x4a6: {  	s30 =	simm.s32 $0xE900  }
0x4a7: {  	[tilespmem:s30], [sflag:$0x2] =	stream.indirect_vreg.gather [hbm4b:s5+s3], $0x80, v3, vm0, $0xb8;
	[tilespmem:$0x18100] =	vst v63  }
0x4a8: {  	v3 =	vld [tilespmem:$0x90];
	_ =	sdelay $0x4  }
0x4a9: {  	v53 =	vshrl.u32 v3, $0x3  }
0x4aa: {  	v4 =	vmul.u32 $0x30, v53  }
0x4ab: {  	v3 =	vand.u32 $0x7, v3  }
0x4ac: {  	v3 =	vor.u32 v3, v4  }
0x4ad: {  	v4 =	vperm.xlane v3, v0;
	_ =	sdelay $0x1  }
0x4ae: {  	v4 =	vadd.s32 v1, v4;
	_ =	sdelay $0x3  }
0x4af: {  	s31 =	simm.s32 $0xF100;
	v3 =	vperm.xlane v3, v2  }
0x4b0: {  	[tilespmem:s31], [sflag:$0x2] =	stream.indirect_vreg.gather [hbm4b:s1+s3], $0x80, v4, vm0, $0xb8;
	[tilespmem:$0x18100] =	vst v63  }
0x4b1: {  	s30 =	simm.s32 $0xF900;
	v3 =	vadd.s32 v1, v3  }
0x4b2: {  	[tilespmem:s30], [sflag:$0x2] =	stream.indirect_vreg.gather [hbm4b:s4+s3], $0x80, v4, vm0, $0xb8;
	[tilespmem:$0x18100] =	vst v63  }
0x4b3: {  	s31 =	simm.s32 $0x10100  }
0x4b4: {  	[tilespmem:s31], [sflag:$0x2] =	stream.indirect_vreg.gather [hbm4b:s5+s3], $0x80, v4, vm0, $0xb8;
	[tilespmem:$0x18100] =	vst v63  }
0x4b5: {  	s12 =	simm.s32 $0x10900  }
0x4b6: {  	[tilespmem:s12], [sflag:$0x2] =	stream.indirect_vreg.gather [hbm4b:s1+s3], $0x80, v3, vm0, $0xb8;
	[tilespmem:$0x18100] =	vst v63  }
0x4b7: {  	s12 =	simm.s32 $0x11100  }
0x4b8: {  	[tilespmem:s12], [sflag:$0x2] =	stream.indirect_vreg.gather [hbm4b:s4+s3], $0x80, v3, vm0, $0xb8;
	[tilespmem:$0x18100] =	vst v63  }
0x4b9: {  	s12 =	simm.s32 $0x11900  }
0x4ba: {  	[tilespmem:s12], [sflag:$0x2] =	stream.indirect_vreg.gather [hbm4b:s5+s3], $0x80, v3, vm0, $0xb8;
	[tilespmem:$0x18100] =	vst v63  }
0x4bb: {  	v3 =	vld [tilespmem:$0xA0];
	_ =	sdelay $0x4  }
0x4bc: {  	v54 =	vshrl.u32 v3, $0x3  }
0x4bd: {  	v4 =	vmul.u32 $0x30, v54  }
0x4be: {  	v3 =	vand.u32 $0x7, v3  }
0x4bf: {  	v3 =	vor.u32 v3, v4  }
0x4c0: {  	v4 =	vperm.xlane v3, v0;
	_ =	sdelay $0x1  }
0x4c1: {  	v4 =	vadd.s32 v1, v4;
	_ =	sdelay $0x3  }
0x4c2: {  	s12 =	simm.s32 $0x12100;
	v3 =	vperm.xlane v3, v2  }
0x4c3: {  	[tilespmem:s12], [sflag:$0x2] =	stream.indirect_vreg.gather [hbm4b:s1+s3], $0x80, v4, vm0, $0xb8;
	[tilespmem:$0x18100] =	vst v63  }
0x4c4: {  	v3 =	vadd.s32 v1, v3;
	s12 =	simm.s32 $0x12900  }
0x4c5: {  	[tilespmem:s12], [sflag:$0x2] =	stream.indirect_vreg.gather [hbm4b:s4+s3], $0x80, v4, vm0, $0xb8;
	[tilespmem:$0x18100] =	vst v63  }
0x4c6: {  	s12 =	simm.s32 $0x13100  }
0x4c7: {  	[tilespmem:s12], [sflag:$0x2] =	stream.indirect_vreg.gather [hbm4b:s5+s3], $0x80, v4, vm0, $0xb8;
	[tilespmem:$0x18100] =	vst v63  }
0x4c8: {  	s12 =	simm.s32 $0x13900  }
0x4c9: {  	[tilespmem:s12], [sflag:$0x2] =	stream.indirect_vreg.gather [hbm4b:s1+s3], $0x80, v3, vm0, $0xb8;
	[tilespmem:$0x18100] =	vst v63  }
0x4ca: {  	s12 =	simm.s32 $0x14100  }
0x4cb: {  	[tilespmem:s12], [sflag:$0x2] =	stream.indirect_vreg.gather [hbm4b:s4+s3], $0x80, v3, vm0, $0xb8;
	[tilespmem:$0x18100] =	vst v63  }
0x4cc: {  	s12 =	simm.s32 $0x14900  }
0x4cd: {  	[tilespmem:s12], [sflag:$0x2] =	stream.indirect_vreg.gather [hbm4b:s5+s3], $0x80, v3, vm0, $0xb8;
	[tilespmem:$0x18100] =	vst v63  }
0x4ce: {  	v3 =	vld [tilespmem:$0xB0];
	_ =	sdelay $0x4  }
0x4cf: {  	v55 =	vshrl.u32 v3, $0x3  }
0x4d0: {  	v4 =	vmul.u32 $0x30, v55  }
0x4d1: {  	v3 =	vand.u32 $0x7, v3  }
0x4d2: {  	v3 =	vor.u32 v3, v4  }
0x4d3: {  	v4 =	vperm.xlane v3, v0;
	_ =	sdelay $0x1  }
0x4d4: {  	v4 =	vadd.s32 v1, v4;
	_ =	sdelay $0x3  }
0x4d5: {  	s12 =	simm.s32 $0x15100;
	v3 =	vperm.xlane v3, v2  }
0x4d6: {  	[tilespmem:s12], [sflag:$0x2] =	stream.indirect_vreg.gather [hbm4b:s1+s3], $0x80, v4, vm0, $0xb8;
	[tilespmem:$0x18100] =	vst v63  }
0x4d7: {  	v3 =	vadd.s32 v1, v3;
	s12 =	simm.s32 $0x15900  }
0x4d8: {  	[tilespmem:s12], [sflag:$0x2] =	stream.indirect_vreg.gather [hbm4b:s4+s3], $0x80, v4, vm0, $0xb8;
	[tilespmem:$0x18100] =	vst v63  }
0x4d9: {  	s12 =	simm.s32 $0x16100  }
0x4da: {  	[tilespmem:s12], [sflag:$0x2] =	stream.indirect_vreg.gather [hbm4b:s5+s3], $0x80, v4, vm0, $0xb8;
	[tilespmem:$0x18100] =	vst v63  }
0x4db: {  	s12 =	simm.s32 $0x16900  }
0x4dc: {  	[tilespmem:s12], [sflag:$0x2] =	stream.indirect_vreg.gather [hbm4b:s1+s3], $0x80, v3, vm0, $0xb8;
	[tilespmem:$0x18100] =	vst v63  }
0x4dd: {  	s12 =	simm.s32 $0x17100  }
0x4de: {  	[tilespmem:s12], [sflag:$0x2] =	stream.indirect_vreg.gather [hbm4b:s4+s3], $0x80, v3, vm0, $0xb8;
	[tilespmem:$0x18100] =	vst v63  }
0x4df: {  	s12 =	simm.s32 $0x17900  }
0x4e0: {  	[tilespmem:s12], [sflag:$0x2] =	stream.indirect_vreg.gather [hbm4b:s5+s3], $0x80, v3, vm0, $0xb8;
	[tilespmem:$0x18100] =	vst v63  }
0x4e1: {  	_ =	swait.ge [sflag:s10], $0xC000  }
0x4e2: {  	[sflag:s10] =	ssyncset.done $0x0  }
0x4e3: {  	s12 =	rddreg [dreg:$0x1e];
	[sflag:s10] =	ssyncadd.s32 $0xFFFF4000  }
0x4e4: {  	[hbm4b:s12+s3] =	stream.linear.scatter [tilespmem:s15], [sflag:$0x3], $0xC000, $0x38;
	[tilespmem:$0x18100] =	vst v63  }
0x4e5: {  	_ =	swait.ge [sflag:s7], $0xC000  }
0x4e6: {  	[sflag:s7] =	ssyncset.done $0x0  }
0x4e7: {  	s12 =	rddreg [dreg:$0x1f];
	[sflag:s7] =	ssyncadd.s32 $0xFFFF4000  }
0x4e8: {  	[tilespmem:s3], [sflag:$0x3] =	stream.linear.gather [hbm4b:s12+s3], $0x40, $0x38;
	[tilespmem:$0x18100] =	vst v63  }
0x4e9: {  	_ =	swait.ge [sflag:s7], $0x40  }
0x4ea: {  	[sflag:s7] =	ssyncset.done $0x0  }
0x4eb: {  	[sflag:s7] =	ssyncadd.s32 $0xFFFFFFC0  }
0x4ec: {  	v3 =	vld [tilespmem:$0x0];
	_ =	sdelay $0x4  }
0x4ed: {  	v56 =	vshrl.u32 v3, $0x3  }
0x4ee: {  	v4 =	vmul.u32 $0x30, v56  }
0x4ef: {  	v3 =	vand.u32 $0x7, v3  }
0x4f0: {  	v3 =	vor.u32 v3, v4  }
0x4f1: {  	v4 =	vperm.xlane v3, v0;
	_ =	sdelay $0x1  }
0x4f2: {  	v4 =	vadd.s32 v1, v4;
	_ =	sdelay $0x3  }
0x4f3: {  	v3 =	vperm.xlane v3, v2  }
0x4f4: {  	[tilespmem:s15], [sflag:$0x1] =	stream.indirect_vreg.gather [hbm4b:s1+s3], $0x80, v4, vm0, $0xb8;
	[tilespmem:$0x18100] =	vst v63  }
0x4f5: {  	s12 =	simm.s32 $0x900;
	v3 =	vadd.s32 v1, v3  }
0x4f6: {  	[tilespmem:s12], [sflag:$0x1] =	stream.indirect_vreg.gather [hbm4b:s4+s3], $0x80, v4, vm0, $0xb8;
	[tilespmem:$0x18100] =	vst v63  }
0x4f7: {  	s0 =	simm.s32 $0x1100  }
0x4f8: {  	[tilespmem:s0], [sflag:$0x1] =	stream.indirect_vreg.gather [hbm4b:s5+s3], $0x80, v4, vm0, $0xb8;
	[tilespmem:$0x18100] =	vst v63  }
0x4f9: {  	s2 =	simm.s32 $0x1900  }
0x4fa: {  	[tilespmem:s2], [sflag:$0x1] =	stream.indirect_vreg.gather [hbm4b:s1+s3], $0x80, v3, vm0, $0xb8;
	[tilespmem:$0x18100] =	vst v63  }
0x4fb: {  	s6 =	simm.s32 $0x2100  }
0x4fc: {  	[tilespmem:s6], [sflag:$0x1] =	stream.indirect_vreg.gather [hbm4b:s4+s3], $0x80, v3, vm0, $0xb8;
	[tilespmem:$0x18100] =	vst v63  }
0x4fd: {  	s6 =	simm.s32 $0x2900  }
0x4fe: {  	[tilespmem:s6], [sflag:$0x1] =	stream.indirect_vreg.gather [hbm4b:s5+s3], $0x80, v3, vm0, $0xb8;
	[tilespmem:$0x18100] =	vst v63  }
0x4ff: {  	v3 =	vld [tilespmem:$0x10];
	_ =	sdelay $0x4  }
0x500: {  	v57 =	vshrl.u32 v3, $0x3  }
0x501: {  	v4 =	vmul.u32 $0x30, v57  }
0x502: {  	v3 =	vand.u32 $0x7, v3  }
0x503: {  	v3 =	vor.u32 v3, v4  }
0x504: {  	v4 =	vperm.xlane v3, v0;
	_ =	sdelay $0x1  }
0x505: {  	v4 =	vadd.s32 v1, v4;
	_ =	sdelay $0x3  }
0x506: {  	s12 =	simm.s32 $0x3100;
	v3 =	vperm.xlane v3, v2  }
0x507: {  	[tilespmem:s12], [sflag:$0x1] =	stream.indirect_vreg.gather [hbm4b:s1+s3], $0x80, v4, vm0, $0xb8;
	[tilespmem:$0x18100] =	vst v63  }
0x508: {  	s8 =	simm.s32 $0x3900;
	v3 =	vadd.s32 v1, v3  }
0x509: {  	[tilespmem:s8], [sflag:$0x1] =	stream.indirect_vreg.gather [hbm4b:s4+s3], $0x80, v4, vm0, $0xb8;
	[tilespmem:$0x18100] =	vst v63  }
0x50a: {  	s13 =	simm.s32 $0x4100  }
0x50b: {  	[tilespmem:s13], [sflag:$0x1] =	stream.indirect_vreg.gather [hbm4b:s5+s3], $0x80, v4, vm0, $0xb8;
	[tilespmem:$0x18100] =	vst v63  }
0x50c: {  	s14 =	simm.s32 $0x4900  }
0x50d: {  	[tilespmem:s14], [sflag:$0x1] =	stream.indirect_vreg.gather [hbm4b:s1+s3], $0x80, v3, vm0, $0xb8;
	[tilespmem:$0x18100] =	vst v63  }
0x50e: {  	s16 =	simm.s32 $0x5100  }
0x50f: {  	[tilespmem:s16], [sflag:$0x1] =	stream.indirect_vreg.gather [hbm4b:s4+s3], $0x80, v3, vm0, $0xb8;
	[tilespmem:$0x18100] =	vst v63  }
0x510: {  	s14 =	simm.s32 $0x5900  }
0x511: {  	[tilespmem:s14], [sflag:$0x1] =	stream.indirect_vreg.gather [hbm4b:s5+s3], $0x80, v3, vm0, $0xb8;
	[tilespmem:$0x18100] =	vst v63  }
0x512: {  	v3 =	vld [tilespmem:$0x20];
	_ =	sdelay $0x4  }
0x513: {  	v58 =	vshrl.u32 v3, $0x3  }
0x514: {  	v4 =	vmul.u32 $0x30, v58  }
0x515: {  	v3 =	vand.u32 $0x7, v3  }
0x516: {  	v3 =	vor.u32 v3, v4  }
0x517: {  	v4 =	vperm.xlane v3, v0;
	_ =	sdelay $0x1  }
0x518: {  	v4 =	vadd.s32 v1, v4;
	_ =	sdelay $0x3  }
0x519: {  	s16 =	simm.s32 $0x6100;
	v3 =	vperm.xlane v3, v2  }
0x51a: {  	[tilespmem:s16], [sflag:$0x1] =	stream.indirect_vreg.gather [hbm4b:s1+s3], $0x80, v4, vm0, $0xb8;
	[tilespmem:$0x18100] =	vst v63  }
0x51b: {  	s17 =	simm.s32 $0x6900;
	v3 =	vadd.s32 v1, v3  }
0x51c: {  	[tilespmem:s17], [sflag:$0x1] =	stream.indirect_vreg.gather [hbm4b:s4+s3], $0x80, v4, vm0, $0xb8;
	[tilespmem:$0x18100] =	vst v63  }
0x51d: {  	s18 =	simm.s32 $0x7100  }
0x51e: {  	[tilespmem:s18], [sflag:$0x1] =	stream.indirect_vreg.gather [hbm4b:s5+s3], $0x80, v4, vm0, $0xb8;
	[tilespmem:$0x18100] =	vst v63  }
0x51f: {  	s19 =	simm.s32 $0x7900  }
0x520: {  	[tilespmem:s19], [sflag:$0x1] =	stream.indirect_vreg.gather [hbm4b:s1+s3], $0x80, v3, vm0, $0xb8;
	[tilespmem:$0x18100] =	vst v63  }
0x521: {  	s20 =	simm.s32 $0x8100  }
0x522: {  	[tilespmem:s20], [sflag:$0x1] =	stream.indirect_vreg.gather [hbm4b:s4+s3], $0x80, v3, vm0, $0xb8;
	[tilespmem:$0x18100] =	vst v63  }
0x523: {  	s19 =	simm.s32 $0x8900  }
0x524: {  	[tilespmem:s19], [sflag:$0x1] =	stream.indirect_vreg.gather [hbm4b:s5+s3], $0x80, v3, vm0, $0xb8;
	[tilespmem:$0x18100] =	vst v63  }
0x525: {  	v3 =	vld [tilespmem:$0x30];
	_ =	sdelay $0x4  }
0x526: {  	v59 =	vshrl.u32 v3, $0x3  }
0x527: {  	v4 =	vmul.u32 $0x30, v59  }
0x528: {  	v3 =	vand.u32 $0x7, v3  }
0x529: {  	v3 =	vor.u32 v3, v4  }
0x52a: {  	v4 =	vperm.xlane v3, v0;
	_ =	sdelay $0x1  }
0x52b: {  	v4 =	vadd.s32 v1, v4;
	_ =	sdelay $0x3  }
0x52c: {  	s20 =	simm.s32 $0x9100;
	v3 =	vperm.xlane v3, v2  }
0x52d: {  	[tilespmem:s20], [sflag:$0x1] =	stream.indirect_vreg.gather [hbm4b:s1+s3], $0x80, v4, vm0, $0xb8;
	[tilespmem:$0x18100] =	vst v63  }
0x52e: {  	s21 =	simm.s32 $0x9900;
	v3 =	vadd.s32 v1, v3  }
0x52f: {  	[tilespmem:s21], [sflag:$0x1] =	stream.indirect_vreg.gather [hbm4b:s4+s3], $0x80, v4, vm0, $0xb8;
	[tilespmem:$0x18100] =	vst v63  }
0x530: {  	s23 =	simm.s32 $0xA100  }
0x531: {  	[tilespmem:s23], [sflag:$0x1] =	stream.indirect_vreg.gather [hbm4b:s5+s3], $0x80, v4, vm0, $0xb8;
	[tilespmem:$0x18100] =	vst v63  }
0x532: {  	s23 =	simm.s32 $0xA900  }
0x533: {  	[tilespmem:s23], [sflag:$0x1] =	stream.indirect_vreg.gather [hbm4b:s1+s3], $0x80, v3, vm0, $0xb8;
	[tilespmem:$0x18100] =	vst v63  }
0x534: {  	s24 =	simm.s32 $0xB100  }
0x535: {  	[tilespmem:s24], [sflag:$0x1] =	stream.indirect_vreg.gather [hbm4b:s4+s3], $0x80, v3, vm0, $0xb8;
	[tilespmem:$0x18100] =	vst v63  }
0x536: {  	s26 =	simm.s32 $0xB900  }
0x537: {  	[tilespmem:s26], [sflag:$0x1] =	stream.indirect_vreg.gather [hbm4b:s5+s3], $0x80, v3, vm0, $0xb8;
	[tilespmem:$0x18100] =	vst v63  }
0x538: {  	_ =	swait.ge [sflag:s11], $0xC000  }
0x539: {  	s26 =	sld [smem:$0x7FA]  }
0x53a: {  	[sflag:s11] =	ssyncset.done $0x0  }
0x53b: {  	[sflag:s11] =	ssyncadd.s32 $0xFFFF4000  }
0x53c: {  	[hbm4b:s26+s3] =	stream.linear.scatter [tilespmem:s9], [sflag:$0x3], $0xC000, $0x38;
	[tilespmem:$0x18100] =	vst v63  }
0x53d: {  	_ =	swait.ge [sflag:s7], $0xC000  }
0x53e: {  	s0 =	sld [smem:$0x7FB]  }
0x53f: {  	[sflag:s7] =	ssyncset.done $0x0  }
0x540: {  	s22 =	simm.s32 $0x80;
	[sflag:s7] =	ssyncadd.s32 $0xFFFF4000  }
0x541: {  	[tilespmem:s22], [sflag:$0x3] =	stream.linear.gather [hbm4b:s0+s3], $0x40, $0x38;
	[tilespmem:$0x18100] =	vst v63  }
0x542: {  	_ =	swait.ge [sflag:s7], $0x40  }
0x543: {  	[sflag:s7] =	ssyncset.done $0x0  }
0x544: {  	[sflag:s7] =	ssyncadd.s32 $0xFFFFFFC0  }
0x545: {  	v3 =	vld [tilespmem:$0x80];
	_ =	sdelay $0x4  }
0x546: {  	v60 =	vshrl.u32 v3, $0x3  }
0x547: {  	v4 =	vmul.u32 $0x30, v60  }
0x548: {  	v3 =	vand.u32 $0x7, v3  }
0x549: {  	v3 =	vor.u32 v3, v4  }
0x54a: {  	v4 =	vperm.xlane v3, v0;
	_ =	sdelay $0x1  }
0x54b: {  	v4 =	vadd.s32 v1, v4;
	_ =	sdelay $0x3  }
0x54c: {  	v3 =	vperm.xlane v3, v2  }
0x54d: {  	[tilespmem:s9], [sflag:$0x2] =	stream.indirect_vreg.gather [hbm4b:s1+s3], $0x80, v4, vm0, $0xb8;
	[tilespmem:$0x18100] =	vst v63  }
0x54e: {  	s2 =	simm.s32 $0xC900;
	v3 =	vadd.s32 v1, v3  }
0x54f: {  	[tilespmem:s2], [sflag:$0x2] =	stream.indirect_vreg.gather [hbm4b:s4+s3], $0x80, v4, vm0, $0xb8;
	[tilespmem:$0x18100] =	vst v63  }
0x550: {  	s25 =	simm.s32 $0xD100  }
0x551: {  	[tilespmem:s25], [sflag:$0x2] =	stream.indirect_vreg.gather [hbm4b:s5+s3], $0x80, v4, vm0, $0xb8;
	[tilespmem:$0x18100] =	vst v63  }
0x552: {  	s28 =	simm.s32 $0xD900  }
0x553: {  	[tilespmem:s28], [sflag:$0x2] =	stream.indirect_vreg.gather [hbm4b:s1+s3], $0x80, v3, vm0, $0xb8;
	[tilespmem:$0x18100] =	vst v63  }
0x554: {  	s29 =	simm.s32 $0xE100  }
0x555: {  	[tilespmem:s29], [sflag:$0x2] =	stream.indirect_vreg.gather [hbm4b:s4+s3], $0x80, v3, vm0, $0xb8;
	[tilespmem:$0x18100] =	vst v63  }
0x556: {  	s8 =	simm.s32 $0xE900  }
0x557: {  	[tilespmem:s8], [sflag:$0x2] =	stream.indirect_vreg.gather [hbm4b:s5+s3], $0x80, v3, vm0, $0xb8;
	[tilespmem:$0x18100] =	vst v63  }
0x558: {  	v3 =	vld [tilespmem:$0x90];
	_ =	sdelay $0x4  }
0x559: {  	v61 =	vshrl.u32 v3, $0x3  }
0x55a: {  	v4 =	vmul.u32 $0x30, v61  }
0x55b: {  	v3 =	vand.u32 $0x7, v3  }
0x55c: {  	v3 =	vor.u32 v3, v4  }
0x55d: {  	v4 =	vperm.xlane v3, v0;
	_ =	sdelay $0x1  }
0x55e: {  	v4 =	vadd.s32 v1, v4;
	_ =	sdelay $0x3  }
0x55f: {  	s12 =	simm.s32 $0xF100;
	v3 =	vperm.xlane v3, v2  }
0x560: {  	[tilespmem:s12], [sflag:$0x2] =	stream.indirect_vreg.gather [hbm4b:s1+s3], $0x80, v4, vm0, $0xb8;
	[tilespmem:$0x18100] =	vst v63  }
0x561: {  	s30 =	simm.s32 $0xF900;
	v3 =	vadd.s32 v1, v3  }
0x562: {  	[tilespmem:s30], [sflag:$0x2] =	stream.indirect_vreg.gather [hbm4b:s4+s3], $0x80, v4, vm0, $0xb8;
	[tilespmem:$0x18100] =	vst v63  }
0x563: {  	s31 =	simm.s32 $0x10100  }
0x564: {  	[tilespmem:s31], [sflag:$0x2] =	stream.indirect_vreg.gather [hbm4b:s5+s3], $0x80, v4, vm0, $0xb8;
	[tilespmem:$0x18100] =	vst v63  }
0x565: {  	s13 =	simm.s32 $0x10900  }
0x566: {  	[tilespmem:s13], [sflag:$0x2] =	stream.indirect_vreg.gather [hbm4b:s1+s3], $0x80, v3, vm0, $0xb8;
	[tilespmem:$0x18100] =	vst v63  }
0x567: {  	s14 =	simm.s32 $0x11100  }
0x568: {  	[tilespmem:s14], [sflag:$0x2] =	stream.indirect_vreg.gather [hbm4b:s4+s3], $0x80, v3, vm0, $0xb8;
	[tilespmem:$0x18100] =	vst v63  }
0x569: {  	s16 =	simm.s32 $0x11900  }
0x56a: {  	[tilespmem:s16], [sflag:$0x2] =	stream.indirect_vreg.gather [hbm4b:s5+s3], $0x80, v3, vm0, $0xb8;
	[tilespmem:$0x18100] =	vst v63  }
0x56b: {  	v3 =	vld [tilespmem:$0xA0];
	_ =	sdelay $0x4  }
0x56c: {  	v62 =	vshrl.u32 v3, $0x3  }
0x56d: {  	v4 =	vmul.u32 $0x30, v62  }
0x56e: {  	v3 =	vand.u32 $0x7, v3  }
0x56f: {  	v3 =	vor.u32 v3, v4  }
0x570: {  	v4 =	vperm.xlane v3, v0;
	_ =	sdelay $0x1  }
0x571: {  	v4 =	vadd.s32 v1, v4;
	_ =	sdelay $0x3  }
0x572: {  	s17 =	simm.s32 $0x12100;
	v3 =	vperm.xlane v3, v2  }
0x573: {  	[tilespmem:s17], [sflag:$0x2] =	stream.indirect_vreg.gather [hbm4b:s1+s3], $0x80, v4, vm0, $0xb8;
	[tilespmem:$0x18100] =	vst v63  }
0x574: {  	s18 =	simm.s32 $0x12900;
	v3 =	vadd.s32 v1, v3  }
0x575: {  	[tilespmem:s18], [sflag:$0x2] =	stream.indirect_vreg.gather [hbm4b:s4+s3], $0x80, v4, vm0, $0xb8;
	[tilespmem:$0x18100] =	vst v63  }
0x576: {  	s19 =	simm.s32 $0x13100  }
0x577: {  	[tilespmem:s19], [sflag:$0x2] =	stream.indirect_vreg.gather [hbm4b:s5+s3], $0x80, v4, vm0, $0xb8;
	[tilespmem:$0x18100] =	vst v63  }
0x578: {  	s20 =	simm.s32 $0x13900  }
0x579: {  	[tilespmem:s20], [sflag:$0x2] =	stream.indirect_vreg.gather [hbm4b:s1+s3], $0x80, v3, vm0, $0xb8;
	[tilespmem:$0x18100] =	vst v63  }
0x57a: {  	s21 =	simm.s32 $0x14100  }
0x57b: {  	[tilespmem:s21], [sflag:$0x2] =	stream.indirect_vreg.gather [hbm4b:s4+s3], $0x80, v3, vm0, $0xb8;
	[tilespmem:$0x18100] =	vst v63  }
0x57c: {  	s22 =	simm.s32 $0x14900  }
0x57d: {  	[tilespmem:s22], [sflag:$0x2] =	stream.indirect_vreg.gather [hbm4b:s5+s3], $0x80, v3, vm0, $0xb8;
	[tilespmem:$0x18100] =	vst v63  }
0x57e: {  	v3 =	vld [tilespmem:$0xB0];
	_ =	sdelay $0x4  }
0x57f: {  	v63 =	vshrl.u32 v3, $0x3  }
0x580: {  	v4 =	vmul.u32 $0x30, v63  }
0x581: {  	v3 =	vand.u32 $0x7, v3  }
0x582: {  	v3 =	vor.u32 v3, v4  }
0x583: {  	v4 =	vperm.xlane v3, v0;
	_ =	sdelay $0x1  }
0x584: {  	v4 =	vadd.s32 v1, v4;
	_ =	sdelay $0x3  }
0x585: {  	s23 =	simm.s32 $0x15100;
	v3 =	vperm.xlane v3, v2  }
0x586: {  	[tilespmem:s23], [sflag:$0x2] =	stream.indirect_vreg.gather [hbm4b:s1+s3], $0x80, v4, vm0, $0xb8;
	[tilespmem:$0x18100] =	vst v63  }
0x587: {  	s24 =	simm.s32 $0x15900;
	v3 =	vadd.s32 v1, v3  }
0x588: {  	[tilespmem:s24], [sflag:$0x2] =	stream.indirect_vreg.gather [hbm4b:s4+s3], $0x80, v4, vm0, $0xb8;
	[tilespmem:$0x18100] =	vst v63  }
0x589: {  	s25 =	simm.s32 $0x16100  }
0x58a: {  	[tilespmem:s25], [sflag:$0x2] =	stream.indirect_vreg.gather [hbm4b:s5+s3], $0x80, v4, vm0, $0xb8;
	[tilespmem:$0x18100] =	vst v63  }
0x58b: {  	s26 =	simm.s32 $0x16900  }
0x58c: {  	[tilespmem:s26], [sflag:$0x2] =	stream.indirect_vreg.gather [hbm4b:s1+s3], $0x80, v3, vm0, $0xb8;
	[tilespmem:$0x18100] =	vst v63  }
0x58d: {  	s28 =	simm.s32 $0x17100  }
0x58e: {  	[tilespmem:s28], [sflag:$0x2] =	stream.indirect_vreg.gather [hbm4b:s4+s3], $0x80, v3, vm0, $0xb8;
	[tilespmem:$0x18100] =	vst v63  }
0x58f: {  	s29 =	simm.s32 $0x17900  }
0x590: {  	[tilespmem:s29], [sflag:$0x2] =	stream.indirect_vreg.gather [hbm4b:s5+s3], $0x80, v3, vm0, $0xb8;
	[tilespmem:$0x18100] =	vst v63  }
0x591: {  	s6 =	sld [smem:$0x7F9];
	_ =	swait.ge [sflag:s10], $0xC000  }
0x592: {  	s30 =	sld [smem:$0x7FC]  }
0x593: {  	[sflag:s10] =	ssyncset.done $0x0  }
0x594: {  	[sflag:s10] =	ssyncadd.s32 $0xFFFF4000  }
0x595: {  	[hbm4b:s30+s3] =	stream.linear.scatter [tilespmem:s15], [sflag:$0x3], $0xC000, $0x38;
	[tilespmem:$0x18100] =	vst v63  }
0x596: {  	_ =	swait.ge [sflag:s7], $0xC000  }
0x597: {  	[sflag:s7] =	ssyncset.done $0x0  }
0x598: {  	[sflag:s7] =	ssyncadd.s32 $0xFFFF4000  }
0x599: {  	_ =	swait.ge [sflag:s11], $0xC000  }
0x59a: {  	s31 =	sld [smem:$0x7FD]  }
0x59b: {  	p0 =	sne.s32 s6, $0x1;
	[sflag:s11] =	ssyncset.done $0x0  }
.Ltmp0:
0x59c: {  	[sflag:s11] =	ssyncadd.s32 $0xFFFF4000;
	(pc) =	sbr.rel @p0 .LBB2_1-.Ltmp0, $4  }
0x59d: {  	[hbm4b:s31+s3] =	stream.linear.scatter [tilespmem:s9], [sflag:$0x3], $0xC000, $0x38;
	[tilespmem:$0x18100] =	vst v63  }
0x59e: {  	_ =	swait.ge [sflag:s7], $0xC000  }
0x59f: {  	[sflag:s7] =	ssyncset.done $0x0  }
0x5a0: {  	s0 =	sadd.s32 $0xFFFFFFFF, s6;
	[sflag:s7] =	ssyncadd.s32 $0xFFFF4000  }
0x5a1: {  	_ =	sfence.sel $0x180000  }
0x5a2: {  	[bflag:$0x0] =	sbarrier.arrive $0xFFFF  }
0x5a3: {  	_ =	strace $0x90000047  }
0x5a4: {  	s0 =	stileid.u32;
	[bflag:$0x2] =	sbarrier.arrive $0xFFFF  }
0x5a5: {  	p0 =	sne.s32 s0, $0x0;
	s0 =	rddreg [dreg:$0x3]  }
0x5a6: {  	s0 =	sadd.s32 @!p0 $0x100000, s0  }
0x5a7: {  	[sflag:s0] =	ssyncadd.tile.s32 @!p0 $0x1;
	_ =	shalt  }
.Lfunc_end2:
_tile_overlayer_lowered:
.L_overlay_start_2:
0x5a8: {  	(tag) =	ssettag $0x2  }
0x5a9: {  	s0 =	rddreg [dreg:$0x0];
	s2 =	stileid.u32  }
0x5aa: {  	s1 =	rddreg [dreg:$0x1];
	p0 =	sne.s32 s2, $0x0  }
0x5ab: {  	s3 =	rddreg [dreg:$0x2];
	[bflag:$0x3] =	sbarrier.arrive $0xFFFF;
	s2 =	simm.s32 @!p0 $0x1C03  }
0x5ac: {  	[timem:s3], [sflag:s2] =	dma.local @!p0 [hbm:s0], s1  }
0x5ad: {  	s0 =	simm.s32 @!p0 $0x3  }
0x5ae: {  	_ =	swait.ge @!p0 [sflag:s0], s1  }
0x5af: {  	s1 =	ssub.s32 @!p0 $0x0, s1;
	[sflag:s0] =	ssyncset.done @!p0 $0x0  }
0x5b0: {  	[sflag:s0] =	ssyncadd.s32 @!p0 s1  }
0x5b1: {  	[bflag:$0x3] =	sbarrier.arrive $0xFFFF  }
0x5b2: {  	_ =	shalt  }

</sc_bundles>
